<compile_context>
chip_gen: v7x
topology: tpu7x:2x2x1
jax: 0.10.2.dev20260603
libtpu: 0.0.44.dev20260713+nightly
codegen_flags: <defaults>
</compile_context>

<pallas_src>
import functools

import jax
import jax.numpy as jnp
from jax import lax
from jax.experimental import pallas as pl
from jax.experimental.pallas import tpu as pltpu
from jax.experimental.pallas import tpu_sc as plsc

BATCH = 16384
CAT_DIM = 256
USER_DIM = 512
NC = 2
NS = 16
NW = NC * NS
ROWS_PER_W = BATCH // NW
CHUNK = 32
NCHUNK = ROWS_PER_W // CHUNK
L = 16
KT = CAT_DIM // L
NGRP = CHUNK // L
HG = 8


def _body(cat_ids, user_ids, lat, lon, wd, bd, emb_cat, emb_user,
          out,
          idxc, idxu, lat_v, lon_v, out_v,
          cat0, cat1, usr0, usr1, w_v, b_v,
          semc0, semc1, semu0, semu1, sem_st):
    wid = lax.axis_index("s") * NC + lax.axis_index("c")
    base = wid * ROWS_PER_W
    stage = [
        pltpu.make_async_copy(wd, w_v, sem_st),
        pltpu.make_async_copy(bd, b_v, sem_st),
        pltpu.make_async_copy(cat_ids.at[pl.ds(base, ROWS_PER_W)], idxc, sem_st),
        pltpu.make_async_copy(user_ids.at[pl.ds(base, ROWS_PER_W)], idxu, sem_st),
        pltpu.make_async_copy(lat.at[pl.ds(base, ROWS_PER_W)], lat_v, sem_st),
        pltpu.make_async_copy(lon.at[pl.ds(base, ROWS_PER_W)], lon_v, sem_st),
    ]
    for cp in stage:
        cp.start()
    for cp in stage:
        cp.wait()
    lanes = lax.iota(jnp.int32, L)

    catb = [cat0, cat1]
    usrb = [usr0, usr1]
    semc = [semc0, semc1]
    semu = [semu0, semu1]

    def issue(c, b):
        pltpu.async_copy(emb_cat.at[idxc.at[pl.ds(c * CHUNK, CHUNK)]],
                         catb[b], semc[b])
        pltpu.async_copy(emb_user.at[idxu.at[pl.ds(c * CHUNK, CHUNK)]],
                         usrb[b], semu[b])

    def wait(c, b):
        pltpu.make_async_copy(emb_cat.at[idxc.at[pl.ds(c * CHUNK, CHUNK)]],
                              catb[b], semc[b]).wait()
        pltpu.make_async_copy(emb_user.at[idxu.at[pl.ds(c * CHUNK, CHUNK)]],
                              usrb[b], semu[b]).wait()

    def compute(c, b):
        cr = catb[b]
        ur = usrb[b]

        def gbody(g, _g):
            vbase = g * L
            obase = c * CHUNK + vbase
            lat16 = lat_v[pl.ds(obase, L)]
            lon16 = lon_v[pl.ds(obase, L)]
            z = jnp.zeros((L,), jnp.float32)
            res = z
            for h in range(2):
                hoff = h * HG

                def kbody(k, accs):
                    kf = k * L
                    w0v = w_v[0, pl.ds(kf, L)]
                    w1v = w_v[1, pl.ds(kf, L)]
                    bv = b_v[pl.ds(kf, L)]
                    acc, s0, s1 = accs
                    acc, s0, s1 = list(acc), list(s0), list(s1)
                    for r in range(HG):
                        catv = cr[vbase + hoff + r, pl.ds(kf, L)]
                        u1v = ur[vbase + hoff + r, pl.ds(kf, L)]
                        u2v = ur[vbase + hoff + r, pl.ds(kf + CAT_DIM, L)]
                        acc[r] = acc[r] + catv * u1v + bv * u2v
                        s0[r] = s0[r] + w0v * u2v
                        s1[r] = s1[r] + w1v * u2v
                    return tuple(acc), tuple(s0), tuple(s1)

                init = ((z,) * HG,) * 3
                acc, s0, s1 = lax.fori_loop(0, KT, kbody, init)
                for r in range(HG):
                    t = acc[r] + lat16[hoff + r] * s0[r] + lon16[hoff + r] * s1[r]
                    res = jnp.where(lanes == hoff + r, jnp.sum(t), res)
            out_v[pl.ds(obase, L)] = res
            return _g

        lax.fori_loop(0, NGRP, gbody, 0)

    issue(0, 0)

    def tbody(t, _t):
        c0 = 2 * t
        issue(c0 + 1, 1)
        wait(c0, 0)
        compute(c0, 0)

        @pl.when(t < NCHUNK // 2 - 1)
        def _prefetch():
            issue(c0 + 2, 0)

        wait(c0 + 1, 1)
        compute(c0 + 1, 1)
        return _t

    lax.fori_loop(0, NCHUNK // 2, tbody, 0)
    pltpu.sync_copy(out_v, out.at[pl.ds(base, ROWS_PER_W)])


def kernel(category_ids, poi_lat, poi_lon, user_ids, W_dense, b_dense, emb_cat, emb_user):
    cat_ids = category_ids.reshape(BATCH).astype(jnp.int32)
    uids = user_ids.reshape(BATCH).astype(jnp.int32)
    lat = poi_lat.reshape(BATCH)
    lon = poi_lon.reshape(BATCH)
    mesh = plsc.VectorSubcoreMesh(core_axis_name="c", subcore_axis_name="s")
    f = pl.kernel(
        _body,
        out_type=jax.ShapeDtypeStruct((BATCH,), jnp.float32),
        mesh=mesh,
        compiler_params=pltpu.CompilerParams(needs_layout_passes=False),
        scratch_types=[
            pltpu.VMEM((ROWS_PER_W,), jnp.int32),
            pltpu.VMEM((ROWS_PER_W,), jnp.int32),
            pltpu.VMEM((ROWS_PER_W,), jnp.float32),
            pltpu.VMEM((ROWS_PER_W,), jnp.float32),
            pltpu.VMEM((ROWS_PER_W,), jnp.float32),
            pltpu.VMEM((CHUNK, CAT_DIM), jnp.float32),
            pltpu.VMEM((CHUNK, CAT_DIM), jnp.float32),
            pltpu.VMEM((CHUNK, USER_DIM), jnp.float32),
            pltpu.VMEM((CHUNK, USER_DIM), jnp.float32),
            pltpu.VMEM((2, CAT_DIM), jnp.float32),
            pltpu.VMEM((CAT_DIM,), jnp.float32),
            pltpu.SemaphoreType.DMA,
            pltpu.SemaphoreType.DMA,
            pltpu.SemaphoreType.DMA,
            pltpu.SemaphoreType.DMA,
            pltpu.SemaphoreType.DMA,
        ],
    )
    dot = f(cat_ids, uids, lat, lon, W_dense, b_dense, emb_cat, emb_user)
    return dot.reshape(BATCH, 1, 1)

# --- scband reference (transcript-rebuilt; emitter-appended) ---
"""Pipeline reference for scband-emb-model-4561255268486 (READ-ONLY COPY).

The authoritative reference and input builder live on the scoring server;
editing this copy changes nothing except your own understanding.
"""

import jax, jax.numpy as jnp
import numpy as np

BATCH = 16384
USER_VOCAB = 100000
CAT_VOCAB = 100000
CAT_DIM = 256
USER_DIM = 512
DENSE_DIM = 256


def setup_inputs(seed: int = 0) -> dict:
    key = jax.random.key(seed)
    k1, k2, k3, k4, k5, k6, k7, k8 = jax.random.split(key, 8)
    category_ids = jax.random.randint(k1, (BATCH, 1), 0, CAT_VOCAB, dtype=jnp.int64 if jax.config.jax_enable_x64 else jnp.int32)
    user_ids = jax.random.randint(k2, (BATCH, 1), 0, USER_VOCAB, dtype=jnp.int64 if jax.config.jax_enable_x64 else jnp.int32)
    poi_lat = jax.random.normal(k3, (BATCH, 1), dtype=jnp.float32)
    poi_lon = jax.random.normal(k4, (BATCH, 1), dtype=jnp.float32)
    # learned parameters
    W_dense = jax.random.normal(k5, (2, DENSE_DIM), dtype=jnp.float32) * 0.05
    b_dense = jnp.zeros((DENSE_DIM,), dtype=jnp.float32)
    emb_cat = jax.random.normal(k6, (CAT_VOCAB, CAT_DIM), dtype=jnp.float32) * 0.05
    emb_user = jax.random.normal(k7, (USER_VOCAB, USER_DIM), dtype=jnp.float32) * 0.05
    return {
        'category_ids': category_ids,
        'poi_lat': poi_lat,
        'poi_lon': poi_lon,
        'user_ids': user_ids,
        'W_dense': W_dense,
        'b_dense': b_dense,
        'emb_cat': emb_cat,
        'emb_user': emb_user,
    }


def reference(category_ids, poi_lat, poi_lon, user_ids, W_dense, b_dense, emb_cat, emb_user):
    # poi branch: concat(lat, lon) -> Dense(256) -> reshape (B, 1, 256)
    poi_concat = jnp.concatenate([poi_lat, poi_lon], axis=-1)          # (B, 2)
    poi_dense = poi_concat @ W_dense + b_dense                          # (B, 256)
    poi_reshape = poi_dense.reshape(-1, 1, DENSE_DIM)                   # (B, 1, 256)
    # category embedding: Embedding(cat_vocab, 256) on (B, 1) -> (B, 1, 256)
    category_emb = jnp.take(emb_cat, category_ids, axis=0)              # (B, 1, 256)
    # concat along last axis -> (B, 1, 512)
    category_concat = jnp.concatenate([category_emb, poi_reshape], axis=-1)
    # user embedding: (B, 1, 512)
    user_emb = jnp.take(emb_user, user_ids, axis=0)
    # keras Dot(axes=2): contract over axis 2 -> (B, 1, 1)
    dot = jnp.einsum('bij,bkj->bik', category_concat, user_emb)
    return dot

if __name__ == "__main__":
    import jax
    _d = setup_inputs()
    print(jax.jit(kernel)(*tuple(_d.values())))

</pallas_src>

<mosaic_0001>
#map = affine_map<(d0, d1) -> (0)>
#map1 = affine_map<(d0, d1) -> (0, 0)>
module attributes {stable_mosaic.version = 14 : i64} {
  func.func @_body(%arg0: i32, %arg1: i32, %arg2: memref<16384xi32, #tpu.memory_space<hbm>>, %arg3: memref<16384xi32, #tpu.memory_space<hbm>>, %arg4: memref<16384xf32, #tpu.memory_space<hbm>>, %arg5: memref<16384xf32, #tpu.memory_space<hbm>>, %arg6: memref<2x256xf32, #tpu.memory_space<hbm>>, %arg7: memref<256xf32, #tpu.memory_space<hbm>>, %arg8: memref<100000x256xf32, #tpu.memory_space<hbm>>, %arg9: memref<100000x512xf32, #tpu.memory_space<hbm>>, %arg10: memref<16384xf32, #tpu.memory_space<hbm>>, %arg11: memref<512xi32, #tpu.memory_space<vmem>>, %arg12: memref<512xi32, #tpu.memory_space<vmem>>, %arg13: memref<512xf32, #tpu.memory_space<vmem>>, %arg14: memref<512xf32, #tpu.memory_space<vmem>>, %arg15: memref<512xf32, #tpu.memory_space<vmem>>, %arg16: memref<32x256xf32, #tpu.memory_space<vmem>>, %arg17: memref<32x256xf32, #tpu.memory_space<vmem>>, %arg18: memref<32x512xf32, #tpu.memory_space<vmem>>, %arg19: memref<32x512xf32, #tpu.memory_space<vmem>>, %arg20: memref<2x256xf32, #tpu.memory_space<vmem>>, %arg21: memref<256xf32, #tpu.memory_space<vmem>>, %arg22: memref<!tpu.dma_semaphore, #tpu.memory_space<semaphore_mem>>, %arg23: memref<!tpu.dma_semaphore, #tpu.memory_space<semaphore_mem>>, %arg24: memref<!tpu.dma_semaphore, #tpu.memory_space<semaphore_mem>>, %arg25: memref<!tpu.dma_semaphore, #tpu.memory_space<semaphore_mem>>, %arg26: memref<!tpu.dma_semaphore, #tpu.memory_space<semaphore_mem>>) attributes {dimension_semantics = [#tpu.dimension_semantics<core_parallel>, #tpu.dimension_semantics<subcore_parallel>], iteration_bounds = array<i64: 2, 16>, scalar_prefetch = 0 : i64, scratch_operands = 16 : i64, tpu.core_type = #tpu.core_type<sc_vector_subcore>, window_params = [{transform_indices = #map}, {transform_indices = #map}, {transform_indices = #map}, {transform_indices = #map}, {transform_indices = #map1}, {transform_indices = #map}, {transform_indices = #map1}, {transform_indices = #map1}, {transform_indices = #map}]} {
    %mul3A = arith.constant 2 : i32
    %mul3A_0 = arith.muli %arg1, %mul3A : i32
    %add3A = arith.addi %mul3A_0, %arg0 : i32
    %mul3A_1 = arith.constant 512 : i32
    %mul3A_2 = arith.muli %add3A, %mul3A_1 : i32
    tpu.enqueue_dma source(%arg6 : memref<2x256xf32, #tpu.memory_space<hbm>>) target(%arg20 : memref<2x256xf32, #tpu.memory_space<vmem>>) target_semaphore(%arg26 : memref<!tpu.dma_semaphore, #tpu.memory_space<semaphore_mem>>)
    tpu.enqueue_dma source(%arg7 : memref<256xf32, #tpu.memory_space<hbm>>) target(%arg21 : memref<256xf32, #tpu.memory_space<vmem>>) target_semaphore(%arg26 : memref<!tpu.dma_semaphore, #tpu.memory_space<semaphore_mem>>)
    %dma_start3A = tpu.memref_slice %arg2[%mul3A_2] : memref<16384xi32, #tpu.memory_space<hbm>> -> memref<512xi32, #tpu.memory_space<hbm>>
    %dma_start3A_3 = tpu.memref_slice %arg2[%mul3A_2] : memref<16384xi32, #tpu.memory_space<hbm>> -> memref<512xi32, #tpu.memory_space<hbm>>
    tpu.enqueue_dma source(%dma_start3A_3 : memref<512xi32, #tpu.memory_space<hbm>>) target(%arg11 : memref<512xi32, #tpu.memory_space<vmem>>) target_semaphore(%arg26 : memref<!tpu.dma_semaphore, #tpu.memory_space<semaphore_mem>>)
    %dma_start3A_4 = tpu.memref_slice %arg3[%mul3A_2] : memref<16384xi32, #tpu.memory_space<hbm>> -> memref<512xi32, #tpu.memory_space<hbm>>
    %dma_start3A_5 = tpu.memref_slice %arg3[%mul3A_2] : memref<16384xi32, #tpu.memory_space<hbm>> -> memref<512xi32, #tpu.memory_space<hbm>>
    tpu.enqueue_dma source(%dma_start3A_5 : memref<512xi32, #tpu.memory_space<hbm>>) target(%arg12 : memref<512xi32, #tpu.memory_space<vmem>>) target_semaphore(%arg26 : memref<!tpu.dma_semaphore, #tpu.memory_space<semaphore_mem>>)
    %dma_start3A_6 = tpu.memref_slice %arg4[%mul3A_2] : memref<16384xf32, #tpu.memory_space<hbm>> -> memref<512xf32, #tpu.memory_space<hbm>>
    %dma_start3A_7 = tpu.memref_slice %arg4[%mul3A_2] : memref<16384xf32, #tpu.memory_space<hbm>> -> memref<512xf32, #tpu.memory_space<hbm>>
    tpu.enqueue_dma source(%dma_start3A_7 : memref<512xf32, #tpu.memory_space<hbm>>) target(%arg13 : memref<512xf32, #tpu.memory_space<vmem>>) target_semaphore(%arg26 : memref<!tpu.dma_semaphore, #tpu.memory_space<semaphore_mem>>)
    %dma_start3A_8 = tpu.memref_slice %arg5[%mul3A_2] : memref<16384xf32, #tpu.memory_space<hbm>> -> memref<512xf32, #tpu.memory_space<hbm>>
    %dma_start3A_9 = tpu.memref_slice %arg5[%mul3A_2] : memref<16384xf32, #tpu.memory_space<hbm>> -> memref<512xf32, #tpu.memory_space<hbm>>
    tpu.enqueue_dma source(%dma_start3A_9 : memref<512xf32, #tpu.memory_space<hbm>>) target(%arg14 : memref<512xf32, #tpu.memory_space<vmem>>) target_semaphore(%arg26 : memref<!tpu.dma_semaphore, #tpu.memory_space<semaphore_mem>>)
    tpu.wait_dma2 semaphore(%arg26 : memref<!tpu.dma_semaphore, #tpu.memory_space<semaphore_mem>>) src(%arg6 : memref<2x256xf32, #tpu.memory_space<hbm>>) dst(%arg20 : memref<2x256xf32, #tpu.memory_space<vmem>>)
    tpu.wait_dma2 semaphore(%arg26 : memref<!tpu.dma_semaphore, #tpu.memory_space<semaphore_mem>>) src(%arg7 : memref<256xf32, #tpu.memory_space<hbm>>) dst(%arg21 : memref<256xf32, #tpu.memory_space<vmem>>)
    %dma_wait3A = tpu.memref_slice %arg2[%mul3A_2] : memref<16384xi32, #tpu.memory_space<hbm>> -> memref<512xi32, #tpu.memory_space<hbm>>
    %dma_wait3A_10 = tpu.memref_slice %arg2[%mul3A_2] : memref<16384xi32, #tpu.memory_space<hbm>> -> memref<512xi32, #tpu.memory_space<hbm>>
    tpu.wait_dma2 semaphore(%arg26 : memref<!tpu.dma_semaphore, #tpu.memory_space<semaphore_mem>>) src(%dma_wait3A_10 : memref<512xi32, #tpu.memory_space<hbm>>) dst(%arg11 : memref<512xi32, #tpu.memory_space<vmem>>)
    %dma_wait3A_11 = tpu.memref_slice %arg3[%mul3A_2] : memref<16384xi32, #tpu.memory_space<hbm>> -> memref<512xi32, #tpu.memory_space<hbm>>
    %dma_wait3A_12 = tpu.memref_slice %arg3[%mul3A_2] : memref<16384xi32, #tpu.memory_space<hbm>> -> memref<512xi32, #tpu.memory_space<hbm>>
    tpu.wait_dma2 semaphore(%arg26 : memref<!tpu.dma_semaphore, #tpu.memory_space<semaphore_mem>>) src(%dma_wait3A_12 : memref<512xi32, #tpu.memory_space<hbm>>) dst(%arg12 : memref<512xi32, #tpu.memory_space<vmem>>)
    %dma_wait3A_13 = tpu.memref_slice %arg4[%mul3A_2] : memref<16384xf32, #tpu.memory_space<hbm>> -> memref<512xf32, #tpu.memory_space<hbm>>
    %dma_wait3A_14 = tpu.memref_slice %arg4[%mul3A_2] : memref<16384xf32, #tpu.memory_space<hbm>> -> memref<512xf32, #tpu.memory_space<hbm>>
    tpu.wait_dma2 semaphore(%arg26 : memref<!tpu.dma_semaphore, #tpu.memory_space<semaphore_mem>>) src(%dma_wait3A_14 : memref<512xf32, #tpu.memory_space<hbm>>) dst(%arg13 : memref<512xf32, #tpu.memory_space<vmem>>)
    %dma_wait3A_15 = tpu.memref_slice %arg5[%mul3A_2] : memref<16384xf32, #tpu.memory_space<hbm>> -> memref<512xf32, #tpu.memory_space<hbm>>
    %dma_wait3A_16 = tpu.memref_slice %arg5[%mul3A_2] : memref<16384xf32, #tpu.memory_space<hbm>> -> memref<512xf32, #tpu.memory_space<hbm>>
    tpu.wait_dma2 semaphore(%arg26 : memref<!tpu.dma_semaphore, #tpu.memory_space<semaphore_mem>>) src(%dma_wait3A_16 : memref<512xf32, #tpu.memory_space<hbm>>) dst(%arg14 : memref<512xf32, #tpu.memory_space<vmem>>)
    %iota3A = tpu.iota {dimensions = array<i32: 0>} : vector<16xi32>
    %dma_start3A_17 = arith.constant 0 : i32
    %dma_start3A_18 = tpu.memref_slice %arg11[%dma_start3A_17] : memref<512xi32, #tpu.memory_space<vmem>> -> memref<32xi32, #tpu.memory_space<vmem>>
    %dma_start3A_19 = arith.constant 0 : i32
    %dma_start3A_20 = arith.constant 0 : i32
    %dma_start3A_21 = tpu.memref_slice %arg8[%dma_start3A_19, %dma_start3A_20] : memref<100000x256xf32, #tpu.memory_space<hbm>> -> memref<100000x256xf32, #tpu.memory_space<hbm>>
    tpu.enqueue_indirect_dma source(%dma_start3A_21 : memref<100000x256xf32, #tpu.memory_space<hbm>>) target(%arg16 : memref<32x256xf32, #tpu.memory_space<vmem>>) offsets(%dma_start3A_18 : memref<32xi32, #tpu.memory_space<vmem>>) semaphore(%arg22 : memref<!tpu.dma_semaphore, #tpu.memory_space<semaphore_mem>>)
    %dma_start3A_22 = arith.constant 0 : i32
    %dma_start3A_23 = tpu.memref_slice %arg12[%dma_start3A_22] : memref<512xi32, #tpu.memory_space<vmem>> -> memref<32xi32, #tpu.memory_space<vmem>>
    %dma_start3A_24 = arith.constant 0 : i32
    %dma_start3A_25 = arith.constant 0 : i32
    %dma_start3A_26 = tpu.memref_slice %arg9[%dma_start3A_24, %dma_start3A_25] : memref<100000x512xf32, #tpu.memory_space<hbm>> -> memref<100000x512xf32, #tpu.memory_space<hbm>>
    tpu.enqueue_indirect_dma source(%dma_start3A_26 : memref<100000x512xf32, #tpu.memory_space<hbm>>) target(%arg18 : memref<32x512xf32, #tpu.memory_space<vmem>>) offsets(%dma_start3A_23 : memref<32xi32, #tpu.memory_space<vmem>>) semaphore(%arg24 : memref<!tpu.dma_semaphore, #tpu.memory_space<semaphore_mem>>)
    %scan3A = arith.constant 0 : i32
    %scan3A_27 = arith.constant 0 : i32
    %scan3A_28 = arith.constant 8 : i32
    %scan3A_29 = arith.addi %scan3A_27, %scan3A_28 : i32
    %scan3A_30 = arith.constant 1 : i32
    scf.for %scan3A_32 = %scan3A_27 to %scan3A_29 step %scan3A_30  : i32 {
      %mul3A_33 = arith.constant 2 : i32
      %mul3A_34 = arith.muli %mul3A_33, %scan3A_32 : i32
      %add3A_35 = arith.constant 1 : i32
      %add3A_36 = arith.addi %mul3A_34, %add3A_35 : i32
      %mul3A_37 = arith.constant 32 : i32
      %mul3A_38 = arith.muli %add3A_36, %mul3A_37 : i32
      %dma_start3A_39 = tpu.memref_slice %arg11[%mul3A_38] : memref<512xi32, #tpu.memory_space<vmem>> -> memref<32xi32, #tpu.memory_space<vmem>>
      %dma_start3A_40 = arith.constant 0 : i32
      %dma_start3A_41 = arith.constant 0 : i32
      %dma_start3A_42 = tpu.memref_slice %arg8[%dma_start3A_40, %dma_start3A_41] : memref<100000x256xf32, #tpu.memory_space<hbm>> -> memref<100000x256xf32, #tpu.memory_space<hbm>>
      tpu.enqueue_indirect_dma source(%dma_start3A_42 : memref<100000x256xf32, #tpu.memory_space<hbm>>) target(%arg17 : memref<32x256xf32, #tpu.memory_space<vmem>>) offsets(%dma_start3A_39 : memref<32xi32, #tpu.memory_space<vmem>>) semaphore(%arg23 : memref<!tpu.dma_semaphore, #tpu.memory_space<semaphore_mem>>)
      %mul3A_43 = arith.constant 32 : i32
      %mul3A_44 = arith.muli %add3A_36, %mul3A_43 : i32
      %dma_start3A_45 = tpu.memref_slice %arg12[%mul3A_44] : memref<512xi32, #tpu.memory_space<vmem>> -> memref<32xi32, #tpu.memory_space<vmem>>
      %dma_start3A_46 = arith.constant 0 : i32
      %dma_start3A_47 = arith.constant 0 : i32
      %dma_start3A_48 = tpu.memref_slice %arg9[%dma_start3A_46, %dma_start3A_47] : memref<100000x512xf32, #tpu.memory_space<hbm>> -> memref<100000x512xf32, #tpu.memory_space<hbm>>
      tpu.enqueue_indirect_dma source(%dma_start3A_48 : memref<100000x512xf32, #tpu.memory_space<hbm>>) target(%arg19 : memref<32x512xf32, #tpu.memory_space<vmem>>) offsets(%dma_start3A_45 : memref<32xi32, #tpu.memory_space<vmem>>) semaphore(%arg25 : memref<!tpu.dma_semaphore, #tpu.memory_space<semaphore_mem>>)
      %mul3A_49 = arith.constant 32 : i32
      %mul3A_50 = arith.muli %mul3A_34, %mul3A_49 : i32
      %dma_wait3A_51 = tpu.memref_slice %arg11[%mul3A_50] : memref<512xi32, #tpu.memory_space<vmem>> -> memref<32xi32, #tpu.memory_space<vmem>>
      %dma_wait3A_52 = arith.constant 0 : i32
      %dma_wait3A_53 = arith.constant 0 : i32
      %dma_wait3A_54 = tpu.memref_slice %arg8[%dma_wait3A_52, %dma_wait3A_53] : memref<100000x256xf32, #tpu.memory_space<hbm>> -> memref<100000x256xf32, #tpu.memory_space<hbm>>
      tpu.wait_indirect_dma semaphore(%arg22 : memref<!tpu.dma_semaphore, #tpu.memory_space<semaphore_mem>>) src(%dma_wait3A_54 : memref<100000x256xf32, #tpu.memory_space<hbm>>) dst(%arg16 : memref<32x256xf32, #tpu.memory_space<vmem>>)
      %mul3A_55 = arith.constant 32 : i32
      %mul3A_56 = arith.muli %mul3A_34, %mul3A_55 : i32
      %dma_wait3A_57 = tpu.memref_slice %arg12[%mul3A_56] : memref<512xi32, #tpu.memory_space<vmem>> -> memref<32xi32, #tpu.memory_space<vmem>>
      %dma_wait3A_58 = arith.constant 0 : i32
      %dma_wait3A_59 = arith.constant 0 : i32
      %dma_wait3A_60 = tpu.memref_slice %arg9[%dma_wait3A_58, %dma_wait3A_59] : memref<100000x512xf32, #tpu.memory_space<hbm>> -> memref<100000x512xf32, #tpu.memory_space<hbm>>
      tpu.wait_indirect_dma semaphore(%arg24 : memref<!tpu.dma_semaphore, #tpu.memory_space<semaphore_mem>>) src(%dma_wait3A_60 : memref<100000x512xf32, #tpu.memory_space<hbm>>) dst(%arg18 : memref<32x512xf32, #tpu.memory_space<vmem>>)
      %scan3A_61 = arith.constant 0 : i32
      %scan3A_62 = arith.constant 0 : i32
      %scan3A_63 = arith.constant 2 : i32
      %scan3A_64 = arith.addi %scan3A_62, %scan3A_63 : i32
      %scan3A_65 = arith.constant 1 : i32
      scf.for %scan3A_91 = %scan3A_62 to %scan3A_64 step %scan3A_65  : i32 {
        %mul3A_92 = arith.constant 16 : i32
        %mul3A_93 = arith.muli %scan3A_91, %mul3A_92 : i32
        %mul3A_94 = arith.constant 32 : i32
        %mul3A_95 = arith.muli %mul3A_34, %mul3A_94 : i32
        %add3A_96 = arith.addi %mul3A_95, %mul3A_93 : i32
        %get3A = arith.index_cast %add3A_96 : i32 to index
        %get3A_97 = tpu.vector_load %arg13[%get3A] {strides = array<i32>} : memref<512xf32, #tpu.memory_space<vmem>>, vector<16xf32>,
        %get3A_98 = arith.index_cast %add3A_96 : i32 to index
        %get3A_99 = tpu.vector_load %arg14[%get3A_98] {strides = array<i32>} : memref<512xf32, #tpu.memory_space<vmem>>, vector<16xf32>,
        %broadcast_in_dim3A = arith.constant 0.000000e+00 : f32
        %broadcast_in_dim3A_100 = vector.broadcast %broadcast_in_dim3A : f32 to vector<16xf32>
        %scan3A_101 = arith.constant 0 : i32
        %scan3A_102 = arith.constant 16 : i32
        %scan3A_103 = arith.addi %scan3A_101, %scan3A_102 : i32
        %scan3A_104 = arith.constant 1 : i32
        %scan3A_105:24 = scf.for %scan3A_413 = %scan3A_101 to %scan3A_103 step %scan3A_104 iter_args(%scan3A_414 = %broadcast_in_dim3A_100, %scan3A_415 = %broadcast_in_dim3A_100, %scan3A_416 = %broadcast_in_dim3A_100, %scan3A_417 = %broadcast_in_dim3A_100, %scan3A_418 = %broadcast_in_dim3A_100, %scan3A_419 = %broadcast_in_dim3A_100, %scan3A_420 = %broadcast_in_dim3A_100, %scan3A_421 = %broadcast_in_dim3A_100, %scan3A_422 = %broadcast_in_dim3A_100, %scan3A_423 = %broadcast_in_dim3A_100, %scan3A_424 = %broadcast_in_dim3A_100, %scan3A_425 = %broadcast_in_dim3A_100, %scan3A_426 = %broadcast_in_dim3A_100, %scan3A_427 = %broadcast_in_dim3A_100, %scan3A_428 = %broadcast_in_dim3A_100, %scan3A_429 = %broadcast_in_dim3A_100, %scan3A_430 = %broadcast_in_dim3A_100, %scan3A_431 = %broadcast_in_dim3A_100, %scan3A_432 = %broadcast_in_dim3A_100, %scan3A_433 = %broadcast_in_dim3A_100, %scan3A_434 = %broadcast_in_dim3A_100, %scan3A_435 = %broadcast_in_dim3A_100, %scan3A_436 = %broadcast_in_dim3A_100, %scan3A_437 = %broadcast_in_dim3A_100) -> (vector<16xf32>, vector<16xf32>, vector<16xf32>, vector<16xf32>, vector<16xf32>, vector<16xf32>, vector<16xf32>, vector<16xf32>, vector<16xf32>, vector<16xf32>, vector<16xf32>, vector<16xf32>, vector<16xf32>, vector<16xf32>, vector<16xf32>, vector<16xf32>, vector<16xf32>, vector<16xf32>, vector<16xf32>, vector<16xf32>, vector<16xf32>, vector<16xf32>, vector<16xf32>, vector<16xf32>)  : i32 {
          %mul3A_438 = arith.constant 16 : i32
          %mul3A_439 = arith.muli %scan3A_413, %mul3A_438 : i32
          %get3A_440 = arith.constant 0 : i32
          %get3A_441 = arith.index_cast %get3A_440 : i32 to index
          %get3A_442 = arith.index_cast %mul3A_439 : i32 to index
          %get3A_443 = tpu.vector_load %arg20[%get3A_441, %get3A_442] {strides = array<i32>} : memref<2x256xf32, #tpu.memory_space<vmem>>, vector<16xf32>,
          %get3A_444 = arith.constant 1 : i32
          %get3A_445 = arith.index_cast %get3A_444 : i32 to index
          %get3A_446 = arith.index_cast %mul3A_439 : i32 to index
          %get3A_447 = tpu.vector_load %arg20[%get3A_445, %get3A_446] {strides = array<i32>} : memref<2x256xf32, #tpu.memory_space<vmem>>, vector<16xf32>,
          %get3A_448 = arith.index_cast %mul3A_439 : i32 to index
          %get3A_449 = tpu.vector_load %arg21[%get3A_448] {strides = array<i32>} : memref<256xf32, #tpu.memory_space<vmem>>, vector<16xf32>,
          %add3A_450 = arith.constant 0 : i32
          %add3A_451 = arith.addi %mul3A_93, %add3A_450 : i32
          %add3A_452 = arith.constant 0 : i32
          %add3A_453 = arith.addi %add3A_451, %add3A_452 : i32
          %get3A_454 = arith.index_cast %add3A_453 : i32 to index
          %get3A_455 = arith.index_cast %mul3A_439 : i32 to index
          %get3A_456 = tpu.vector_load %arg16[%get3A_454, %get3A_455] {strides = array<i32>} : memref<32x256xf32, #tpu.memory_space<vmem>>, vector<16xf32>,
          %add3A_457 = arith.constant 0 : i32
          %add3A_458 = arith.addi %mul3A_93, %add3A_457 : i32
          %add3A_459 = arith.constant 0 : i32
          %add3A_460 = arith.addi %add3A_458, %add3A_459 : i32
          %get3A_461 = arith.index_cast %add3A_460 : i32 to index
          %get3A_462 = arith.index_cast %mul3A_439 : i32 to index
          %get3A_463 = tpu.vector_load %arg18[%get3A_461, %get3A_462] {strides = array<i32>} : memref<32x512xf32, #tpu.memory_space<vmem>>, vector<16xf32>,
          %add3A_464 = arith.constant 0 : i32
          %add3A_465 = arith.addi %mul3A_93, %add3A_464 : i32
          %add3A_466 = arith.constant 0 : i32
          %add3A_467 = arith.addi %add3A_465, %add3A_466 : i32
          %add3A_468 = arith.constant 256 : i32
          %add3A_469 = arith.addi %mul3A_439, %add3A_468 : i32
          %get3A_470 = arith.index_cast %add3A_467 : i32 to index
          %get3A_471 = arith.index_cast %add3A_469 : i32 to index
          %get3A_472 = tpu.vector_load %arg18[%get3A_470, %get3A_471] {strides = array<i32>} : memref<32x512xf32, #tpu.memory_space<vmem>>, vector<16xf32>,
          %mul3A_473 = arith.mulf %get3A_456, %get3A_463 : vector<16xf32>
          %add3A_474 = arith.addf %scan3A_414, %mul3A_473 : vector<16xf32>
          %mul3A_475 = arith.mulf %get3A_449, %get3A_472 : vector<16xf32>
          %add3A_476 = arith.addf %add3A_474, %mul3A_475 : vector<16xf32>
          %mul3A_477 = arith.mulf %get3A_443, %get3A_472 : vector<16xf32>
          %add3A_478 = arith.addf %scan3A_422, %mul3A_477 : vector<16xf32>
          %mul3A_479 = arith.mulf %get3A_447, %get3A_472 : vector<16xf32>
          %add3A_480 = arith.addf %scan3A_430, %mul3A_479 : vector<16xf32>
          %add3A_481 = arith.constant 0 : i32
          %add3A_482 = arith.addi %mul3A_93, %add3A_481 : i32
          %add3A_483 = arith.constant 1 : i32
          %add3A_484 = arith.addi %add3A_482, %add3A_483 : i32
          %get3A_485 = arith.index_cast %add3A_484 : i32 to index
          %get3A_486 = arith.index_cast %mul3A_439 : i32 to index
          %get3A_487 = tpu.vector_load %arg16[%get3A_485, %get3A_486] {strides = array<i32>} : memref<32x256xf32, #tpu.memory_space<vmem>>, vector<16xf32>,
          %add3A_488 = arith.constant 0 : i32
          %add3A_489 = arith.addi %mul3A_93, %add3A_488 : i32
          %add3A_490 = arith.constant 1 : i32
          %add3A_491 = arith.addi %add3A_489, %add3A_490 : i32
          %get3A_492 = arith.index_cast %add3A_491 : i32 to index
          %get3A_493 = arith.index_cast %mul3A_439 : i32 to index
          %get3A_494 = tpu.vector_load %arg18[%get3A_492, %get3A_493] {strides = array<i32>} : memref<32x512xf32, #tpu.memory_space<vmem>>, vector<16xf32>,
          %add3A_495 = arith.constant 0 : i32
          %add3A_496 = arith.addi %mul3A_93, %add3A_495 : i32
          %add3A_497 = arith.constant 1 : i32
          %add3A_498 = arith.addi %add3A_496, %add3A_497 : i32
          %add3A_499 = arith.constant 256 : i32
          %add3A_500 = arith.addi %mul3A_439, %add3A_499 : i32
          %get3A_501 = arith.index_cast %add3A_498 : i32 to index
          %get3A_502 = arith.index_cast %add3A_500 : i32 to index
          %get3A_503 = tpu.vector_load %arg18[%get3A_501, %get3A_502] {strides = array<i32>} : memref<32x512xf32, #tpu.memory_space<vmem>>, vector<16xf32>,
          %mul3A_504 = arith.mulf %get3A_487, %get3A_494 : vector<16xf32>
          %add3A_505 = arith.addf %scan3A_415, %mul3A_504 : vector<16xf32>
          %mul3A_506 = arith.mulf %get3A_449, %get3A_503 : vector<16xf32>
          %add3A_507 = arith.addf %add3A_505, %mul3A_506 : vector<16xf32>
          %mul3A_508 = arith.mulf %get3A_443, %get3A_503 : vector<16xf32>
          %add3A_509 = arith.addf %scan3A_423, %mul3A_508 : vector<16xf32>
          %mul3A_510 = arith.mulf %get3A_447, %get3A_503 : vector<16xf32>
          %add3A_511 = arith.addf %scan3A_431, %mul3A_510 : vector<16xf32>
          %add3A_512 = arith.constant 0 : i32
          %add3A_513 = arith.addi %mul3A_93, %add3A_512 : i32
          %add3A_514 = arith.constant 2 : i32
          %add3A_515 = arith.addi %add3A_513, %add3A_514 : i32
          %get3A_516 = arith.index_cast %add3A_515 : i32 to index
          %get3A_517 = arith.index_cast %mul3A_439 : i32 to index
          %get3A_518 = tpu.vector_load %arg16[%get3A_516, %get3A_517] {strides = array<i32>} : memref<32x256xf32, #tpu.memory_space<vmem>>, vector<16xf32>,
          %add3A_519 = arith.constant 0 : i32
          %add3A_520 = arith.addi %mul3A_93, %add3A_519 : i32
          %add3A_521 = arith.constant 2 : i32
          %add3A_522 = arith.addi %add3A_520, %add3A_521 : i32
          %get3A_523 = arith.index_cast %add3A_522 : i32 to index
          %get3A_524 = arith.index_cast %mul3A_439 : i32 to index
          %get3A_525 = tpu.vector_load %arg18[%get3A_523, %get3A_524] {strides = array<i32>} : memref<32x512xf32, #tpu.memory_space<vmem>>, vector<16xf32>,
          %add3A_526 = arith.constant 0 : i32
          %add3A_527 = arith.addi %mul3A_93, %add3A_526 : i32
          %add3A_528 = arith.constant 2 : i32
          %add3A_529 = arith.addi %add3A_527, %add3A_528 : i32
          %add3A_530 = arith.constant 256 : i32
          %add3A_531 = arith.addi %mul3A_439, %add3A_530 : i32
          %get3A_532 = arith.index_cast %add3A_529 : i32 to index
          %get3A_533 = arith.index_cast %add3A_531 : i32 to index
          %get3A_534 = tpu.vector_load %arg18[%get3A_532, %get3A_533] {strides = array<i32>} : memref<32x512xf32, #tpu.memory_space<vmem>>, vector<16xf32>,
          %mul3A_535 = arith.mulf %get3A_518, %get3A_525 : vector<16xf32>
          %add3A_536 = arith.addf %scan3A_416, %mul3A_535 : vector<16xf32>
          %mul3A_537 = arith.mulf %get3A_449, %get3A_534 : vector<16xf32>
          %add3A_538 = arith.addf %add3A_536, %mul3A_537 : vector<16xf32>
          %mul3A_539 = arith.mulf %get3A_443, %get3A_534 : vector<16xf32>
          %add3A_540 = arith.addf %scan3A_424, %mul3A_539 : vector<16xf32>
          %mul3A_541 = arith.mulf %get3A_447, %get3A_534 : vector<16xf32>
          %add3A_542 = arith.addf %scan3A_432, %mul3A_541 : vector<16xf32>
          %add3A_543 = arith.constant 0 : i32
          %add3A_544 = arith.addi %mul3A_93, %add3A_543 : i32
          %add3A_545 = arith.constant 3 : i32
          %add3A_546 = arith.addi %add3A_544, %add3A_545 : i32
          %get3A_547 = arith.index_cast %add3A_546 : i32 to index
          %get3A_548 = arith.index_cast %mul3A_439 : i32 to index
          %get3A_549 = tpu.vector_load %arg16[%get3A_547, %get3A_548] {strides = array<i32>} : memref<32x256xf32, #tpu.memory_space<vmem>>, vector<16xf32>,
          %add3A_550 = arith.constant 0 : i32
          %add3A_551 = arith.addi %mul3A_93, %add3A_550 : i32
          %add3A_552 = arith.constant 3 : i32
          %add3A_553 = arith.addi %add3A_551, %add3A_552 : i32
          %get3A_554 = arith.index_cast %add3A_553 : i32 to index
          %get3A_555 = arith.index_cast %mul3A_439 : i32 to index
          %get3A_556 = tpu.vector_load %arg18[%get3A_554, %get3A_555] {strides = array<i32>} : memref<32x512xf32, #tpu.memory_space<vmem>>, vector<16xf32>,
          %add3A_557 = arith.constant 0 : i32
          %add3A_558 = arith.addi %mul3A_93, %add3A_557 : i32
          %add3A_559 = arith.constant 3 : i32
          %add3A_560 = arith.addi %add3A_558, %add3A_559 : i32
          %add3A_561 = arith.constant 256 : i32
          %add3A_562 = arith.addi %mul3A_439, %add3A_561 : i32
          %get3A_563 = arith.index_cast %add3A_560 : i32 to index
          %get3A_564 = arith.index_cast %add3A_562 : i32 to index
          %get3A_565 = tpu.vector_load %arg18[%get3A_563, %get3A_564] {strides = array<i32>} : memref<32x512xf32, #tpu.memory_space<vmem>>, vector<16xf32>,
          %mul3A_566 = arith.mulf %get3A_549, %get3A_556 : vector<16xf32>
          %add3A_567 = arith.addf %scan3A_417, %mul3A_566 : vector<16xf32>
          %mul3A_568 = arith.mulf %get3A_449, %get3A_565 : vector<16xf32>
          %add3A_569 = arith.addf %add3A_567, %mul3A_568 : vector<16xf32>
          %mul3A_570 = arith.mulf %get3A_443, %get3A_565 : vector<16xf32>
          %add3A_571 = arith.addf %scan3A_425, %mul3A_570 : vector<16xf32>
          %mul3A_572 = arith.mulf %get3A_447, %get3A_565 : vector<16xf32>
          %add3A_573 = arith.addf %scan3A_433, %mul3A_572 : vector<16xf32>
          %add3A_574 = arith.constant 0 : i32
          %add3A_575 = arith.addi %mul3A_93, %add3A_574 : i32
          %add3A_576 = arith.constant 4 : i32
          %add3A_577 = arith.addi %add3A_575, %add3A_576 : i32
          %get3A_578 = arith.index_cast %add3A_577 : i32 to index
          %get3A_579 = arith.index_cast %mul3A_439 : i32 to index
          %get3A_580 = tpu.vector_load %arg16[%get3A_578, %get3A_579] {strides = array<i32>} : memref<32x256xf32, #tpu.memory_space<vmem>>, vector<16xf32>,
          %add3A_581 = arith.constant 0 : i32
          %add3A_582 = arith.addi %mul3A_93, %add3A_581 : i32
          %add3A_583 = arith.constant 4 : i32
          %add3A_584 = arith.addi %add3A_582, %add3A_583 : i32
          %get3A_585 = arith.index_cast %add3A_584 : i32 to index
          %get3A_586 = arith.index_cast %mul3A_439 : i32 to index
          %get3A_587 = tpu.vector_load %arg18[%get3A_585, %get3A_586] {strides = array<i32>} : memref<32x512xf32, #tpu.memory_space<vmem>>, vector<16xf32>,
          %add3A_588 = arith.constant 0 : i32
          %add3A_589 = arith.addi %mul3A_93, %add3A_588 : i32
          %add3A_590 = arith.constant 4 : i32
          %add3A_591 = arith.addi %add3A_589, %add3A_590 : i32
          %add3A_592 = arith.constant 256 : i32
          %add3A_593 = arith.addi %mul3A_439, %add3A_592 : i32
          %get3A_594 = arith.index_cast %add3A_591 : i32 to index
          %get3A_595 = arith.index_cast %add3A_593 : i32 to index
          %get3A_596 = tpu.vector_load %arg18[%get3A_594, %get3A_595] {strides = array<i32>} : memref<32x512xf32, #tpu.memory_space<vmem>>, vector<16xf32>,
          %mul3A_597 = arith.mulf %get3A_580, %get3A_587 : vector<16xf32>
          %add3A_598 = arith.addf %scan3A_418, %mul3A_597 : vector<16xf32>
          %mul3A_599 = arith.mulf %get3A_449, %get3A_596 : vector<16xf32>
          %add3A_600 = arith.addf %add3A_598, %mul3A_599 : vector<16xf32>
          %mul3A_601 = arith.mulf %get3A_443, %get3A_596 : vector<16xf32>
          %add3A_602 = arith.addf %scan3A_426, %mul3A_601 : vector<16xf32>
          %mul3A_603 = arith.mulf %get3A_447, %get3A_596 : vector<16xf32>
          %add3A_604 = arith.addf %scan3A_434, %mul3A_603 : vector<16xf32>
          %add3A_605 = arith.constant 0 : i32
          %add3A_606 = arith.addi %mul3A_93, %add3A_605 : i32
          %add3A_607 = arith.constant 5 : i32
          %add3A_608 = arith.addi %add3A_606, %add3A_607 : i32
          %get3A_609 = arith.index_cast %add3A_608 : i32 to index
          %get3A_610 = arith.index_cast %mul3A_439 : i32 to index
          %get3A_611 = tpu.vector_load %arg16[%get3A_609, %get3A_610] {strides = array<i32>} : memref<32x256xf32, #tpu.memory_space<vmem>>, vector<16xf32>,
          %add3A_612 = arith.constant 0 : i32
          %add3A_613 = arith.addi %mul3A_93, %add3A_612 : i32
          %add3A_614 = arith.constant 5 : i32
          %add3A_615 = arith.addi %add3A_613, %add3A_614 : i32
          %get3A_616 = arith.index_cast %add3A_615 : i32 to index
          %get3A_617 = arith.index_cast %mul3A_439 : i32 to index
          %get3A_618 = tpu.vector_load %arg18[%get3A_616, %get3A_617] {strides = array<i32>} : memref<32x512xf32, #tpu.memory_space<vmem>>, vector<16xf32>,
          %add3A_619 = arith.constant 0 : i32
          %add3A_620 = arith.addi %mul3A_93, %add3A_619 : i32
          %add3A_621 = arith.constant 5 : i32
          %add3A_622 = arith.addi %add3A_620, %add3A_621 : i32
          %add3A_623 = arith.constant 256 : i32
          %add3A_624 = arith.addi %mul3A_439, %add3A_623 : i32
          %get3A_625 = arith.index_cast %add3A_622 : i32 to index
          %get3A_626 = arith.index_cast %add3A_624 : i32 to index
          %get3A_627 = tpu.vector_load %arg18[%get3A_625, %get3A_626] {strides = array<i32>} : memref<32x512xf32, #tpu.memory_space<vmem>>, vector<16xf32>,
          %mul3A_628 = arith.mulf %get3A_611, %get3A_618 : vector<16xf32>
          %add3A_629 = arith.addf %scan3A_419, %mul3A_628 : vector<16xf32>
          %mul3A_630 = arith.mulf %get3A_449, %get3A_627 : vector<16xf32>
          %add3A_631 = arith.addf %add3A_629, %mul3A_630 : vector<16xf32>
          %mul3A_632 = arith.mulf %get3A_443, %get3A_627 : vector<16xf32>
          %add3A_633 = arith.addf %scan3A_427, %mul3A_632 : vector<16xf32>
          %mul3A_634 = arith.mulf %get3A_447, %get3A_627 : vector<16xf32>
          %add3A_635 = arith.addf %scan3A_435, %mul3A_634 : vector<16xf32>
          %add3A_636 = arith.constant 0 : i32
          %add3A_637 = arith.addi %mul3A_93, %add3A_636 : i32
          %add3A_638 = arith.constant 6 : i32
          %add3A_639 = arith.addi %add3A_637, %add3A_638 : i32
          %get3A_640 = arith.index_cast %add3A_639 : i32 to index
          %get3A_641 = arith.index_cast %mul3A_439 : i32 to index
          %get3A_642 = tpu.vector_load %arg16[%get3A_640, %get3A_641] {strides = array<i32>} : memref<32x256xf32, #tpu.memory_space<vmem>>, vector<16xf32>,
          %add3A_643 = arith.constant 0 : i32
          %add3A_644 = arith.addi %mul3A_93, %add3A_643 : i32
          %add3A_645 = arith.constant 6 : i32
          %add3A_646 = arith.addi %add3A_644, %add3A_645 : i32
          %get3A_647 = arith.index_cast %add3A_646 : i32 to index
          %get3A_648 = arith.index_cast %mul3A_439 : i32 to index
          %get3A_649 = tpu.vector_load %arg18[%get3A_647, %get3A_648] {strides = array<i32>} : memref<32x512xf32, #tpu.memory_space<vmem>>, vector<16xf32>,
          %add3A_650 = arith.constant 0 : i32
          %add3A_651 = arith.addi %mul3A_93, %add3A_650 : i32
          %add3A_652 = arith.constant 6 : i32
          %add3A_653 = arith.addi %add3A_651, %add3A_652 : i32
          %add3A_654 = arith.constant 256 : i32
          %add3A_655 = arith.addi %mul3A_439, %add3A_654 : i32
          %get3A_656 = arith.index_cast %add3A_653 : i32 to index
          %get3A_657 = arith.index_cast %add3A_655 : i32 to index
          %get3A_658 = tpu.vector_load %arg18[%get3A_656, %get3A_657] {strides = array<i32>} : memref<32x512xf32, #tpu.memory_space<vmem>>, vector<16xf32>,
          %mul3A_659 = arith.mulf %get3A_642, %get3A_649 : vector<16xf32>
          %add3A_660 = arith.addf %scan3A_420, %mul3A_659 : vector<16xf32>
          %mul3A_661 = arith.mulf %get3A_449, %get3A_658 : vector<16xf32>
          %add3A_662 = arith.addf %add3A_660, %mul3A_661 : vector<16xf32>
          %mul3A_663 = arith.mulf %get3A_443, %get3A_658 : vector<16xf32>
          %add3A_664 = arith.addf %scan3A_428, %mul3A_663 : vector<16xf32>
          %mul3A_665 = arith.mulf %get3A_447, %get3A_658 : vector<16xf32>
          %add3A_666 = arith.addf %scan3A_436, %mul3A_665 : vector<16xf32>
          %add3A_667 = arith.constant 0 : i32
          %add3A_668 = arith.addi %mul3A_93, %add3A_667 : i32
          %add3A_669 = arith.constant 7 : i32
          %add3A_670 = arith.addi %add3A_668, %add3A_669 : i32
          %get3A_671 = arith.index_cast %add3A_670 : i32 to index
          %get3A_672 = arith.index_cast %mul3A_439 : i32 to index
          %get3A_673 = tpu.vector_load %arg16[%get3A_671, %get3A_672] {strides = array<i32>} : memref<32x256xf32, #tpu.memory_space<vmem>>, vector<16xf32>,
          %add3A_674 = arith.constant 0 : i32
          %add3A_675 = arith.addi %mul3A_93, %add3A_674 : i32
          %add3A_676 = arith.constant 7 : i32
          %add3A_677 = arith.addi %add3A_675, %add3A_676 : i32
          %get3A_678 = arith.index_cast %add3A_677 : i32 to index
          %get3A_679 = arith.index_cast %mul3A_439 : i32 to index
          %get3A_680 = tpu.vector_load %arg18[%get3A_678, %get3A_679] {strides = array<i32>} : memref<32x512xf32, #tpu.memory_space<vmem>>, vector<16xf32>,
          %add3A_681 = arith.constant 0 : i32
          %add3A_682 = arith.addi %mul3A_93, %add3A_681 : i32
          %add3A_683 = arith.constant 7 : i32
          %add3A_684 = arith.addi %add3A_682, %add3A_683 : i32
          %add3A_685 = arith.constant 256 : i32
          %add3A_686 = arith.addi %mul3A_439, %add3A_685 : i32
          %get3A_687 = arith.index_cast %add3A_684 : i32 to index
          %get3A_688 = arith.index_cast %add3A_686 : i32 to index
          %get3A_689 = tpu.vector_load %arg18[%get3A_687, %get3A_688] {strides = array<i32>} : memref<32x512xf32, #tpu.memory_space<vmem>>, vector<16xf32>,
          %mul3A_690 = arith.mulf %get3A_673, %get3A_680 : vector<16xf32>
          %add3A_691 = arith.addf %scan3A_421, %mul3A_690 : vector<16xf32>
          %mul3A_692 = arith.mulf %get3A_449, %get3A_689 : vector<16xf32>
          %add3A_693 = arith.addf %add3A_691, %mul3A_692 : vector<16xf32>
          %mul3A_694 = arith.mulf %get3A_443, %get3A_689 : vector<16xf32>
          %add3A_695 = arith.addf %scan3A_429, %mul3A_694 : vector<16xf32>
          %mul3A_696 = arith.mulf %get3A_447, %get3A_689 : vector<16xf32>
          %add3A_697 = arith.addf %scan3A_437, %mul3A_696 : vector<16xf32>
          scf.yield %add3A_476, %add3A_507, %add3A_538, %add3A_569, %add3A_600, %add3A_631, %add3A_662, %add3A_693, %add3A_478, %add3A_509, %add3A_540, %add3A_571, %add3A_602, %add3A_633, %add3A_664, %add3A_695, %add3A_480, %add3A_511, %add3A_542, %add3A_573, %add3A_604, %add3A_635, %add3A_666, %add3A_697 : vector<16xf32>, vector<16xf32>, vector<16xf32>, vector<16xf32>, vector<16xf32>, vector<16xf32>, vector<16xf32>, vector<16xf32>, vector<16xf32>, vector<16xf32>, vector<16xf32>, vector<16xf32>, vector<16xf32>, vector<16xf32>, vector<16xf32>, vector<16xf32>, vector<16xf32>, vector<16xf32>, vector<16xf32>, vector<16xf32>, vector<16xf32>, vector<16xf32>, vector<16xf32>, vector<16xf32>
        }
        %scan3A_106 = arith.constant 16 : i32
        %slice3A = vector.extract_strided_slice %get3A_97 {offsets = [0], sizes = [1], strides = [1]} : vector<16xf32> to vector<1xf32>
        %squeeze3A = vector.extract %slice3A[0] : f32 from vector<1xf32>
        %mul3A_107 = vector.broadcast %squeeze3A : f32 to vector<16xf32>
        %mul3A_108 = arith.mulf %mul3A_107, %scan3A_105#8 : vector<16xf32>
        %add3A_109 = arith.addf %scan3A_105#0, %mul3A_108 : vector<16xf32>
        %slice3A_110 = vector.extract_strided_slice %get3A_99 {offsets = [0], sizes = [1], strides = [1]} : vector<16xf32> to vector<1xf32>
        %squeeze3A_111 = vector.extract %slice3A_110[0] : f32 from vector<1xf32>
        %mul3A_112 = vector.broadcast %squeeze3A_111 : f32 to vector<16xf32>
        %mul3A_113 = arith.mulf %mul3A_112, %scan3A_105#16 : vector<16xf32>
        %add3A_114 = arith.addf %add3A_109, %mul3A_113 : vector<16xf32>
        %eq3A = arith.constant 0 : i32
        %eq3A_115 = vector.broadcast %eq3A : i32 to vector<16xi32>
        %eq3A_116 = arith.cmpi eq, %iota3A, %eq3A_115 : vector<16xi32>
        %reduce_sum3A = arith.constant true
        %reduce_sum3A_117 = vector.broadcast %reduce_sum3A : i1 to vector<16xi1>
        %reduce_sum3A_118 = tpu.scan <sum>, %add3A_114 masked %reduce_sum3A_117 : vector<16xf32>, vector<16xi1> -> vector<16xf32>
        %reduce_sum3A_119 = vector.extract %reduce_sum3A_118[15] : f32 from vector<16xf32>
        %broadcast_in_dim3A_120 = vector.broadcast %reduce_sum3A_119 : f32 to vector<16xf32>
        %select_n3A = arith.select %eq3A_116, %broadcast_in_dim3A_120, %broadcast_in_dim3A_100 : vector<16xi1>, vector<16xf32>
        %slice3A_121 = vector.extract_strided_slice %get3A_97 {offsets = [1], sizes = [1], strides = [1]} : vector<16xf32> to vector<1xf32>
        %squeeze3A_122 = vector.extract %slice3A_121[0] : f32 from vector<1xf32>
        %mul3A_123 = vector.broadcast %squeeze3A_122 : f32 to vector<16xf32>
        %mul3A_124 = arith.mulf %mul3A_123, %scan3A_105#9 : vector<16xf32>
        %add3A_125 = arith.addf %scan3A_105#1, %mul3A_124 : vector<16xf32>
        %slice3A_126 = vector.extract_strided_slice %get3A_99 {offsets = [1], sizes = [1], strides = [1]} : vector<16xf32> to vector<1xf32>
        %squeeze3A_127 = vector.extract %slice3A_126[0] : f32 from vector<1xf32>
        %mul3A_128 = vector.broadcast %squeeze3A_127 : f32 to vector<16xf32>
        %mul3A_129 = arith.mulf %mul3A_128, %scan3A_105#17 : vector<16xf32>
        %add3A_130 = arith.addf %add3A_125, %mul3A_129 : vector<16xf32>
        %eq3A_131 = arith.constant 1 : i32
        %eq3A_132 = vector.broadcast %eq3A_131 : i32 to vector<16xi32>
        %eq3A_133 = arith.cmpi eq, %iota3A, %eq3A_132 : vector<16xi32>
        %reduce_sum3A_134 = arith.constant true
        %reduce_sum3A_135 = vector.broadcast %reduce_sum3A_134 : i1 to vector<16xi1>
        %reduce_sum3A_136 = tpu.scan <sum>, %add3A_130 masked %reduce_sum3A_135 : vector<16xf32>, vector<16xi1> -> vector<16xf32>
        %reduce_sum3A_137 = vector.extract %reduce_sum3A_136[15] : f32 from vector<16xf32>
        %broadcast_in_dim3A_138 = vector.broadcast %reduce_sum3A_137 : f32 to vector<16xf32>
        %select_n3A_139 = arith.select %eq3A_133, %broadcast_in_dim3A_138, %select_n3A : vector<16xi1>, vector<16xf32>
        %slice3A_140 = vector.extract_strided_slice %get3A_97 {offsets = [2], sizes = [1], strides = [1]} : vector<16xf32> to vector<1xf32>
        %squeeze3A_141 = vector.extract %slice3A_140[0] : f32 from vector<1xf32>
        %mul3A_142 = vector.broadcast %squeeze3A_141 : f32 to vector<16xf32>
        %mul3A_143 = arith.mulf %mul3A_142, %scan3A_105#10 : vector<16xf32>
        %add3A_144 = arith.addf %scan3A_105#2, %mul3A_143 : vector<16xf32>
        %slice3A_145 = vector.extract_strided_slice %get3A_99 {offsets = [2], sizes = [1], strides = [1]} : vector<16xf32> to vector<1xf32>
        %squeeze3A_146 = vector.extract %slice3A_145[0] : f32 from vector<1xf32>
        %mul3A_147 = vector.broadcast %squeeze3A_146 : f32 to vector<16xf32>
        %mul3A_148 = arith.mulf %mul3A_147, %scan3A_105#18 : vector<16xf32>
        %add3A_149 = arith.addf %add3A_144, %mul3A_148 : vector<16xf32>
        %eq3A_150 = arith.constant 2 : i32
        %eq3A_151 = vector.broadcast %eq3A_150 : i32 to vector<16xi32>
        %eq3A_152 = arith.cmpi eq, %iota3A, %eq3A_151 : vector<16xi32>
        %reduce_sum3A_153 = arith.constant true
        %reduce_sum3A_154 = vector.broadcast %reduce_sum3A_153 : i1 to vector<16xi1>
        %reduce_sum3A_155 = tpu.scan <sum>, %add3A_149 masked %reduce_sum3A_154 : vector<16xf32>, vector<16xi1> -> vector<16xf32>
        %reduce_sum3A_156 = vector.extract %reduce_sum3A_155[15] : f32 from vector<16xf32>
        %broadcast_in_dim3A_157 = vector.broadcast %reduce_sum3A_156 : f32 to vector<16xf32>
        %select_n3A_158 = arith.select %eq3A_152, %broadcast_in_dim3A_157, %select_n3A_139 : vector<16xi1>, vector<16xf32>
        %slice3A_159 = vector.extract_strided_slice %get3A_97 {offsets = [3], sizes = [1], strides = [1]} : vector<16xf32> to vector<1xf32>
        %squeeze3A_160 = vector.extract %slice3A_159[0] : f32 from vector<1xf32>
        %mul3A_161 = vector.broadcast %squeeze3A_160 : f32 to vector<16xf32>
        %mul3A_162 = arith.mulf %mul3A_161, %scan3A_105#11 : vector<16xf32>
        %add3A_163 = arith.addf %scan3A_105#3, %mul3A_162 : vector<16xf32>
        %slice3A_164 = vector.extract_strided_slice %get3A_99 {offsets = [3], sizes = [1], strides = [1]} : vector<16xf32> to vector<1xf32>
        %squeeze3A_165 = vector.extract %slice3A_164[0] : f32 from vector<1xf32>
        %mul3A_166 = vector.broadcast %squeeze3A_165 : f32 to vector<16xf32>
        %mul3A_167 = arith.mulf %mul3A_166, %scan3A_105#19 : vector<16xf32>
        %add3A_168 = arith.addf %add3A_163, %mul3A_167 : vector<16xf32>
        %eq3A_169 = arith.constant 3 : i32
        %eq3A_170 = vector.broadcast %eq3A_169 : i32 to vector<16xi32>
        %eq3A_171 = arith.cmpi eq, %iota3A, %eq3A_170 : vector<16xi32>
        %reduce_sum3A_172 = arith.constant true
        %reduce_sum3A_173 = vector.broadcast %reduce_sum3A_172 : i1 to vector<16xi1>
        %reduce_sum3A_174 = tpu.scan <sum>, %add3A_168 masked %reduce_sum3A_173 : vector<16xf32>, vector<16xi1> -> vector<16xf32>
        %reduce_sum3A_175 = vector.extract %reduce_sum3A_174[15] : f32 from vector<16xf32>
        %broadcast_in_dim3A_176 = vector.broadcast %reduce_sum3A_175 : f32 to vector<16xf32>
        %select_n3A_177 = arith.select %eq3A_171, %broadcast_in_dim3A_176, %select_n3A_158 : vector<16xi1>, vector<16xf32>
        %slice3A_178 = vector.extract_strided_slice %get3A_97 {offsets = [4], sizes = [1], strides = [1]} : vector<16xf32> to vector<1xf32>
        %squeeze3A_179 = vector.extract %slice3A_178[0] : f32 from vector<1xf32>
        %mul3A_180 = vector.broadcast %squeeze3A_179 : f32 to vector<16xf32>
        %mul3A_181 = arith.mulf %mul3A_180, %scan3A_105#12 : vector<16xf32>
        %add3A_182 = arith.addf %scan3A_105#4, %mul3A_181 : vector<16xf32>
        %slice3A_183 = vector.extract_strided_slice %get3A_99 {offsets = [4], sizes = [1], strides = [1]} : vector<16xf32> to vector<1xf32>
        %squeeze3A_184 = vector.extract %slice3A_183[0] : f32 from vector<1xf32>
        %mul3A_185 = vector.broadcast %squeeze3A_184 : f32 to vector<16xf32>
        %mul3A_186 = arith.mulf %mul3A_185, %scan3A_105#20 : vector<16xf32>
        %add3A_187 = arith.addf %add3A_182, %mul3A_186 : vector<16xf32>
        %eq3A_188 = arith.constant 4 : i32
        %eq3A_189 = vector.broadcast %eq3A_188 : i32 to vector<16xi32>
        %eq3A_190 = arith.cmpi eq, %iota3A, %eq3A_189 : vector<16xi32>
        %reduce_sum3A_191 = arith.constant true
        %reduce_sum3A_192 = vector.broadcast %reduce_sum3A_191 : i1 to vector<16xi1>
        %reduce_sum3A_193 = tpu.scan <sum>, %add3A_187 masked %reduce_sum3A_192 : vector<16xf32>, vector<16xi1> -> vector<16xf32>
        %reduce_sum3A_194 = vector.extract %reduce_sum3A_193[15] : f32 from vector<16xf32>
        %broadcast_in_dim3A_195 = vector.broadcast %reduce_sum3A_194 : f32 to vector<16xf32>
        %select_n3A_196 = arith.select %eq3A_190, %broadcast_in_dim3A_195, %select_n3A_177 : vector<16xi1>, vector<16xf32>
        %slice3A_197 = vector.extract_strided_slice %get3A_97 {offsets = [5], sizes = [1], strides = [1]} : vector<16xf32> to vector<1xf32>
        %squeeze3A_198 = vector.extract %slice3A_197[0] : f32 from vector<1xf32>
        %mul3A_199 = vector.broadcast %squeeze3A_198 : f32 to vector<16xf32>
        %mul3A_200 = arith.mulf %mul3A_199, %scan3A_105#13 : vector<16xf32>
        %add3A_201 = arith.addf %scan3A_105#5, %mul3A_200 : vector<16xf32>
        %slice3A_202 = vector.extract_strided_slice %get3A_99 {offsets = [5], sizes = [1], strides = [1]} : vector<16xf32> to vector<1xf32>
        %squeeze3A_203 = vector.extract %slice3A_202[0] : f32 from vector<1xf32>
        %mul3A_204 = vector.broadcast %squeeze3A_203 : f32 to vector<16xf32>
        %mul3A_205 = arith.mulf %mul3A_204, %scan3A_105#21 : vector<16xf32>
        %add3A_206 = arith.addf %add3A_201, %mul3A_205 : vector<16xf32>
        %eq3A_207 = arith.constant 5 : i32
        %eq3A_208 = vector.broadcast %eq3A_207 : i32 to vector<16xi32>
        %eq3A_209 = arith.cmpi eq, %iota3A, %eq3A_208 : vector<16xi32>
        %reduce_sum3A_210 = arith.constant true
        %reduce_sum3A_211 = vector.broadcast %reduce_sum3A_210 : i1 to vector<16xi1>
        %reduce_sum3A_212 = tpu.scan <sum>, %add3A_206 masked %reduce_sum3A_211 : vector<16xf32>, vector<16xi1> -> vector<16xf32>
        %reduce_sum3A_213 = vector.extract %reduce_sum3A_212[15] : f32 from vector<16xf32>
        %broadcast_in_dim3A_214 = vector.broadcast %reduce_sum3A_213 : f32 to vector<16xf32>
        %select_n3A_215 = arith.select %eq3A_209, %broadcast_in_dim3A_214, %select_n3A_196 : vector<16xi1>, vector<16xf32>
        %slice3A_216 = vector.extract_strided_slice %get3A_97 {offsets = [6], sizes = [1], strides = [1]} : vector<16xf32> to vector<1xf32>
        %squeeze3A_217 = vector.extract %slice3A_216[0] : f32 from vector<1xf32>
        %mul3A_218 = vector.broadcast %squeeze3A_217 : f32 to vector<16xf32>
        %mul3A_219 = arith.mulf %mul3A_218, %scan3A_105#14 : vector<16xf32>
        %add3A_220 = arith.addf %scan3A_105#6, %mul3A_219 : vector<16xf32>
        %slice3A_221 = vector.extract_strided_slice %get3A_99 {offsets = [6], sizes = [1], strides = [1]} : vector<16xf32> to vector<1xf32>
        %squeeze3A_222 = vector.extract %slice3A_221[0] : f32 from vector<1xf32>
        %mul3A_223 = vector.broadcast %squeeze3A_222 : f32 to vector<16xf32>
        %mul3A_224 = arith.mulf %mul3A_223, %scan3A_105#22 : vector<16xf32>
        %add3A_225 = arith.addf %add3A_220, %mul3A_224 : vector<16xf32>
        %eq3A_226 = arith.constant 6 : i32
        %eq3A_227 = vector.broadcast %eq3A_226 : i32 to vector<16xi32>
        %eq3A_228 = arith.cmpi eq, %iota3A, %eq3A_227 : vector<16xi32>
        %reduce_sum3A_229 = arith.constant true
        %reduce_sum3A_230 = vector.broadcast %reduce_sum3A_229 : i1 to vector<16xi1>
        %reduce_sum3A_231 = tpu.scan <sum>, %add3A_225 masked %reduce_sum3A_230 : vector<16xf32>, vector<16xi1> -> vector<16xf32>
        %reduce_sum3A_232 = vector.extract %reduce_sum3A_231[15] : f32 from vector<16xf32>
        %broadcast_in_dim3A_233 = vector.broadcast %reduce_sum3A_232 : f32 to vector<16xf32>
        %select_n3A_234 = arith.select %eq3A_228, %broadcast_in_dim3A_233, %select_n3A_215 : vector<16xi1>, vector<16xf32>
        %slice3A_235 = vector.extract_strided_slice %get3A_97 {offsets = [7], sizes = [1], strides = [1]} : vector<16xf32> to vector<1xf32>
        %squeeze3A_236 = vector.extract %slice3A_235[0] : f32 from vector<1xf32>
        %mul3A_237 = vector.broadcast %squeeze3A_236 : f32 to vector<16xf32>
        %mul3A_238 = arith.mulf %mul3A_237, %scan3A_105#15 : vector<16xf32>
        %add3A_239 = arith.addf %scan3A_105#7, %mul3A_238 : vector<16xf32>
        %slice3A_240 = vector.extract_strided_slice %get3A_99 {offsets = [7], sizes = [1], strides = [1]} : vector<16xf32> to vector<1xf32>
        %squeeze3A_241 = vector.extract %slice3A_240[0] : f32 from vector<1xf32>
        %mul3A_242 = vector.broadcast %squeeze3A_241 : f32 to vector<16xf32>
        %mul3A_243 = arith.mulf %mul3A_242, %scan3A_105#23 : vector<16xf32>
        %add3A_244 = arith.addf %add3A_239, %mul3A_243 : vector<16xf32>
        %eq3A_245 = arith.constant 7 : i32
        %eq3A_246 = vector.broadcast %eq3A_245 : i32 to vector<16xi32>
        %eq3A_247 = arith.cmpi eq, %iota3A, %eq3A_246 : vector<16xi32>
        %reduce_sum3A_248 = arith.constant true
        %reduce_sum3A_249 = vector.broadcast %reduce_sum3A_248 : i1 to vector<16xi1>
        %reduce_sum3A_250 = tpu.scan <sum>, %add3A_244 masked %reduce_sum3A_249 : vector<16xf32>, vector<16xi1> -> vector<16xf32>
        %reduce_sum3A_251 = vector.extract %reduce_sum3A_250[15] : f32 from vector<16xf32>
        %broadcast_in_dim3A_252 = vector.broadcast %reduce_sum3A_251 : f32 to vector<16xf32>
        %select_n3A_253 = arith.select %eq3A_247, %broadcast_in_dim3A_252, %select_n3A_234 : vector<16xi1>, vector<16xf32>
        %scan3A_254 = arith.constant 0 : i32
        %scan3A_255 = arith.constant 16 : i32
        %scan3A_256 = arith.addi %scan3A_254, %scan3A_255 : i32
        %scan3A_257 = arith.constant 1 : i32
        %scan3A_258:24 = scf.for %scan3A_413 = %scan3A_254 to %scan3A_256 step %scan3A_257 iter_args(%scan3A_414 = %broadcast_in_dim3A_100, %scan3A_415 = %broadcast_in_dim3A_100, %scan3A_416 = %broadcast_in_dim3A_100, %scan3A_417 = %broadcast_in_dim3A_100, %scan3A_418 = %broadcast_in_dim3A_100, %scan3A_419 = %broadcast_in_dim3A_100, %scan3A_420 = %broadcast_in_dim3A_100, %scan3A_421 = %broadcast_in_dim3A_100, %scan3A_422 = %broadcast_in_dim3A_100, %scan3A_423 = %broadcast_in_dim3A_100, %scan3A_424 = %broadcast_in_dim3A_100, %scan3A_425 = %broadcast_in_dim3A_100, %scan3A_426 = %broadcast_in_dim3A_100, %scan3A_427 = %broadcast_in_dim3A_100, %scan3A_428 = %broadcast_in_dim3A_100, %scan3A_429 = %broadcast_in_dim3A_100, %scan3A_430 = %broadcast_in_dim3A_100, %scan3A_431 = %broadcast_in_dim3A_100, %scan3A_432 = %broadcast_in_dim3A_100, %scan3A_433 = %broadcast_in_dim3A_100, %scan3A_434 = %broadcast_in_dim3A_100, %scan3A_435 = %broadcast_in_dim3A_100, %scan3A_436 = %broadcast_in_dim3A_100, %scan3A_437 = %broadcast_in_dim3A_100) -> (vector<16xf32>, vector<16xf32>, vector<16xf32>, vector<16xf32>, vector<16xf32>, vector<16xf32>, vector<16xf32>, vector<16xf32>, vector<16xf32>, vector<16xf32>, vector<16xf32>, vector<16xf32>, vector<16xf32>, vector<16xf32>, vector<16xf32>, vector<16xf32>, vector<16xf32>, vector<16xf32>, vector<16xf32>, vector<16xf32>, vector<16xf32>, vector<16xf32>, vector<16xf32>, vector<16xf32>)  : i32 {
          %mul3A_438 = arith.constant 16 : i32
          %mul3A_439 = arith.muli %scan3A_413, %mul3A_438 : i32
          %get3A_440 = arith.constant 0 : i32
          %get3A_441 = arith.index_cast %get3A_440 : i32 to index
          %get3A_442 = arith.index_cast %mul3A_439 : i32 to index
          %get3A_443 = tpu.vector_load %arg20[%get3A_441, %get3A_442] {strides = array<i32>} : memref<2x256xf32, #tpu.memory_space<vmem>>, vector<16xf32>,
          %get3A_444 = arith.constant 1 : i32
          %get3A_445 = arith.index_cast %get3A_444 : i32 to index
          %get3A_446 = arith.index_cast %mul3A_439 : i32 to index
          %get3A_447 = tpu.vector_load %arg20[%get3A_445, %get3A_446] {strides = array<i32>} : memref<2x256xf32, #tpu.memory_space<vmem>>, vector<16xf32>,
          %get3A_448 = arith.index_cast %mul3A_439 : i32 to index
          %get3A_449 = tpu.vector_load %arg21[%get3A_448] {strides = array<i32>} : memref<256xf32, #tpu.memory_space<vmem>>, vector<16xf32>,
          %add3A_450 = arith.constant 8 : i32
          %add3A_451 = arith.addi %mul3A_93, %add3A_450 : i32
          %add3A_452 = arith.constant 0 : i32
          %add3A_453 = arith.addi %add3A_451, %add3A_452 : i32
          %get3A_454 = arith.index_cast %add3A_453 : i32 to index
          %get3A_455 = arith.index_cast %mul3A_439 : i32 to index
          %get3A_456 = tpu.vector_load %arg16[%get3A_454, %get3A_455] {strides = array<i32>} : memref<32x256xf32, #tpu.memory_space<vmem>>, vector<16xf32>,
          %add3A_457 = arith.constant 8 : i32
          %add3A_458 = arith.addi %mul3A_93, %add3A_457 : i32
          %add3A_459 = arith.constant 0 : i32
          %add3A_460 = arith.addi %add3A_458, %add3A_459 : i32
          %get3A_461 = arith.index_cast %add3A_460 : i32 to index
          %get3A_462 = arith.index_cast %mul3A_439 : i32 to index
          %get3A_463 = tpu.vector_load %arg18[%get3A_461, %get3A_462] {strides = array<i32>} : memref<32x512xf32, #tpu.memory_space<vmem>>, vector<16xf32>,
          %add3A_464 = arith.constant 8 : i32
          %add3A_465 = arith.addi %mul3A_93, %add3A_464 : i32
          %add3A_466 = arith.constant 0 : i32
          %add3A_467 = arith.addi %add3A_465, %add3A_466 : i32
          %add3A_468 = arith.constant 256 : i32
          %add3A_469 = arith.addi %mul3A_439, %add3A_468 : i32
          %get3A_470 = arith.index_cast %add3A_467 : i32 to index
          %get3A_471 = arith.index_cast %add3A_469 : i32 to index
          %get3A_472 = tpu.vector_load %arg18[%get3A_470, %get3A_471] {strides = array<i32>} : memref<32x512xf32, #tpu.memory_space<vmem>>, vector<16xf32>,
          %mul3A_473 = arith.mulf %get3A_456, %get3A_463 : vector<16xf32>
          %add3A_474 = arith.addf %scan3A_414, %mul3A_473 : vector<16xf32>
          %mul3A_475 = arith.mulf %get3A_449, %get3A_472 : vector<16xf32>
          %add3A_476 = arith.addf %add3A_474, %mul3A_475 : vector<16xf32>
          %mul3A_477 = arith.mulf %get3A_443, %get3A_472 : vector<16xf32>
          %add3A_478 = arith.addf %scan3A_422, %mul3A_477 : vector<16xf32>
          %mul3A_479 = arith.mulf %get3A_447, %get3A_472 : vector<16xf32>
          %add3A_480 = arith.addf %scan3A_430, %mul3A_479 : vector<16xf32>
          %add3A_481 = arith.constant 8 : i32
          %add3A_482 = arith.addi %mul3A_93, %add3A_481 : i32
          %add3A_483 = arith.constant 1 : i32
          %add3A_484 = arith.addi %add3A_482, %add3A_483 : i32
          %get3A_485 = arith.index_cast %add3A_484 : i32 to index
          %get3A_486 = arith.index_cast %mul3A_439 : i32 to index
          %get3A_487 = tpu.vector_load %arg16[%get3A_485, %get3A_486] {strides = array<i32>} : memref<32x256xf32, #tpu.memory_space<vmem>>, vector<16xf32>,
          %add3A_488 = arith.constant 8 : i32
          %add3A_489 = arith.addi %mul3A_93, %add3A_488 : i32
          %add3A_490 = arith.constant 1 : i32
          %add3A_491 = arith.addi %add3A_489, %add3A_490 : i32
          %get3A_492 = arith.index_cast %add3A_491 : i32 to index
          %get3A_493 = arith.index_cast %mul3A_439 : i32 to index
          %get3A_494 = tpu.vector_load %arg18[%get3A_492, %get3A_493] {strides = array<i32>} : memref<32x512xf32, #tpu.memory_space<vmem>>, vector<16xf32>,
          %add3A_495 = arith.constant 8 : i32
          %add3A_496 = arith.addi %mul3A_93, %add3A_495 : i32
          %add3A_497 = arith.constant 1 : i32
          %add3A_498 = arith.addi %add3A_496, %add3A_497 : i32
          %add3A_499 = arith.constant 256 : i32
          %add3A_500 = arith.addi %mul3A_439, %add3A_499 : i32
          %get3A_501 = arith.index_cast %add3A_498 : i32 to index
          %get3A_502 = arith.index_cast %add3A_500 : i32 to index
          %get3A_503 = tpu.vector_load %arg18[%get3A_501, %get3A_502] {strides = array<i32>} : memref<32x512xf32, #tpu.memory_space<vmem>>, vector<16xf32>,
          %mul3A_504 = arith.mulf %get3A_487, %get3A_494 : vector<16xf32>
          %add3A_505 = arith.addf %scan3A_415, %mul3A_504 : vector<16xf32>
          %mul3A_506 = arith.mulf %get3A_449, %get3A_503 : vector<16xf32>
          %add3A_507 = arith.addf %add3A_505, %mul3A_506 : vector<16xf32>
          %mul3A_508 = arith.mulf %get3A_443, %get3A_503 : vector<16xf32>
          %add3A_509 = arith.addf %scan3A_423, %mul3A_508 : vector<16xf32>
          %mul3A_510 = arith.mulf %get3A_447, %get3A_503 : vector<16xf32>
          %add3A_511 = arith.addf %scan3A_431, %mul3A_510 : vector<16xf32>
          %add3A_512 = arith.constant 8 : i32
          %add3A_513 = arith.addi %mul3A_93, %add3A_512 : i32
          %add3A_514 = arith.constant 2 : i32
          %add3A_515 = arith.addi %add3A_513, %add3A_514 : i32
          %get3A_516 = arith.index_cast %add3A_515 : i32 to index
          %get3A_517 = arith.index_cast %mul3A_439 : i32 to index
          %get3A_518 = tpu.vector_load %arg16[%get3A_516, %get3A_517] {strides = array<i32>} : memref<32x256xf32, #tpu.memory_space<vmem>>, vector<16xf32>,
          %add3A_519 = arith.constant 8 : i32
          %add3A_520 = arith.addi %mul3A_93, %add3A_519 : i32
          %add3A_521 = arith.constant 2 : i32
          %add3A_522 = arith.addi %add3A_520, %add3A_521 : i32
          %get3A_523 = arith.index_cast %add3A_522 : i32 to index
          %get3A_524 = arith.index_cast %mul3A_439 : i32 to index
          %get3A_525 = tpu.vector_load %arg18[%get3A_523, %get3A_524] {strides = array<i32>} : memref<32x512xf32, #tpu.memory_space<vmem>>, vector<16xf32>,
          %add3A_526 = arith.constant 8 : i32
          %add3A_527 = arith.addi %mul3A_93, %add3A_526 : i32
          %add3A_528 = arith.constant 2 : i32
          %add3A_529 = arith.addi %add3A_527, %add3A_528 : i32
          %add3A_530 = arith.constant 256 : i32
          %add3A_531 = arith.addi %mul3A_439, %add3A_530 : i32
          %get3A_532 = arith.index_cast %add3A_529 : i32 to index
          %get3A_533 = arith.index_cast %add3A_531 : i32 to index
          %get3A_534 = tpu.vector_load %arg18[%get3A_532, %get3A_533] {strides = array<i32>} : memref<32x512xf32, #tpu.memory_space<vmem>>, vector<16xf32>,
          %mul3A_535 = arith.mulf %get3A_518, %get3A_525 : vector<16xf32>
          %add3A_536 = arith.addf %scan3A_416, %mul3A_535 : vector<16xf32>
          %mul3A_537 = arith.mulf %get3A_449, %get3A_534 : vector<16xf32>
          %add3A_538 = arith.addf %add3A_536, %mul3A_537 : vector<16xf32>
          %mul3A_539 = arith.mulf %get3A_443, %get3A_534 : vector<16xf32>
          %add3A_540 = arith.addf %scan3A_424, %mul3A_539 : vector<16xf32>
          %mul3A_541 = arith.mulf %get3A_447, %get3A_534 : vector<16xf32>
          %add3A_542 = arith.addf %scan3A_432, %mul3A_541 : vector<16xf32>
          %add3A_543 = arith.constant 8 : i32
          %add3A_544 = arith.addi %mul3A_93, %add3A_543 : i32
          %add3A_545 = arith.constant 3 : i32
          %add3A_546 = arith.addi %add3A_544, %add3A_545 : i32
          %get3A_547 = arith.index_cast %add3A_546 : i32 to index
          %get3A_548 = arith.index_cast %mul3A_439 : i32 to index
          %get3A_549 = tpu.vector_load %arg16[%get3A_547, %get3A_548] {strides = array<i32>} : memref<32x256xf32, #tpu.memory_space<vmem>>, vector<16xf32>,
          %add3A_550 = arith.constant 8 : i32
          %add3A_551 = arith.addi %mul3A_93, %add3A_550 : i32
          %add3A_552 = arith.constant 3 : i32
          %add3A_553 = arith.addi %add3A_551, %add3A_552 : i32
          %get3A_554 = arith.index_cast %add3A_553 : i32 to index
          %get3A_555 = arith.index_cast %mul3A_439 : i32 to index
          %get3A_556 = tpu.vector_load %arg18[%get3A_554, %get3A_555] {strides = array<i32>} : memref<32x512xf32, #tpu.memory_space<vmem>>, vector<16xf32>,
          %add3A_557 = arith.constant 8 : i32
          %add3A_558 = arith.addi %mul3A_93, %add3A_557 : i32
          %add3A_559 = arith.constant 3 : i32
          %add3A_560 = arith.addi %add3A_558, %add3A_559 : i32
          %add3A_561 = arith.constant 256 : i32
          %add3A_562 = arith.addi %mul3A_439, %add3A_561 : i32
          %get3A_563 = arith.index_cast %add3A_560 : i32 to index
          %get3A_564 = arith.index_cast %add3A_562 : i32 to index
          %get3A_565 = tpu.vector_load %arg18[%get3A_563, %get3A_564] {strides = array<i32>} : memref<32x512xf32, #tpu.memory_space<vmem>>, vector<16xf32>,
          %mul3A_566 = arith.mulf %get3A_549, %get3A_556 : vector<16xf32>
          %add3A_567 = arith.addf %scan3A_417, %mul3A_566 : vector<16xf32>
          %mul3A_568 = arith.mulf %get3A_449, %get3A_565 : vector<16xf32>
          %add3A_569 = arith.addf %add3A_567, %mul3A_568 : vector<16xf32>
          %mul3A_570 = arith.mulf %get3A_443, %get3A_565 : vector<16xf32>
          %add3A_571 = arith.addf %scan3A_425, %mul3A_570 : vector<16xf32>
          %mul3A_572 = arith.mulf %get3A_447, %get3A_565 : vector<16xf32>
          %add3A_573 = arith.addf %scan3A_433, %mul3A_572 : vector<16xf32>
          %add3A_574 = arith.constant 8 : i32
          %add3A_575 = arith.addi %mul3A_93, %add3A_574 : i32
          %add3A_576 = arith.constant 4 : i32
          %add3A_577 = arith.addi %add3A_575, %add3A_576 : i32
          %get3A_578 = arith.index_cast %add3A_577 : i32 to index
          %get3A_579 = arith.index_cast %mul3A_439 : i32 to index
          %get3A_580 = tpu.vector_load %arg16[%get3A_578, %get3A_579] {strides = array<i32>} : memref<32x256xf32, #tpu.memory_space<vmem>>, vector<16xf32>,
          %add3A_581 = arith.constant 8 : i32
          %add3A_582 = arith.addi %mul3A_93, %add3A_581 : i32
          %add3A_583 = arith.constant 4 : i32
          %add3A_584 = arith.addi %add3A_582, %add3A_583 : i32
          %get3A_585 = arith.index_cast %add3A_584 : i32 to index
          %get3A_586 = arith.index_cast %mul3A_439 : i32 to index
          %get3A_587 = tpu.vector_load %arg18[%get3A_585, %get3A_586] {strides = array<i32>} : memref<32x512xf32, #tpu.memory_space<vmem>>, vector<16xf32>,
          %add3A_588 = arith.constant 8 : i32
          %add3A_589 = arith.addi %mul3A_93, %add3A_588 : i32
          %add3A_590 = arith.constant 4 : i32
          %add3A_591 = arith.addi %add3A_589, %add3A_590 : i32
          %add3A_592 = arith.constant 256 : i32
          %add3A_593 = arith.addi %mul3A_439, %add3A_592 : i32
          %get3A_594 = arith.index_cast %add3A_591 : i32 to index
          %get3A_595 = arith.index_cast %add3A_593 : i32 to index
          %get3A_596 = tpu.vector_load %arg18[%get3A_594, %get3A_595] {strides = array<i32>} : memref<32x512xf32, #tpu.memory_space<vmem>>, vector<16xf32>,
          %mul3A_597 = arith.mulf %get3A_580, %get3A_587 : vector<16xf32>
          %add3A_598 = arith.addf %scan3A_418, %mul3A_597 : vector<16xf32>
          %mul3A_599 = arith.mulf %get3A_449, %get3A_596 : vector<16xf32>
          %add3A_600 = arith.addf %add3A_598, %mul3A_599 : vector<16xf32>
          %mul3A_601 = arith.mulf %get3A_443, %get3A_596 : vector<16xf32>
          %add3A_602 = arith.addf %scan3A_426, %mul3A_601 : vector<16xf32>
          %mul3A_603 = arith.mulf %get3A_447, %get3A_596 : vector<16xf32>
          %add3A_604 = arith.addf %scan3A_434, %mul3A_603 : vector<16xf32>
          %add3A_605 = arith.constant 8 : i32
          %add3A_606 = arith.addi %mul3A_93, %add3A_605 : i32
          %add3A_607 = arith.constant 5 : i32
          %add3A_608 = arith.addi %add3A_606, %add3A_607 : i32
          %get3A_609 = arith.index_cast %add3A_608 : i32 to index
          %get3A_610 = arith.index_cast %mul3A_439 : i32 to index
          %get3A_611 = tpu.vector_load %arg16[%get3A_609, %get3A_610] {strides = array<i32>} : memref<32x256xf32, #tpu.memory_space<vmem>>, vector<16xf32>,
          %add3A_612 = arith.constant 8 : i32
          %add3A_613 = arith.addi %mul3A_93, %add3A_612 : i32
          %add3A_614 = arith.constant 5 : i32
          %add3A_615 = arith.addi %add3A_613, %add3A_614 : i32
          %get3A_616 = arith.index_cast %add3A_615 : i32 to index
          %get3A_617 = arith.index_cast %mul3A_439 : i32 to index
          %get3A_618 = tpu.vector_load %arg18[%get3A_616, %get3A_617] {strides = array<i32>} : memref<32x512xf32, #tpu.memory_space<vmem>>, vector<16xf32>,
          %add3A_619 = arith.constant 8 : i32
          %add3A_620 = arith.addi %mul3A_93, %add3A_619 : i32
          %add3A_621 = arith.constant 5 : i32
          %add3A_622 = arith.addi %add3A_620, %add3A_621 : i32
          %add3A_623 = arith.constant 256 : i32
          %add3A_624 = arith.addi %mul3A_439, %add3A_623 : i32
          %get3A_625 = arith.index_cast %add3A_622 : i32 to index
          %get3A_626 = arith.index_cast %add3A_624 : i32 to index
          %get3A_627 = tpu.vector_load %arg18[%get3A_625, %get3A_626] {strides = array<i32>} : memref<32x512xf32, #tpu.memory_space<vmem>>, vector<16xf32>,
          %mul3A_628 = arith.mulf %get3A_611, %get3A_618 : vector<16xf32>
          %add3A_629 = arith.addf %scan3A_419, %mul3A_628 : vector<16xf32>
          %mul3A_630 = arith.mulf %get3A_449, %get3A_627 : vector<16xf32>
          %add3A_631 = arith.addf %add3A_629, %mul3A_630 : vector<16xf32>
          %mul3A_632 = arith.mulf %get3A_443, %get3A_627 : vector<16xf32>
          %add3A_633 = arith.addf %scan3A_427, %mul3A_632 : vector<16xf32>
          %mul3A_634 = arith.mulf %get3A_447, %get3A_627 : vector<16xf32>
          %add3A_635 = arith.addf %scan3A_435, %mul3A_634 : vector<16xf32>
          %add3A_636 = arith.constant 8 : i32
          %add3A_637 = arith.addi %mul3A_93, %add3A_636 : i32
          %add3A_638 = arith.constant 6 : i32
          %add3A_639 = arith.addi %add3A_637, %add3A_638 : i32
          %get3A_640 = arith.index_cast %add3A_639 : i32 to index
          %get3A_641 = arith.index_cast %mul3A_439 : i32 to index
          %get3A_642 = tpu.vector_load %arg16[%get3A_640, %get3A_641] {strides = array<i32>} : memref<32x256xf32, #tpu.memory_space<vmem>>, vector<16xf32>,
          %add3A_643 = arith.constant 8 : i32
          %add3A_644 = arith.addi %mul3A_93, %add3A_643 : i32
          %add3A_645 = arith.constant 6 : i32
          %add3A_646 = arith.addi %add3A_644, %add3A_645 : i32
          %get3A_647 = arith.index_cast %add3A_646 : i32 to index
          %get3A_648 = arith.index_cast %mul3A_439 : i32 to index
          %get3A_649 = tpu.vector_load %arg18[%get3A_647, %get3A_648] {strides = array<i32>} : memref<32x512xf32, #tpu.memory_space<vmem>>, vector<16xf32>,
          %add3A_650 = arith.constant 8 : i32
          %add3A_651 = arith.addi %mul3A_93, %add3A_650 : i32
          %add3A_652 = arith.constant 6 : i32
          %add3A_653 = arith.addi %add3A_651, %add3A_652 : i32
          %add3A_654 = arith.constant 256 : i32
          %add3A_655 = arith.addi %mul3A_439, %add3A_654 : i32
          %get3A_656 = arith.index_cast %add3A_653 : i32 to index
          %get3A_657 = arith.index_cast %add3A_655 : i32 to index
          %get3A_658 = tpu.vector_load %arg18[%get3A_656, %get3A_657] {strides = array<i32>} : memref<32x512xf32, #tpu.memory_space<vmem>>, vector<16xf32>,
          %mul3A_659 = arith.mulf %get3A_642, %get3A_649 : vector<16xf32>
          %add3A_660 = arith.addf %scan3A_420, %mul3A_659 : vector<16xf32>
          %mul3A_661 = arith.mulf %get3A_449, %get3A_658 : vector<16xf32>
          %add3A_662 = arith.addf %add3A_660, %mul3A_661 : vector<16xf32>
          %mul3A_663 = arith.mulf %get3A_443, %get3A_658 : vector<16xf32>
          %add3A_664 = arith.addf %scan3A_428, %mul3A_663 : vector<16xf32>
          %mul3A_665 = arith.mulf %get3A_447, %get3A_658 : vector<16xf32>
          %add3A_666 = arith.addf %scan3A_436, %mul3A_665 : vector<16xf32>
          %add3A_667 = arith.constant 8 : i32
          %add3A_668 = arith.addi %mul3A_93, %add3A_667 : i32
          %add3A_669 = arith.constant 7 : i32
          %add3A_670 = arith.addi %add3A_668, %add3A_669 : i32
          %get3A_671 = arith.index_cast %add3A_670 : i32 to index
          %get3A_672 = arith.index_cast %mul3A_439 : i32 to index
          %get3A_673 = tpu.vector_load %arg16[%get3A_671, %get3A_672] {strides = array<i32>} : memref<32x256xf32, #tpu.memory_space<vmem>>, vector<16xf32>,
          %add3A_674 = arith.constant 8 : i32
          %add3A_675 = arith.addi %mul3A_93, %add3A_674 : i32
          %add3A_676 = arith.constant 7 : i32
          %add3A_677 = arith.addi %add3A_675, %add3A_676 : i32
          %get3A_678 = arith.index_cast %add3A_677 : i32 to index
          %get3A_679 = arith.index_cast %mul3A_439 : i32 to index
          %get3A_680 = tpu.vector_load %arg18[%get3A_678, %get3A_679] {strides = array<i32>} : memref<32x512xf32, #tpu.memory_space<vmem>>, vector<16xf32>,
          %add3A_681 = arith.constant 8 : i32
          %add3A_682 = arith.addi %mul3A_93, %add3A_681 : i32
          %add3A_683 = arith.constant 7 : i32
          %add3A_684 = arith.addi %add3A_682, %add3A_683 : i32
          %add3A_685 = arith.constant 256 : i32
          %add3A_686 = arith.addi %mul3A_439, %add3A_685 : i32
          %get3A_687 = arith.index_cast %add3A_684 : i32 to index
          %get3A_688 = arith.index_cast %add3A_686 : i32 to index
          %get3A_689 = tpu.vector_load %arg18[%get3A_687, %get3A_688] {strides = array<i32>} : memref<32x512xf32, #tpu.memory_space<vmem>>, vector<16xf32>,
          %mul3A_690 = arith.mulf %get3A_673, %get3A_680 : vector<16xf32>
          %add3A_691 = arith.addf %scan3A_421, %mul3A_690 : vector<16xf32>
          %mul3A_692 = arith.mulf %get3A_449, %get3A_689 : vector<16xf32>
          %add3A_693 = arith.addf %add3A_691, %mul3A_692 : vector<16xf32>
          %mul3A_694 = arith.mulf %get3A_443, %get3A_689 : vector<16xf32>
          %add3A_695 = arith.addf %scan3A_429, %mul3A_694 : vector<16xf32>
          %mul3A_696 = arith.mulf %get3A_447, %get3A_689 : vector<16xf32>
          %add3A_697 = arith.addf %scan3A_437, %mul3A_696 : vector<16xf32>
          scf.yield %add3A_476, %add3A_507, %add3A_538, %add3A_569, %add3A_600, %add3A_631, %add3A_662, %add3A_693, %add3A_478, %add3A_509, %add3A_540, %add3A_571, %add3A_602, %add3A_633, %add3A_664, %add3A_695, %add3A_480, %add3A_511, %add3A_542, %add3A_573, %add3A_604, %add3A_635, %add3A_666, %add3A_697 : vector<16xf32>, vector<16xf32>, vector<16xf32>, vector<16xf32>, vector<16xf32>, vector<16xf32>, vector<16xf32>, vector<16xf32>, vector<16xf32>, vector<16xf32>, vector<16xf32>, vector<16xf32>, vector<16xf32>, vector<16xf32>, vector<16xf32>, vector<16xf32>, vector<16xf32>, vector<16xf32>, vector<16xf32>, vector<16xf32>, vector<16xf32>, vector<16xf32>, vector<16xf32>, vector<16xf32>
        }
        %scan3A_259 = arith.constant 16 : i32
        %slice3A_260 = vector.extract_strided_slice %get3A_97 {offsets = [8], sizes = [1], strides = [1]} : vector<16xf32> to vector<1xf32>
        %squeeze3A_261 = vector.extract %slice3A_260[0] : f32 from vector<1xf32>
        %mul3A_262 = vector.broadcast %squeeze3A_261 : f32 to vector<16xf32>
        %mul3A_263 = arith.mulf %mul3A_262, %scan3A_258#8 : vector<16xf32>
        %add3A_264 = arith.addf %scan3A_258#0, %mul3A_263 : vector<16xf32>
        %slice3A_265 = vector.extract_strided_slice %get3A_99 {offsets = [8], sizes = [1], strides = [1]} : vector<16xf32> to vector<1xf32>
        %squeeze3A_266 = vector.extract %slice3A_265[0] : f32 from vector<1xf32>
        %mul3A_267 = vector.broadcast %squeeze3A_266 : f32 to vector<16xf32>
        %mul3A_268 = arith.mulf %mul3A_267, %scan3A_258#16 : vector<16xf32>
        %add3A_269 = arith.addf %add3A_264, %mul3A_268 : vector<16xf32>
        %eq3A_270 = arith.constant 8 : i32
        %eq3A_271 = vector.broadcast %eq3A_270 : i32 to vector<16xi32>
        %eq3A_272 = arith.cmpi eq, %iota3A, %eq3A_271 : vector<16xi32>
        %reduce_sum3A_273 = arith.constant true
        %reduce_sum3A_274 = vector.broadcast %reduce_sum3A_273 : i1 to vector<16xi1>
        %reduce_sum3A_275 = tpu.scan <sum>, %add3A_269 masked %reduce_sum3A_274 : vector<16xf32>, vector<16xi1> -> vector<16xf32>
        %reduce_sum3A_276 = vector.extract %reduce_sum3A_275[15] : f32 from vector<16xf32>
        %broadcast_in_dim3A_277 = vector.broadcast %reduce_sum3A_276 : f32 to vector<16xf32>
        %select_n3A_278 = arith.select %eq3A_272, %broadcast_in_dim3A_277, %select_n3A_253 : vector<16xi1>, vector<16xf32>
        %slice3A_279 = vector.extract_strided_slice %get3A_97 {offsets = [9], sizes = [1], strides = [1]} : vector<16xf32> to vector<1xf32>
        %squeeze3A_280 = vector.extract %slice3A_279[0] : f32 from vector<1xf32>
        %mul3A_281 = vector.broadcast %squeeze3A_280 : f32 to vector<16xf32>
        %mul3A_282 = arith.mulf %mul3A_281, %scan3A_258#9 : vector<16xf32>
        %add3A_283 = arith.addf %scan3A_258#1, %mul3A_282 : vector<16xf32>
        %slice3A_284 = vector.extract_strided_slice %get3A_99 {offsets = [9], sizes = [1], strides = [1]} : vector<16xf32> to vector<1xf32>
        %squeeze3A_285 = vector.extract %slice3A_284[0] : f32 from vector<1xf32>
        %mul3A_286 = vector.broadcast %squeeze3A_285 : f32 to vector<16xf32>
        %mul3A_287 = arith.mulf %mul3A_286, %scan3A_258#17 : vector<16xf32>
        %add3A_288 = arith.addf %add3A_283, %mul3A_287 : vector<16xf32>
        %eq3A_289 = arith.constant 9 : i32
        %eq3A_290 = vector.broadcast %eq3A_289 : i32 to vector<16xi32>
        %eq3A_291 = arith.cmpi eq, %iota3A, %eq3A_290 : vector<16xi32>
        %reduce_sum3A_292 = arith.constant true
        %reduce_sum3A_293 = vector.broadcast %reduce_sum3A_292 : i1 to vector<16xi1>
        %reduce_sum3A_294 = tpu.scan <sum>, %add3A_288 masked %reduce_sum3A_293 : vector<16xf32>, vector<16xi1> -> vector<16xf32>
        %reduce_sum3A_295 = vector.extract %reduce_sum3A_294[15] : f32 from vector<16xf32>
        %broadcast_in_dim3A_296 = vector.broadcast %reduce_sum3A_295 : f32 to vector<16xf32>
        %select_n3A_297 = arith.select %eq3A_291, %broadcast_in_dim3A_296, %select_n3A_278 : vector<16xi1>, vector<16xf32>
        %slice3A_298 = vector.extract_strided_slice %get3A_97 {offsets = [10], sizes = [1], strides = [1]} : vector<16xf32> to vector<1xf32>
        %squeeze3A_299 = vector.extract %slice3A_298[0] : f32 from vector<1xf32>
        %mul3A_300 = vector.broadcast %squeeze3A_299 : f32 to vector<16xf32>
        %mul3A_301 = arith.mulf %mul3A_300, %scan3A_258#10 : vector<16xf32>
        %add3A_302 = arith.addf %scan3A_258#2, %mul3A_301 : vector<16xf32>
        %slice3A_303 = vector.extract_strided_slice %get3A_99 {offsets = [10], sizes = [1], strides = [1]} : vector<16xf32> to vector<1xf32>
        %squeeze3A_304 = vector.extract %slice3A_303[0] : f32 from vector<1xf32>
        %mul3A_305 = vector.broadcast %squeeze3A_304 : f32 to vector<16xf32>
        %mul3A_306 = arith.mulf %mul3A_305, %scan3A_258#18 : vector<16xf32>
        %add3A_307 = arith.addf %add3A_302, %mul3A_306 : vector<16xf32>
        %eq3A_308 = arith.constant 10 : i32
        %eq3A_309 = vector.broadcast %eq3A_308 : i32 to vector<16xi32>
        %eq3A_310 = arith.cmpi eq, %iota3A, %eq3A_309 : vector<16xi32>
        %reduce_sum3A_311 = arith.constant true
        %reduce_sum3A_312 = vector.broadcast %reduce_sum3A_311 : i1 to vector<16xi1>
        %reduce_sum3A_313 = tpu.scan <sum>, %add3A_307 masked %reduce_sum3A_312 : vector<16xf32>, vector<16xi1> -> vector<16xf32>
        %reduce_sum3A_314 = vector.extract %reduce_sum3A_313[15] : f32 from vector<16xf32>
        %broadcast_in_dim3A_315 = vector.broadcast %reduce_sum3A_314 : f32 to vector<16xf32>
        %select_n3A_316 = arith.select %eq3A_310, %broadcast_in_dim3A_315, %select_n3A_297 : vector<16xi1>, vector<16xf32>
        %slice3A_317 = vector.extract_strided_slice %get3A_97 {offsets = [11], sizes = [1], strides = [1]} : vector<16xf32> to vector<1xf32>
        %squeeze3A_318 = vector.extract %slice3A_317[0] : f32 from vector<1xf32>
        %mul3A_319 = vector.broadcast %squeeze3A_318 : f32 to vector<16xf32>
        %mul3A_320 = arith.mulf %mul3A_319, %scan3A_258#11 : vector<16xf32>
        %add3A_321 = arith.addf %scan3A_258#3, %mul3A_320 : vector<16xf32>
        %slice3A_322 = vector.extract_strided_slice %get3A_99 {offsets = [11], sizes = [1], strides = [1]} : vector<16xf32> to vector<1xf32>
        %squeeze3A_323 = vector.extract %slice3A_322[0] : f32 from vector<1xf32>
        %mul3A_324 = vector.broadcast %squeeze3A_323 : f32 to vector<16xf32>
        %mul3A_325 = arith.mulf %mul3A_324, %scan3A_258#19 : vector<16xf32>
        %add3A_326 = arith.addf %add3A_321, %mul3A_325 : vector<16xf32>
        %eq3A_327 = arith.constant 11 : i32
        %eq3A_328 = vector.broadcast %eq3A_327 : i32 to vector<16xi32>
        %eq3A_329 = arith.cmpi eq, %iota3A, %eq3A_328 : vector<16xi32>
        %reduce_sum3A_330 = arith.constant true
        %reduce_sum3A_331 = vector.broadcast %reduce_sum3A_330 : i1 to vector<16xi1>
        %reduce_sum3A_332 = tpu.scan <sum>, %add3A_326 masked %reduce_sum3A_331 : vector<16xf32>, vector<16xi1> -> vector<16xf32>
        %reduce_sum3A_333 = vector.extract %reduce_sum3A_332[15] : f32 from vector<16xf32>
        %broadcast_in_dim3A_334 = vector.broadcast %reduce_sum3A_333 : f32 to vector<16xf32>
        %select_n3A_335 = arith.select %eq3A_329, %broadcast_in_dim3A_334, %select_n3A_316 : vector<16xi1>, vector<16xf32>
        %slice3A_336 = vector.extract_strided_slice %get3A_97 {offsets = [12], sizes = [1], strides = [1]} : vector<16xf32> to vector<1xf32>
        %squeeze3A_337 = vector.extract %slice3A_336[0] : f32 from vector<1xf32>
        %mul3A_338 = vector.broadcast %squeeze3A_337 : f32 to vector<16xf32>
        %mul3A_339 = arith.mulf %mul3A_338, %scan3A_258#12 : vector<16xf32>
        %add3A_340 = arith.addf %scan3A_258#4, %mul3A_339 : vector<16xf32>
        %slice3A_341 = vector.extract_strided_slice %get3A_99 {offsets = [12], sizes = [1], strides = [1]} : vector<16xf32> to vector<1xf32>
        %squeeze3A_342 = vector.extract %slice3A_341[0] : f32 from vector<1xf32>
        %mul3A_343 = vector.broadcast %squeeze3A_342 : f32 to vector<16xf32>
        %mul3A_344 = arith.mulf %mul3A_343, %scan3A_258#20 : vector<16xf32>
        %add3A_345 = arith.addf %add3A_340, %mul3A_344 : vector<16xf32>
        %eq3A_346 = arith.constant 12 : i32
        %eq3A_347 = vector.broadcast %eq3A_346 : i32 to vector<16xi32>
        %eq3A_348 = arith.cmpi eq, %iota3A, %eq3A_347 : vector<16xi32>
        %reduce_sum3A_349 = arith.constant true
        %reduce_sum3A_350 = vector.broadcast %reduce_sum3A_349 : i1 to vector<16xi1>
        %reduce_sum3A_351 = tpu.scan <sum>, %add3A_345 masked %reduce_sum3A_350 : vector<16xf32>, vector<16xi1> -> vector<16xf32>
        %reduce_sum3A_352 = vector.extract %reduce_sum3A_351[15] : f32 from vector<16xf32>
        %broadcast_in_dim3A_353 = vector.broadcast %reduce_sum3A_352 : f32 to vector<16xf32>
        %select_n3A_354 = arith.select %eq3A_348, %broadcast_in_dim3A_353, %select_n3A_335 : vector<16xi1>, vector<16xf32>
        %slice3A_355 = vector.extract_strided_slice %get3A_97 {offsets = [13], sizes = [1], strides = [1]} : vector<16xf32> to vector<1xf32>
        %squeeze3A_356 = vector.extract %slice3A_355[0] : f32 from vector<1xf32>
        %mul3A_357 = vector.broadcast %squeeze3A_356 : f32 to vector<16xf32>
        %mul3A_358 = arith.mulf %mul3A_357, %scan3A_258#13 : vector<16xf32>
        %add3A_359 = arith.addf %scan3A_258#5, %mul3A_358 : vector<16xf32>
        %slice3A_360 = vector.extract_strided_slice %get3A_99 {offsets = [13], sizes = [1], strides = [1]} : vector<16xf32> to vector<1xf32>
        %squeeze3A_361 = vector.extract %slice3A_360[0] : f32 from vector<1xf32>
        %mul3A_362 = vector.broadcast %squeeze3A_361 : f32 to vector<16xf32>
        %mul3A_363 = arith.mulf %mul3A_362, %scan3A_258#21 : vector<16xf32>
        %add3A_364 = arith.addf %add3A_359, %mul3A_363 : vector<16xf32>
        %eq3A_365 = arith.constant 13 : i32
        %eq3A_366 = vector.broadcast %eq3A_365 : i32 to vector<16xi32>
        %eq3A_367 = arith.cmpi eq, %iota3A, %eq3A_366 : vector<16xi32>
        %reduce_sum3A_368 = arith.constant true
        %reduce_sum3A_369 = vector.broadcast %reduce_sum3A_368 : i1 to vector<16xi1>
        %reduce_sum3A_370 = tpu.scan <sum>, %add3A_364 masked %reduce_sum3A_369 : vector<16xf32>, vector<16xi1> -> vector<16xf32>
        %reduce_sum3A_371 = vector.extract %reduce_sum3A_370[15] : f32 from vector<16xf32>
        %broadcast_in_dim3A_372 = vector.broadcast %reduce_sum3A_371 : f32 to vector<16xf32>
        %select_n3A_373 = arith.select %eq3A_367, %broadcast_in_dim3A_372, %select_n3A_354 : vector<16xi1>, vector<16xf32>
        %slice3A_374 = vector.extract_strided_slice %get3A_97 {offsets = [14], sizes = [1], strides = [1]} : vector<16xf32> to vector<1xf32>
        %squeeze3A_375 = vector.extract %slice3A_374[0] : f32 from vector<1xf32>
        %mul3A_376 = vector.broadcast %squeeze3A_375 : f32 to vector<16xf32>
        %mul3A_377 = arith.mulf %mul3A_376, %scan3A_258#14 : vector<16xf32>
        %add3A_378 = arith.addf %scan3A_258#6, %mul3A_377 : vector<16xf32>
        %slice3A_379 = vector.extract_strided_slice %get3A_99 {offsets = [14], sizes = [1], strides = [1]} : vector<16xf32> to vector<1xf32>
        %squeeze3A_380 = vector.extract %slice3A_379[0] : f32 from vector<1xf32>
        %mul3A_381 = vector.broadcast %squeeze3A_380 : f32 to vector<16xf32>
        %mul3A_382 = arith.mulf %mul3A_381, %scan3A_258#22 : vector<16xf32>
        %add3A_383 = arith.addf %add3A_378, %mul3A_382 : vector<16xf32>
        %eq3A_384 = arith.constant 14 : i32
        %eq3A_385 = vector.broadcast %eq3A_384 : i32 to vector<16xi32>
        %eq3A_386 = arith.cmpi eq, %iota3A, %eq3A_385 : vector<16xi32>
        %reduce_sum3A_387 = arith.constant true
        %reduce_sum3A_388 = vector.broadcast %reduce_sum3A_387 : i1 to vector<16xi1>
        %reduce_sum3A_389 = tpu.scan <sum>, %add3A_383 masked %reduce_sum3A_388 : vector<16xf32>, vector<16xi1> -> vector<16xf32>
        %reduce_sum3A_390 = vector.extract %reduce_sum3A_389[15] : f32 from vector<16xf32>
        %broadcast_in_dim3A_391 = vector.broadcast %reduce_sum3A_390 : f32 to vector<16xf32>
        %select_n3A_392 = arith.select %eq3A_386, %broadcast_in_dim3A_391, %select_n3A_373 : vector<16xi1>, vector<16xf32>
        %slice3A_393 = vector.extract_strided_slice %get3A_97 {offsets = [15], sizes = [1], strides = [1]} : vector<16xf32> to vector<1xf32>
        %squeeze3A_394 = vector.extract %slice3A_393[0] : f32 from vector<1xf32>
        %mul3A_395 = vector.broadcast %squeeze3A_394 : f32 to vector<16xf32>
        %mul3A_396 = arith.mulf %mul3A_395, %scan3A_258#15 : vector<16xf32>
        %add3A_397 = arith.addf %scan3A_258#7, %mul3A_396 : vector<16xf32>
        %slice3A_398 = vector.extract_strided_slice %get3A_99 {offsets = [15], sizes = [1], strides = [1]} : vector<16xf32> to vector<1xf32>
        %squeeze3A_399 = vector.extract %slice3A_398[0] : f32 from vector<1xf32>
        %mul3A_400 = vector.broadcast %squeeze3A_399 : f32 to vector<16xf32>
        %mul3A_401 = arith.mulf %mul3A_400, %scan3A_258#23 : vector<16xf32>
        %add3A_402 = arith.addf %add3A_397, %mul3A_401 : vector<16xf32>
        %eq3A_403 = arith.constant 15 : i32
        %eq3A_404 = vector.broadcast %eq3A_403 : i32 to vector<16xi32>
        %eq3A_405 = arith.cmpi eq, %iota3A, %eq3A_404 : vector<16xi32>
        %reduce_sum3A_406 = arith.constant true
        %reduce_sum3A_407 = vector.broadcast %reduce_sum3A_406 : i1 to vector<16xi1>
        %reduce_sum3A_408 = tpu.scan <sum>, %add3A_402 masked %reduce_sum3A_407 : vector<16xf32>, vector<16xi1> -> vector<16xf32>
        %reduce_sum3A_409 = vector.extract %reduce_sum3A_408[15] : f32 from vector<16xf32>
        %broadcast_in_dim3A_410 = vector.broadcast %reduce_sum3A_409 : f32 to vector<16xf32>
        %select_n3A_411 = arith.select %eq3A_405, %broadcast_in_dim3A_410, %select_n3A_392 : vector<16xi1>, vector<16xf32>
        %swap3A = arith.index_cast %add3A_96 : i32 to index
        %swap3A_412 = tpu.vector_load %arg15[%swap3A] {strides = array<i32>} : memref<512xf32, #tpu.memory_space<vmem>>, vector<16xf32>,
        tpu.vector_store %arg15[%swap3A], %select_n3A_411 {strides = array<i32>} : memref<512xf32, #tpu.memory_space<vmem>>, vector<16xf32>,
      }
      %scan3A_66 = arith.constant 2 : i32
      %lt3A = arith.constant 7 : i32
      %lt3A_67 = arith.cmpi slt, %scan3A_32, %lt3A : i32
      %convert_element_type3A = arith.extui %lt3A_67 : i1 to i32
      %cond3A = arith.constant 0 : i32
      %cond3A_68 = arith.cmpi ne, %convert_element_type3A, %cond3A : i32
      scf.if %cond3A_68 {
        %add3A_91 = arith.constant 2 : i32
        %add3A_92 = arith.addi %mul3A_34, %add3A_91 : i32
        %mul3A_93 = arith.constant 32 : i32
        %mul3A_94 = arith.muli %add3A_92, %mul3A_93 : i32
        %dma_start3A_95 = tpu.memref_slice %arg11[%mul3A_94] : memref<512xi32, #tpu.memory_space<vmem>> -> memref<32xi32, #tpu.memory_space<vmem>>
        %dma_start3A_96 = arith.constant 0 : i32
        %dma_start3A_97 = arith.constant 0 : i32
        %dma_start3A_98 = tpu.memref_slice %arg8[%dma_start3A_96, %dma_start3A_97] : memref<100000x256xf32, #tpu.memory_space<hbm>> -> memref<100000x256xf32, #tpu.memory_space<hbm>>
        tpu.enqueue_indirect_dma source(%dma_start3A_98 : memref<100000x256xf32, #tpu.memory_space<hbm>>) target(%arg16 : memref<32x256xf32, #tpu.memory_space<vmem>>) offsets(%dma_start3A_95 : memref<32xi32, #tpu.memory_space<vmem>>) semaphore(%arg22 : memref<!tpu.dma_semaphore, #tpu.memory_space<semaphore_mem>>)
        %mul3A_99 = arith.constant 32 : i32
        %mul3A_100 = arith.muli %add3A_92, %mul3A_99 : i32
        %dma_start3A_101 = tpu.memref_slice %arg12[%mul3A_100] : memref<512xi32, #tpu.memory_space<vmem>> -> memref<32xi32, #tpu.memory_space<vmem>>
        %dma_start3A_102 = arith.constant 0 : i32
        %dma_start3A_103 = arith.constant 0 : i32
        %dma_start3A_104 = tpu.memref_slice %arg9[%dma_start3A_102, %dma_start3A_103] : memref<100000x512xf32, #tpu.memory_space<hbm>> -> memref<100000x512xf32, #tpu.memory_space<hbm>>
        tpu.enqueue_indirect_dma source(%dma_start3A_104 : memref<100000x512xf32, #tpu.memory_space<hbm>>) target(%arg18 : memref<32x512xf32, #tpu.memory_space<vmem>>) offsets(%dma_start3A_101 : memref<32xi32, #tpu.memory_space<vmem>>) semaphore(%arg24 : memref<!tpu.dma_semaphore, #tpu.memory_space<semaphore_mem>>)
      } else {
      }
      %add3A_69 = arith.constant 1 : i32
      %add3A_70 = arith.addi %mul3A_34, %add3A_69 : i32
      %mul3A_71 = arith.constant 32 : i32
      %mul3A_72 = arith.muli %add3A_70, %mul3A_71 : i32
      %dma_wait3A_73 = tpu.memref_slice %arg11[%mul3A_72] : memref<512xi32, #tpu.memory_space<vmem>> -> memref<32xi32, #tpu.memory_space<vmem>>
      %dma_wait3A_74 = arith.constant 0 : i32
      %dma_wait3A_75 = arith.constant 0 : i32
      %dma_wait3A_76 = tpu.memref_slice %arg8[%dma_wait3A_74, %dma_wait3A_75] : memref<100000x256xf32, #tpu.memory_space<hbm>> -> memref<100000x256xf32, #tpu.memory_space<hbm>>
      tpu.wait_indirect_dma semaphore(%arg23 : memref<!tpu.dma_semaphore, #tpu.memory_space<semaphore_mem>>) src(%dma_wait3A_76 : memref<100000x256xf32, #tpu.memory_space<hbm>>) dst(%arg17 : memref<32x256xf32, #tpu.memory_space<vmem>>)
      %mul3A_77 = arith.constant 32 : i32
      %mul3A_78 = arith.muli %add3A_70, %mul3A_77 : i32
      %dma_wait3A_79 = tpu.memref_slice %arg12[%mul3A_78] : memref<512xi32, #tpu.memory_space<vmem>> -> memref<32xi32, #tpu.memory_space<vmem>>
      %dma_wait3A_80 = arith.constant 0 : i32
      %dma_wait3A_81 = arith.constant 0 : i32
      %dma_wait3A_82 = tpu.memref_slice %arg9[%dma_wait3A_80, %dma_wait3A_81] : memref<100000x512xf32, #tpu.memory_space<hbm>> -> memref<100000x512xf32, #tpu.memory_space<hbm>>
      tpu.wait_indirect_dma semaphore(%arg25 : memref<!tpu.dma_semaphore, #tpu.memory_space<semaphore_mem>>) src(%dma_wait3A_82 : memref<100000x512xf32, #tpu.memory_space<hbm>>) dst(%arg19 : memref<32x512xf32, #tpu.memory_space<vmem>>)
      %add3A_83 = arith.constant 1 : i32
      %add3A_84 = arith.addi %mul3A_34, %add3A_83 : i32
      %scan3A_85 = arith.constant 0 : i32
      %scan3A_86 = arith.constant 0 : i32
      %scan3A_87 = arith.constant 2 : i32
      %scan3A_88 = arith.addi %scan3A_86, %scan3A_87 : i32
      %scan3A_89 = arith.constant 1 : i32
      scf.for %scan3A_91 = %scan3A_86 to %scan3A_88 step %scan3A_89  : i32 {
        %mul3A_92 = arith.constant 16 : i32
        %mul3A_93 = arith.muli %scan3A_91, %mul3A_92 : i32
        %mul3A_94 = arith.constant 32 : i32
        %mul3A_95 = arith.muli %add3A_84, %mul3A_94 : i32
        %add3A_96 = arith.addi %mul3A_95, %mul3A_93 : i32
        %get3A = arith.index_cast %add3A_96 : i32 to index
        %get3A_97 = tpu.vector_load %arg13[%get3A] {strides = array<i32>} : memref<512xf32, #tpu.memory_space<vmem>>, vector<16xf32>,
        %get3A_98 = arith.index_cast %add3A_96 : i32 to index
        %get3A_99 = tpu.vector_load %arg14[%get3A_98] {strides = array<i32>} : memref<512xf32, #tpu.memory_space<vmem>>, vector<16xf32>,
        %broadcast_in_dim3A = arith.constant 0.000000e+00 : f32
        %broadcast_in_dim3A_100 = vector.broadcast %broadcast_in_dim3A : f32 to vector<16xf32>
        %scan3A_101 = arith.constant 0 : i32
        %scan3A_102 = arith.constant 16 : i32
        %scan3A_103 = arith.addi %scan3A_101, %scan3A_102 : i32
        %scan3A_104 = arith.constant 1 : i32
        %scan3A_105:24 = scf.for %scan3A_413 = %scan3A_101 to %scan3A_103 step %scan3A_104 iter_args(%scan3A_414 = %broadcast_in_dim3A_100, %scan3A_415 = %broadcast_in_dim3A_100, %scan3A_416 = %broadcast_in_dim3A_100, %scan3A_417 = %broadcast_in_dim3A_100, %scan3A_418 = %broadcast_in_dim3A_100, %scan3A_419 = %broadcast_in_dim3A_100, %scan3A_420 = %broadcast_in_dim3A_100, %scan3A_421 = %broadcast_in_dim3A_100, %scan3A_422 = %broadcast_in_dim3A_100, %scan3A_423 = %broadcast_in_dim3A_100, %scan3A_424 = %broadcast_in_dim3A_100, %scan3A_425 = %broadcast_in_dim3A_100, %scan3A_426 = %broadcast_in_dim3A_100, %scan3A_427 = %broadcast_in_dim3A_100, %scan3A_428 = %broadcast_in_dim3A_100, %scan3A_429 = %broadcast_in_dim3A_100, %scan3A_430 = %broadcast_in_dim3A_100, %scan3A_431 = %broadcast_in_dim3A_100, %scan3A_432 = %broadcast_in_dim3A_100, %scan3A_433 = %broadcast_in_dim3A_100, %scan3A_434 = %broadcast_in_dim3A_100, %scan3A_435 = %broadcast_in_dim3A_100, %scan3A_436 = %broadcast_in_dim3A_100, %scan3A_437 = %broadcast_in_dim3A_100) -> (vector<16xf32>, vector<16xf32>, vector<16xf32>, vector<16xf32>, vector<16xf32>, vector<16xf32>, vector<16xf32>, vector<16xf32>, vector<16xf32>, vector<16xf32>, vector<16xf32>, vector<16xf32>, vector<16xf32>, vector<16xf32>, vector<16xf32>, vector<16xf32>, vector<16xf32>, vector<16xf32>, vector<16xf32>, vector<16xf32>, vector<16xf32>, vector<16xf32>, vector<16xf32>, vector<16xf32>)  : i32 {
          %mul3A_438 = arith.constant 16 : i32
          %mul3A_439 = arith.muli %scan3A_413, %mul3A_438 : i32
          %get3A_440 = arith.constant 0 : i32
          %get3A_441 = arith.index_cast %get3A_440 : i32 to index
          %get3A_442 = arith.index_cast %mul3A_439 : i32 to index
          %get3A_443 = tpu.vector_load %arg20[%get3A_441, %get3A_442] {strides = array<i32>} : memref<2x256xf32, #tpu.memory_space<vmem>>, vector<16xf32>,
          %get3A_444 = arith.constant 1 : i32
          %get3A_445 = arith.index_cast %get3A_444 : i32 to index
          %get3A_446 = arith.index_cast %mul3A_439 : i32 to index
          %get3A_447 = tpu.vector_load %arg20[%get3A_445, %get3A_446] {strides = array<i32>} : memref<2x256xf32, #tpu.memory_space<vmem>>, vector<16xf32>,
          %get3A_448 = arith.index_cast %mul3A_439 : i32 to index
          %get3A_449 = tpu.vector_load %arg21[%get3A_448] {strides = array<i32>} : memref<256xf32, #tpu.memory_space<vmem>>, vector<16xf32>,
          %add3A_450 = arith.constant 0 : i32
          %add3A_451 = arith.addi %mul3A_93, %add3A_450 : i32
          %add3A_452 = arith.constant 0 : i32
          %add3A_453 = arith.addi %add3A_451, %add3A_452 : i32
          %get3A_454 = arith.index_cast %add3A_453 : i32 to index
          %get3A_455 = arith.index_cast %mul3A_439 : i32 to index
          %get3A_456 = tpu.vector_load %arg17[%get3A_454, %get3A_455] {strides = array<i32>} : memref<32x256xf32, #tpu.memory_space<vmem>>, vector<16xf32>,
          %add3A_457 = arith.constant 0 : i32
          %add3A_458 = arith.addi %mul3A_93, %add3A_457 : i32
          %add3A_459 = arith.constant 0 : i32
          %add3A_460 = arith.addi %add3A_458, %add3A_459 : i32
          %get3A_461 = arith.index_cast %add3A_460 : i32 to index
          %get3A_462 = arith.index_cast %mul3A_439 : i32 to index
          %get3A_463 = tpu.vector_load %arg19[%get3A_461, %get3A_462] {strides = array<i32>} : memref<32x512xf32, #tpu.memory_space<vmem>>, vector<16xf32>,
          %add3A_464 = arith.constant 0 : i32
          %add3A_465 = arith.addi %mul3A_93, %add3A_464 : i32
          %add3A_466 = arith.constant 0 : i32
          %add3A_467 = arith.addi %add3A_465, %add3A_466 : i32
          %add3A_468 = arith.constant 256 : i32
          %add3A_469 = arith.addi %mul3A_439, %add3A_468 : i32
          %get3A_470 = arith.index_cast %add3A_467 : i32 to index
          %get3A_471 = arith.index_cast %add3A_469 : i32 to index
          %get3A_472 = tpu.vector_load %arg19[%get3A_470, %get3A_471] {strides = array<i32>} : memref<32x512xf32, #tpu.memory_space<vmem>>, vector<16xf32>,
          %mul3A_473 = arith.mulf %get3A_456, %get3A_463 : vector<16xf32>
          %add3A_474 = arith.addf %scan3A_414, %mul3A_473 : vector<16xf32>
          %mul3A_475 = arith.mulf %get3A_449, %get3A_472 : vector<16xf32>
          %add3A_476 = arith.addf %add3A_474, %mul3A_475 : vector<16xf32>
          %mul3A_477 = arith.mulf %get3A_443, %get3A_472 : vector<16xf32>
          %add3A_478 = arith.addf %scan3A_422, %mul3A_477 : vector<16xf32>
          %mul3A_479 = arith.mulf %get3A_447, %get3A_472 : vector<16xf32>
          %add3A_480 = arith.addf %scan3A_430, %mul3A_479 : vector<16xf32>
          %add3A_481 = arith.constant 0 : i32
          %add3A_482 = arith.addi %mul3A_93, %add3A_481 : i32
          %add3A_483 = arith.constant 1 : i32
          %add3A_484 = arith.addi %add3A_482, %add3A_483 : i32
          %get3A_485 = arith.index_cast %add3A_484 : i32 to index
          %get3A_486 = arith.index_cast %mul3A_439 : i32 to index
          %get3A_487 = tpu.vector_load %arg17[%get3A_485, %get3A_486] {strides = array<i32>} : memref<32x256xf32, #tpu.memory_space<vmem>>, vector<16xf32>,
          %add3A_488 = arith.constant 0 : i32
          %add3A_489 = arith.addi %mul3A_93, %add3A_488 : i32
          %add3A_490 = arith.constant 1 : i32
          %add3A_491 = arith.addi %add3A_489, %add3A_490 : i32
          %get3A_492 = arith.index_cast %add3A_491 : i32 to index
          %get3A_493 = arith.index_cast %mul3A_439 : i32 to index
          %get3A_494 = tpu.vector_load %arg19[%get3A_492, %get3A_493] {strides = array<i32>} : memref<32x512xf32, #tpu.memory_space<vmem>>, vector<16xf32>,
          %add3A_495 = arith.constant 0 : i32
          %add3A_496 = arith.addi %mul3A_93, %add3A_495 : i32
          %add3A_497 = arith.constant 1 : i32
          %add3A_498 = arith.addi %add3A_496, %add3A_497 : i32
          %add3A_499 = arith.constant 256 : i32
          %add3A_500 = arith.addi %mul3A_439, %add3A_499 : i32
          %get3A_501 = arith.index_cast %add3A_498 : i32 to index
          %get3A_502 = arith.index_cast %add3A_500 : i32 to index
          %get3A_503 = tpu.vector_load %arg19[%get3A_501, %get3A_502] {strides = array<i32>} : memref<32x512xf32, #tpu.memory_space<vmem>>, vector<16xf32>,
          %mul3A_504 = arith.mulf %get3A_487, %get3A_494 : vector<16xf32>
          %add3A_505 = arith.addf %scan3A_415, %mul3A_504 : vector<16xf32>
          %mul3A_506 = arith.mulf %get3A_449, %get3A_503 : vector<16xf32>
          %add3A_507 = arith.addf %add3A_505, %mul3A_506 : vector<16xf32>
          %mul3A_508 = arith.mulf %get3A_443, %get3A_503 : vector<16xf32>
          %add3A_509 = arith.addf %scan3A_423, %mul3A_508 : vector<16xf32>
          %mul3A_510 = arith.mulf %get3A_447, %get3A_503 : vector<16xf32>
          %add3A_511 = arith.addf %scan3A_431, %mul3A_510 : vector<16xf32>
          %add3A_512 = arith.constant 0 : i32
          %add3A_513 = arith.addi %mul3A_93, %add3A_512 : i32
          %add3A_514 = arith.constant 2 : i32
          %add3A_515 = arith.addi %add3A_513, %add3A_514 : i32
          %get3A_516 = arith.index_cast %add3A_515 : i32 to index
          %get3A_517 = arith.index_cast %mul3A_439 : i32 to index
          %get3A_518 = tpu.vector_load %arg17[%get3A_516, %get3A_517] {strides = array<i32>} : memref<32x256xf32, #tpu.memory_space<vmem>>, vector<16xf32>,
          %add3A_519 = arith.constant 0 : i32
          %add3A_520 = arith.addi %mul3A_93, %add3A_519 : i32
          %add3A_521 = arith.constant 2 : i32
          %add3A_522 = arith.addi %add3A_520, %add3A_521 : i32
          %get3A_523 = arith.index_cast %add3A_522 : i32 to index
          %get3A_524 = arith.index_cast %mul3A_439 : i32 to index
          %get3A_525 = tpu.vector_load %arg19[%get3A_523, %get3A_524] {strides = array<i32>} : memref<32x512xf32, #tpu.memory_space<vmem>>, vector<16xf32>,
          %add3A_526 = arith.constant 0 : i32
          %add3A_527 = arith.addi %mul3A_93, %add3A_526 : i32
          %add3A_528 = arith.constant 2 : i32
          %add3A_529 = arith.addi %add3A_527, %add3A_528 : i32
          %add3A_530 = arith.constant 256 : i32
          %add3A_531 = arith.addi %mul3A_439, %add3A_530 : i32
          %get3A_532 = arith.index_cast %add3A_529 : i32 to index
          %get3A_533 = arith.index_cast %add3A_531 : i32 to index
          %get3A_534 = tpu.vector_load %arg19[%get3A_532, %get3A_533] {strides = array<i32>} : memref<32x512xf32, #tpu.memory_space<vmem>>, vector<16xf32>,
          %mul3A_535 = arith.mulf %get3A_518, %get3A_525 : vector<16xf32>
          %add3A_536 = arith.addf %scan3A_416, %mul3A_535 : vector<16xf32>
          %mul3A_537 = arith.mulf %get3A_449, %get3A_534 : vector<16xf32>
          %add3A_538 = arith.addf %add3A_536, %mul3A_537 : vector<16xf32>
          %mul3A_539 = arith.mulf %get3A_443, %get3A_534 : vector<16xf32>
          %add3A_540 = arith.addf %scan3A_424, %mul3A_539 : vector<16xf32>
          %mul3A_541 = arith.mulf %get3A_447, %get3A_534 : vector<16xf32>
          %add3A_542 = arith.addf %scan3A_432, %mul3A_541 : vector<16xf32>
          %add3A_543 = arith.constant 0 : i32
          %add3A_544 = arith.addi %mul3A_93, %add3A_543 : i32
          %add3A_545 = arith.constant 3 : i32
          %add3A_546 = arith.addi %add3A_544, %add3A_545 : i32
          %get3A_547 = arith.index_cast %add3A_546 : i32 to index
          %get3A_548 = arith.index_cast %mul3A_439 : i32 to index
          %get3A_549 = tpu.vector_load %arg17[%get3A_547, %get3A_548] {strides = array<i32>} : memref<32x256xf32, #tpu.memory_space<vmem>>, vector<16xf32>,
          %add3A_550 = arith.constant 0 : i32
          %add3A_551 = arith.addi %mul3A_93, %add3A_550 : i32
          %add3A_552 = arith.constant 3 : i32
          %add3A_553 = arith.addi %add3A_551, %add3A_552 : i32
          %get3A_554 = arith.index_cast %add3A_553 : i32 to index
          %get3A_555 = arith.index_cast %mul3A_439 : i32 to index
          %get3A_556 = tpu.vector_load %arg19[%get3A_554, %get3A_555] {strides = array<i32>} : memref<32x512xf32, #tpu.memory_space<vmem>>, vector<16xf32>,
          %add3A_557 = arith.constant 0 : i32
          %add3A_558 = arith.addi %mul3A_93, %add3A_557 : i32
          %add3A_559 = arith.constant 3 : i32
          %add3A_560 = arith.addi %add3A_558, %add3A_559 : i32
          %add3A_561 = arith.constant 256 : i32
          %add3A_562 = arith.addi %mul3A_439, %add3A_561 : i32
          %get3A_563 = arith.index_cast %add3A_560 : i32 to index
          %get3A_564 = arith.index_cast %add3A_562 : i32 to index
          %get3A_565 = tpu.vector_load %arg19[%get3A_563, %get3A_564] {strides = array<i32>} : memref<32x512xf32, #tpu.memory_space<vmem>>, vector<16xf32>,
          %mul3A_566 = arith.mulf %get3A_549, %get3A_556 : vector<16xf32>
          %add3A_567 = arith.addf %scan3A_417, %mul3A_566 : vector<16xf32>
          %mul3A_568 = arith.mulf %get3A_449, %get3A_565 : vector<16xf32>
          %add3A_569 = arith.addf %add3A_567, %mul3A_568 : vector<16xf32>
          %mul3A_570 = arith.mulf %get3A_443, %get3A_565 : vector<16xf32>
          %add3A_571 = arith.addf %scan3A_425, %mul3A_570 : vector<16xf32>
          %mul3A_572 = arith.mulf %get3A_447, %get3A_565 : vector<16xf32>
          %add3A_573 = arith.addf %scan3A_433, %mul3A_572 : vector<16xf32>
          %add3A_574 = arith.constant 0 : i32
          %add3A_575 = arith.addi %mul3A_93, %add3A_574 : i32
          %add3A_576 = arith.constant 4 : i32
          %add3A_577 = arith.addi %add3A_575, %add3A_576 : i32
          %get3A_578 = arith.index_cast %add3A_577 : i32 to index
          %get3A_579 = arith.index_cast %mul3A_439 : i32 to index
          %get3A_580 = tpu.vector_load %arg17[%get3A_578, %get3A_579] {strides = array<i32>} : memref<32x256xf32, #tpu.memory_space<vmem>>, vector<16xf32>,
          %add3A_581 = arith.constant 0 : i32
          %add3A_582 = arith.addi %mul3A_93, %add3A_581 : i32
          %add3A_583 = arith.constant 4 : i32
          %add3A_584 = arith.addi %add3A_582, %add3A_583 : i32
          %get3A_585 = arith.index_cast %add3A_584 : i32 to index
          %get3A_586 = arith.index_cast %mul3A_439 : i32 to index
          %get3A_587 = tpu.vector_load %arg19[%get3A_585, %get3A_586] {strides = array<i32>} : memref<32x512xf32, #tpu.memory_space<vmem>>, vector<16xf32>,
          %add3A_588 = arith.constant 0 : i32
          %add3A_589 = arith.addi %mul3A_93, %add3A_588 : i32
          %add3A_590 = arith.constant 4 : i32
          %add3A_591 = arith.addi %add3A_589, %add3A_590 : i32
          %add3A_592 = arith.constant 256 : i32
          %add3A_593 = arith.addi %mul3A_439, %add3A_592 : i32
          %get3A_594 = arith.index_cast %add3A_591 : i32 to index
          %get3A_595 = arith.index_cast %add3A_593 : i32 to index
          %get3A_596 = tpu.vector_load %arg19[%get3A_594, %get3A_595] {strides = array<i32>} : memref<32x512xf32, #tpu.memory_space<vmem>>, vector<16xf32>,
          %mul3A_597 = arith.mulf %get3A_580, %get3A_587 : vector<16xf32>
          %add3A_598 = arith.addf %scan3A_418, %mul3A_597 : vector<16xf32>
          %mul3A_599 = arith.mulf %get3A_449, %get3A_596 : vector<16xf32>
          %add3A_600 = arith.addf %add3A_598, %mul3A_599 : vector<16xf32>
          %mul3A_601 = arith.mulf %get3A_443, %get3A_596 : vector<16xf32>
          %add3A_602 = arith.addf %scan3A_426, %mul3A_601 : vector<16xf32>
          %mul3A_603 = arith.mulf %get3A_447, %get3A_596 : vector<16xf32>
          %add3A_604 = arith.addf %scan3A_434, %mul3A_603 : vector<16xf32>
          %add3A_605 = arith.constant 0 : i32
          %add3A_606 = arith.addi %mul3A_93, %add3A_605 : i32
          %add3A_607 = arith.constant 5 : i32
          %add3A_608 = arith.addi %add3A_606, %add3A_607 : i32
          %get3A_609 = arith.index_cast %add3A_608 : i32 to index
          %get3A_610 = arith.index_cast %mul3A_439 : i32 to index
          %get3A_611 = tpu.vector_load %arg17[%get3A_609, %get3A_610] {strides = array<i32>} : memref<32x256xf32, #tpu.memory_space<vmem>>, vector<16xf32>,
          %add3A_612 = arith.constant 0 : i32
          %add3A_613 = arith.addi %mul3A_93, %add3A_612 : i32
          %add3A_614 = arith.constant 5 : i32
          %add3A_615 = arith.addi %add3A_613, %add3A_614 : i32
          %get3A_616 = arith.index_cast %add3A_615 : i32 to index
          %get3A_617 = arith.index_cast %mul3A_439 : i32 to index
          %get3A_618 = tpu.vector_load %arg19[%get3A_616, %get3A_617] {strides = array<i32>} : memref<32x512xf32, #tpu.memory_space<vmem>>, vector<16xf32>,
          %add3A_619 = arith.constant 0 : i32
          %add3A_620 = arith.addi %mul3A_93, %add3A_619 : i32
          %add3A_621 = arith.constant 5 : i32
          %add3A_622 = arith.addi %add3A_620, %add3A_621 : i32
          %add3A_623 = arith.constant 256 : i32
          %add3A_624 = arith.addi %mul3A_439, %add3A_623 : i32
          %get3A_625 = arith.index_cast %add3A_622 : i32 to index
          %get3A_626 = arith.index_cast %add3A_624 : i32 to index
          %get3A_627 = tpu.vector_load %arg19[%get3A_625, %get3A_626] {strides = array<i32>} : memref<32x512xf32, #tpu.memory_space<vmem>>, vector<16xf32>,
          %mul3A_628 = arith.mulf %get3A_611, %get3A_618 : vector<16xf32>
          %add3A_629 = arith.addf %scan3A_419, %mul3A_628 : vector<16xf32>
          %mul3A_630 = arith.mulf %get3A_449, %get3A_627 : vector<16xf32>
          %add3A_631 = arith.addf %add3A_629, %mul3A_630 : vector<16xf32>
          %mul3A_632 = arith.mulf %get3A_443, %get3A_627 : vector<16xf32>
          %add3A_633 = arith.addf %scan3A_427, %mul3A_632 : vector<16xf32>
          %mul3A_634 = arith.mulf %get3A_447, %get3A_627 : vector<16xf32>
          %add3A_635 = arith.addf %scan3A_435, %mul3A_634 : vector<16xf32>
          %add3A_636 = arith.constant 0 : i32
          %add3A_637 = arith.addi %mul3A_93, %add3A_636 : i32
          %add3A_638 = arith.constant 6 : i32
          %add3A_639 = arith.addi %add3A_637, %add3A_638 : i32
          %get3A_640 = arith.index_cast %add3A_639 : i32 to index
          %get3A_641 = arith.index_cast %mul3A_439 : i32 to index
          %get3A_642 = tpu.vector_load %arg17[%get3A_640, %get3A_641] {strides = array<i32>} : memref<32x256xf32, #tpu.memory_space<vmem>>, vector<16xf32>,
          %add3A_643 = arith.constant 0 : i32
          %add3A_644 = arith.addi %mul3A_93, %add3A_643 : i32
          %add3A_645 = arith.constant 6 : i32
          %add3A_646 = arith.addi %add3A_644, %add3A_645 : i32
          %get3A_647 = arith.index_cast %add3A_646 : i32 to index
          %get3A_648 = arith.index_cast %mul3A_439 : i32 to index
          %get3A_649 = tpu.vector_load %arg19[%get3A_647, %get3A_648] {strides = array<i32>} : memref<32x512xf32, #tpu.memory_space<vmem>>, vector<16xf32>,
          %add3A_650 = arith.constant 0 : i32
          %add3A_651 = arith.addi %mul3A_93, %add3A_650 : i32
          %add3A_652 = arith.constant 6 : i32
          %add3A_653 = arith.addi %add3A_651, %add3A_652 : i32
          %add3A_654 = arith.constant 256 : i32
          %add3A_655 = arith.addi %mul3A_439, %add3A_654 : i32
          %get3A_656 = arith.index_cast %add3A_653 : i32 to index
          %get3A_657 = arith.index_cast %add3A_655 : i32 to index
          %get3A_658 = tpu.vector_load %arg19[%get3A_656, %get3A_657] {strides = array<i32>} : memref<32x512xf32, #tpu.memory_space<vmem>>, vector<16xf32>,
          %mul3A_659 = arith.mulf %get3A_642, %get3A_649 : vector<16xf32>
          %add3A_660 = arith.addf %scan3A_420, %mul3A_659 : vector<16xf32>
          %mul3A_661 = arith.mulf %get3A_449, %get3A_658 : vector<16xf32>
          %add3A_662 = arith.addf %add3A_660, %mul3A_661 : vector<16xf32>
          %mul3A_663 = arith.mulf %get3A_443, %get3A_658 : vector<16xf32>
          %add3A_664 = arith.addf %scan3A_428, %mul3A_663 : vector<16xf32>
          %mul3A_665 = arith.mulf %get3A_447, %get3A_658 : vector<16xf32>
          %add3A_666 = arith.addf %scan3A_436, %mul3A_665 : vector<16xf32>
          %add3A_667 = arith.constant 0 : i32
          %add3A_668 = arith.addi %mul3A_93, %add3A_667 : i32
          %add3A_669 = arith.constant 7 : i32
          %add3A_670 = arith.addi %add3A_668, %add3A_669 : i32
          %get3A_671 = arith.index_cast %add3A_670 : i32 to index
          %get3A_672 = arith.index_cast %mul3A_439 : i32 to index
          %get3A_673 = tpu.vector_load %arg17[%get3A_671, %get3A_672] {strides = array<i32>} : memref<32x256xf32, #tpu.memory_space<vmem>>, vector<16xf32>,
          %add3A_674 = arith.constant 0 : i32
          %add3A_675 = arith.addi %mul3A_93, %add3A_674 : i32
          %add3A_676 = arith.constant 7 : i32
          %add3A_677 = arith.addi %add3A_675, %add3A_676 : i32
          %get3A_678 = arith.index_cast %add3A_677 : i32 to index
          %get3A_679 = arith.index_cast %mul3A_439 : i32 to index
          %get3A_680 = tpu.vector_load %arg19[%get3A_678, %get3A_679] {strides = array<i32>} : memref<32x512xf32, #tpu.memory_space<vmem>>, vector<16xf32>,
          %add3A_681 = arith.constant 0 : i32
          %add3A_682 = arith.addi %mul3A_93, %add3A_681 : i32
          %add3A_683 = arith.constant 7 : i32
          %add3A_684 = arith.addi %add3A_682, %add3A_683 : i32
          %add3A_685 = arith.constant 256 : i32
          %add3A_686 = arith.addi %mul3A_439, %add3A_685 : i32
          %get3A_687 = arith.index_cast %add3A_684 : i32 to index
          %get3A_688 = arith.index_cast %add3A_686 : i32 to index
          %get3A_689 = tpu.vector_load %arg19[%get3A_687, %get3A_688] {strides = array<i32>} : memref<32x512xf32, #tpu.memory_space<vmem>>, vector<16xf32>,
          %mul3A_690 = arith.mulf %get3A_673, %get3A_680 : vector<16xf32>
          %add3A_691 = arith.addf %scan3A_421, %mul3A_690 : vector<16xf32>
          %mul3A_692 = arith.mulf %get3A_449, %get3A_689 : vector<16xf32>
          %add3A_693 = arith.addf %add3A_691, %mul3A_692 : vector<16xf32>
          %mul3A_694 = arith.mulf %get3A_443, %get3A_689 : vector<16xf32>
          %add3A_695 = arith.addf %scan3A_429, %mul3A_694 : vector<16xf32>
          %mul3A_696 = arith.mulf %get3A_447, %get3A_689 : vector<16xf32>
          %add3A_697 = arith.addf %scan3A_437, %mul3A_696 : vector<16xf32>
          scf.yield %add3A_476, %add3A_507, %add3A_538, %add3A_569, %add3A_600, %add3A_631, %add3A_662, %add3A_693, %add3A_478, %add3A_509, %add3A_540, %add3A_571, %add3A_602, %add3A_633, %add3A_664, %add3A_695, %add3A_480, %add3A_511, %add3A_542, %add3A_573, %add3A_604, %add3A_635, %add3A_666, %add3A_697 : vector<16xf32>, vector<16xf32>, vector<16xf32>, vector<16xf32>, vector<16xf32>, vector<16xf32>, vector<16xf32>, vector<16xf32>, vector<16xf32>, vector<16xf32>, vector<16xf32>, vector<16xf32>, vector<16xf32>, vector<16xf32>, vector<16xf32>, vector<16xf32>, vector<16xf32>, vector<16xf32>, vector<16xf32>, vector<16xf32>, vector<16xf32>, vector<16xf32>, vector<16xf32>, vector<16xf32>
        }
        %scan3A_106 = arith.constant 16 : i32
        %slice3A = vector.extract_strided_slice %get3A_97 {offsets = [0], sizes = [1], strides = [1]} : vector<16xf32> to vector<1xf32>
        %squeeze3A = vector.extract %slice3A[0] : f32 from vector<1xf32>
        %mul3A_107 = vector.broadcast %squeeze3A : f32 to vector<16xf32>
        %mul3A_108 = arith.mulf %mul3A_107, %scan3A_105#8 : vector<16xf32>
        %add3A_109 = arith.addf %scan3A_105#0, %mul3A_108 : vector<16xf32>
        %slice3A_110 = vector.extract_strided_slice %get3A_99 {offsets = [0], sizes = [1], strides = [1]} : vector<16xf32> to vector<1xf32>
        %squeeze3A_111 = vector.extract %slice3A_110[0] : f32 from vector<1xf32>
        %mul3A_112 = vector.broadcast %squeeze3A_111 : f32 to vector<16xf32>
        %mul3A_113 = arith.mulf %mul3A_112, %scan3A_105#16 : vector<16xf32>
        %add3A_114 = arith.addf %add3A_109, %mul3A_113 : vector<16xf32>
        %eq3A = arith.constant 0 : i32
        %eq3A_115 = vector.broadcast %eq3A : i32 to vector<16xi32>
        %eq3A_116 = arith.cmpi eq, %iota3A, %eq3A_115 : vector<16xi32>
        %reduce_sum3A = arith.constant true
        %reduce_sum3A_117 = vector.broadcast %reduce_sum3A : i1 to vector<16xi1>
        %reduce_sum3A_118 = tpu.scan <sum>, %add3A_114 masked %reduce_sum3A_117 : vector<16xf32>, vector<16xi1> -> vector<16xf32>
        %reduce_sum3A_119 = vector.extract %reduce_sum3A_118[15] : f32 from vector<16xf32>
        %broadcast_in_dim3A_120 = vector.broadcast %reduce_sum3A_119 : f32 to vector<16xf32>
        %select_n3A = arith.select %eq3A_116, %broadcast_in_dim3A_120, %broadcast_in_dim3A_100 : vector<16xi1>, vector<16xf32>
        %slice3A_121 = vector.extract_strided_slice %get3A_97 {offsets = [1], sizes = [1], strides = [1]} : vector<16xf32> to vector<1xf32>
        %squeeze3A_122 = vector.extract %slice3A_121[0] : f32 from vector<1xf32>
        %mul3A_123 = vector.broadcast %squeeze3A_122 : f32 to vector<16xf32>
        %mul3A_124 = arith.mulf %mul3A_123, %scan3A_105#9 : vector<16xf32>
        %add3A_125 = arith.addf %scan3A_105#1, %mul3A_124 : vector<16xf32>
        %slice3A_126 = vector.extract_strided_slice %get3A_99 {offsets = [1], sizes = [1], strides = [1]} : vector<16xf32> to vector<1xf32>
        %squeeze3A_127 = vector.extract %slice3A_126[0] : f32 from vector<1xf32>
        %mul3A_128 = vector.broadcast %squeeze3A_127 : f32 to vector<16xf32>
        %mul3A_129 = arith.mulf %mul3A_128, %scan3A_105#17 : vector<16xf32>
        %add3A_130 = arith.addf %add3A_125, %mul3A_129 : vector<16xf32>
        %eq3A_131 = arith.constant 1 : i32
        %eq3A_132 = vector.broadcast %eq3A_131 : i32 to vector<16xi32>
        %eq3A_133 = arith.cmpi eq, %iota3A, %eq3A_132 : vector<16xi32>
        %reduce_sum3A_134 = arith.constant true
        %reduce_sum3A_135 = vector.broadcast %reduce_sum3A_134 : i1 to vector<16xi1>
        %reduce_sum3A_136 = tpu.scan <sum>, %add3A_130 masked %reduce_sum3A_135 : vector<16xf32>, vector<16xi1> -> vector<16xf32>
        %reduce_sum3A_137 = vector.extract %reduce_sum3A_136[15] : f32 from vector<16xf32>
        %broadcast_in_dim3A_138 = vector.broadcast %reduce_sum3A_137 : f32 to vector<16xf32>
        %select_n3A_139 = arith.select %eq3A_133, %broadcast_in_dim3A_138, %select_n3A : vector<16xi1>, vector<16xf32>
        %slice3A_140 = vector.extract_strided_slice %get3A_97 {offsets = [2], sizes = [1], strides = [1]} : vector<16xf32> to vector<1xf32>
        %squeeze3A_141 = vector.extract %slice3A_140[0] : f32 from vector<1xf32>
        %mul3A_142 = vector.broadcast %squeeze3A_141 : f32 to vector<16xf32>
        %mul3A_143 = arith.mulf %mul3A_142, %scan3A_105#10 : vector<16xf32>
        %add3A_144 = arith.addf %scan3A_105#2, %mul3A_143 : vector<16xf32>
        %slice3A_145 = vector.extract_strided_slice %get3A_99 {offsets = [2], sizes = [1], strides = [1]} : vector<16xf32> to vector<1xf32>
        %squeeze3A_146 = vector.extract %slice3A_145[0] : f32 from vector<1xf32>
        %mul3A_147 = vector.broadcast %squeeze3A_146 : f32 to vector<16xf32>
        %mul3A_148 = arith.mulf %mul3A_147, %scan3A_105#18 : vector<16xf32>
        %add3A_149 = arith.addf %add3A_144, %mul3A_148 : vector<16xf32>
        %eq3A_150 = arith.constant 2 : i32
        %eq3A_151 = vector.broadcast %eq3A_150 : i32 to vector<16xi32>
        %eq3A_152 = arith.cmpi eq, %iota3A, %eq3A_151 : vector<16xi32>
        %reduce_sum3A_153 = arith.constant true
        %reduce_sum3A_154 = vector.broadcast %reduce_sum3A_153 : i1 to vector<16xi1>
        %reduce_sum3A_155 = tpu.scan <sum>, %add3A_149 masked %reduce_sum3A_154 : vector<16xf32>, vector<16xi1> -> vector<16xf32>
        %reduce_sum3A_156 = vector.extract %reduce_sum3A_155[15] : f32 from vector<16xf32>
        %broadcast_in_dim3A_157 = vector.broadcast %reduce_sum3A_156 : f32 to vector<16xf32>
        %select_n3A_158 = arith.select %eq3A_152, %broadcast_in_dim3A_157, %select_n3A_139 : vector<16xi1>, vector<16xf32>
        %slice3A_159 = vector.extract_strided_slice %get3A_97 {offsets = [3], sizes = [1], strides = [1]} : vector<16xf32> to vector<1xf32>
        %squeeze3A_160 = vector.extract %slice3A_159[0] : f32 from vector<1xf32>
        %mul3A_161 = vector.broadcast %squeeze3A_160 : f32 to vector<16xf32>
        %mul3A_162 = arith.mulf %mul3A_161, %scan3A_105#11 : vector<16xf32>
        %add3A_163 = arith.addf %scan3A_105#3, %mul3A_162 : vector<16xf32>
        %slice3A_164 = vector.extract_strided_slice %get3A_99 {offsets = [3], sizes = [1], strides = [1]} : vector<16xf32> to vector<1xf32>
        %squeeze3A_165 = vector.extract %slice3A_164[0] : f32 from vector<1xf32>
        %mul3A_166 = vector.broadcast %squeeze3A_165 : f32 to vector<16xf32>
        %mul3A_167 = arith.mulf %mul3A_166, %scan3A_105#19 : vector<16xf32>
        %add3A_168 = arith.addf %add3A_163, %mul3A_167 : vector<16xf32>
        %eq3A_169 = arith.constant 3 : i32
        %eq3A_170 = vector.broadcast %eq3A_169 : i32 to vector<16xi32>
        %eq3A_171 = arith.cmpi eq, %iota3A, %eq3A_170 : vector<16xi32>
        %reduce_sum3A_172 = arith.constant true
        %reduce_sum3A_173 = vector.broadcast %reduce_sum3A_172 : i1 to vector<16xi1>
        %reduce_sum3A_174 = tpu.scan <sum>, %add3A_168 masked %reduce_sum3A_173 : vector<16xf32>, vector<16xi1> -> vector<16xf32>
        %reduce_sum3A_175 = vector.extract %reduce_sum3A_174[15] : f32 from vector<16xf32>
        %broadcast_in_dim3A_176 = vector.broadcast %reduce_sum3A_175 : f32 to vector<16xf32>
        %select_n3A_177 = arith.select %eq3A_171, %broadcast_in_dim3A_176, %select_n3A_158 : vector<16xi1>, vector<16xf32>
        %slice3A_178 = vector.extract_strided_slice %get3A_97 {offsets = [4], sizes = [1], strides = [1]} : vector<16xf32> to vector<1xf32>
        %squeeze3A_179 = vector.extract %slice3A_178[0] : f32 from vector<1xf32>
        %mul3A_180 = vector.broadcast %squeeze3A_179 : f32 to vector<16xf32>
        %mul3A_181 = arith.mulf %mul3A_180, %scan3A_105#12 : vector<16xf32>
        %add3A_182 = arith.addf %scan3A_105#4, %mul3A_181 : vector<16xf32>
        %slice3A_183 = vector.extract_strided_slice %get3A_99 {offsets = [4], sizes = [1], strides = [1]} : vector<16xf32> to vector<1xf32>
        %squeeze3A_184 = vector.extract %slice3A_183[0] : f32 from vector<1xf32>
        %mul3A_185 = vector.broadcast %squeeze3A_184 : f32 to vector<16xf32>
        %mul3A_186 = arith.mulf %mul3A_185, %scan3A_105#20 : vector<16xf32>
        %add3A_187 = arith.addf %add3A_182, %mul3A_186 : vector<16xf32>
        %eq3A_188 = arith.constant 4 : i32
        %eq3A_189 = vector.broadcast %eq3A_188 : i32 to vector<16xi32>
        %eq3A_190 = arith.cmpi eq, %iota3A, %eq3A_189 : vector<16xi32>
        %reduce_sum3A_191 = arith.constant true
        %reduce_sum3A_192 = vector.broadcast %reduce_sum3A_191 : i1 to vector<16xi1>
        %reduce_sum3A_193 = tpu.scan <sum>, %add3A_187 masked %reduce_sum3A_192 : vector<16xf32>, vector<16xi1> -> vector<16xf32>
        %reduce_sum3A_194 = vector.extract %reduce_sum3A_193[15] : f32 from vector<16xf32>
        %broadcast_in_dim3A_195 = vector.broadcast %reduce_sum3A_194 : f32 to vector<16xf32>
        %select_n3A_196 = arith.select %eq3A_190, %broadcast_in_dim3A_195, %select_n3A_177 : vector<16xi1>, vector<16xf32>
        %slice3A_197 = vector.extract_strided_slice %get3A_97 {offsets = [5], sizes = [1], strides = [1]} : vector<16xf32> to vector<1xf32>
        %squeeze3A_198 = vector.extract %slice3A_197[0] : f32 from vector<1xf32>
        %mul3A_199 = vector.broadcast %squeeze3A_198 : f32 to vector<16xf32>
        %mul3A_200 = arith.mulf %mul3A_199, %scan3A_105#13 : vector<16xf32>
        %add3A_201 = arith.addf %scan3A_105#5, %mul3A_200 : vector<16xf32>
        %slice3A_202 = vector.extract_strided_slice %get3A_99 {offsets = [5], sizes = [1], strides = [1]} : vector<16xf32> to vector<1xf32>
        %squeeze3A_203 = vector.extract %slice3A_202[0] : f32 from vector<1xf32>
        %mul3A_204 = vector.broadcast %squeeze3A_203 : f32 to vector<16xf32>
        %mul3A_205 = arith.mulf %mul3A_204, %scan3A_105#21 : vector<16xf32>
        %add3A_206 = arith.addf %add3A_201, %mul3A_205 : vector<16xf32>
        %eq3A_207 = arith.constant 5 : i32
        %eq3A_208 = vector.broadcast %eq3A_207 : i32 to vector<16xi32>
        %eq3A_209 = arith.cmpi eq, %iota3A, %eq3A_208 : vector<16xi32>
        %reduce_sum3A_210 = arith.constant true
        %reduce_sum3A_211 = vector.broadcast %reduce_sum3A_210 : i1 to vector<16xi1>
        %reduce_sum3A_212 = tpu.scan <sum>, %add3A_206 masked %reduce_sum3A_211 : vector<16xf32>, vector<16xi1> -> vector<16xf32>
        %reduce_sum3A_213 = vector.extract %reduce_sum3A_212[15] : f32 from vector<16xf32>
        %broadcast_in_dim3A_214 = vector.broadcast %reduce_sum3A_213 : f32 to vector<16xf32>
        %select_n3A_215 = arith.select %eq3A_209, %broadcast_in_dim3A_214, %select_n3A_196 : vector<16xi1>, vector<16xf32>
        %slice3A_216 = vector.extract_strided_slice %get3A_97 {offsets = [6], sizes = [1], strides = [1]} : vector<16xf32> to vector<1xf32>
        %squeeze3A_217 = vector.extract %slice3A_216[0] : f32 from vector<1xf32>
        %mul3A_218 = vector.broadcast %squeeze3A_217 : f32 to vector<16xf32>
        %mul3A_219 = arith.mulf %mul3A_218, %scan3A_105#14 : vector<16xf32>
        %add3A_220 = arith.addf %scan3A_105#6, %mul3A_219 : vector<16xf32>
        %slice3A_221 = vector.extract_strided_slice %get3A_99 {offsets = [6], sizes = [1], strides = [1]} : vector<16xf32> to vector<1xf32>
        %squeeze3A_222 = vector.extract %slice3A_221[0] : f32 from vector<1xf32>
        %mul3A_223 = vector.broadcast %squeeze3A_222 : f32 to vector<16xf32>
        %mul3A_224 = arith.mulf %mul3A_223, %scan3A_105#22 : vector<16xf32>
        %add3A_225 = arith.addf %add3A_220, %mul3A_224 : vector<16xf32>
        %eq3A_226 = arith.constant 6 : i32
        %eq3A_227 = vector.broadcast %eq3A_226 : i32 to vector<16xi32>
        %eq3A_228 = arith.cmpi eq, %iota3A, %eq3A_227 : vector<16xi32>
        %reduce_sum3A_229 = arith.constant true
        %reduce_sum3A_230 = vector.broadcast %reduce_sum3A_229 : i1 to vector<16xi1>
        %reduce_sum3A_231 = tpu.scan <sum>, %add3A_225 masked %reduce_sum3A_230 : vector<16xf32>, vector<16xi1> -> vector<16xf32>
        %reduce_sum3A_232 = vector.extract %reduce_sum3A_231[15] : f32 from vector<16xf32>
        %broadcast_in_dim3A_233 = vector.broadcast %reduce_sum3A_232 : f32 to vector<16xf32>
        %select_n3A_234 = arith.select %eq3A_228, %broadcast_in_dim3A_233, %select_n3A_215 : vector<16xi1>, vector<16xf32>
        %slice3A_235 = vector.extract_strided_slice %get3A_97 {offsets = [7], sizes = [1], strides = [1]} : vector<16xf32> to vector<1xf32>
        %squeeze3A_236 = vector.extract %slice3A_235[0] : f32 from vector<1xf32>
        %mul3A_237 = vector.broadcast %squeeze3A_236 : f32 to vector<16xf32>
        %mul3A_238 = arith.mulf %mul3A_237, %scan3A_105#15 : vector<16xf32>
        %add3A_239 = arith.addf %scan3A_105#7, %mul3A_238 : vector<16xf32>
        %slice3A_240 = vector.extract_strided_slice %get3A_99 {offsets = [7], sizes = [1], strides = [1]} : vector<16xf32> to vector<1xf32>
        %squeeze3A_241 = vector.extract %slice3A_240[0] : f32 from vector<1xf32>
        %mul3A_242 = vector.broadcast %squeeze3A_241 : f32 to vector<16xf32>
        %mul3A_243 = arith.mulf %mul3A_242, %scan3A_105#23 : vector<16xf32>
        %add3A_244 = arith.addf %add3A_239, %mul3A_243 : vector<16xf32>
        %eq3A_245 = arith.constant 7 : i32
        %eq3A_246 = vector.broadcast %eq3A_245 : i32 to vector<16xi32>
        %eq3A_247 = arith.cmpi eq, %iota3A, %eq3A_246 : vector<16xi32>
        %reduce_sum3A_248 = arith.constant true
        %reduce_sum3A_249 = vector.broadcast %reduce_sum3A_248 : i1 to vector<16xi1>
        %reduce_sum3A_250 = tpu.scan <sum>, %add3A_244 masked %reduce_sum3A_249 : vector<16xf32>, vector<16xi1> -> vector<16xf32>
        %reduce_sum3A_251 = vector.extract %reduce_sum3A_250[15] : f32 from vector<16xf32>
        %broadcast_in_dim3A_252 = vector.broadcast %reduce_sum3A_251 : f32 to vector<16xf32>
        %select_n3A_253 = arith.select %eq3A_247, %broadcast_in_dim3A_252, %select_n3A_234 : vector<16xi1>, vector<16xf32>
        %scan3A_254 = arith.constant 0 : i32
        %scan3A_255 = arith.constant 16 : i32
        %scan3A_256 = arith.addi %scan3A_254, %scan3A_255 : i32
        %scan3A_257 = arith.constant 1 : i32
        %scan3A_258:24 = scf.for %scan3A_413 = %scan3A_254 to %scan3A_256 step %scan3A_257 iter_args(%scan3A_414 = %broadcast_in_dim3A_100, %scan3A_415 = %broadcast_in_dim3A_100, %scan3A_416 = %broadcast_in_dim3A_100, %scan3A_417 = %broadcast_in_dim3A_100, %scan3A_418 = %broadcast_in_dim3A_100, %scan3A_419 = %broadcast_in_dim3A_100, %scan3A_420 = %broadcast_in_dim3A_100, %scan3A_421 = %broadcast_in_dim3A_100, %scan3A_422 = %broadcast_in_dim3A_100, %scan3A_423 = %broadcast_in_dim3A_100, %scan3A_424 = %broadcast_in_dim3A_100, %scan3A_425 = %broadcast_in_dim3A_100, %scan3A_426 = %broadcast_in_dim3A_100, %scan3A_427 = %broadcast_in_dim3A_100, %scan3A_428 = %broadcast_in_dim3A_100, %scan3A_429 = %broadcast_in_dim3A_100, %scan3A_430 = %broadcast_in_dim3A_100, %scan3A_431 = %broadcast_in_dim3A_100, %scan3A_432 = %broadcast_in_dim3A_100, %scan3A_433 = %broadcast_in_dim3A_100, %scan3A_434 = %broadcast_in_dim3A_100, %scan3A_435 = %broadcast_in_dim3A_100, %scan3A_436 = %broadcast_in_dim3A_100, %scan3A_437 = %broadcast_in_dim3A_100) -> (vector<16xf32>, vector<16xf32>, vector<16xf32>, vector<16xf32>, vector<16xf32>, vector<16xf32>, vector<16xf32>, vector<16xf32>, vector<16xf32>, vector<16xf32>, vector<16xf32>, vector<16xf32>, vector<16xf32>, vector<16xf32>, vector<16xf32>, vector<16xf32>, vector<16xf32>, vector<16xf32>, vector<16xf32>, vector<16xf32>, vector<16xf32>, vector<16xf32>, vector<16xf32>, vector<16xf32>)  : i32 {
          %mul3A_438 = arith.constant 16 : i32
          %mul3A_439 = arith.muli %scan3A_413, %mul3A_438 : i32
          %get3A_440 = arith.constant 0 : i32
          %get3A_441 = arith.index_cast %get3A_440 : i32 to index
          %get3A_442 = arith.index_cast %mul3A_439 : i32 to index
          %get3A_443 = tpu.vector_load %arg20[%get3A_441, %get3A_442] {strides = array<i32>} : memref<2x256xf32, #tpu.memory_space<vmem>>, vector<16xf32>,
          %get3A_444 = arith.constant 1 : i32
          %get3A_445 = arith.index_cast %get3A_444 : i32 to index
          %get3A_446 = arith.index_cast %mul3A_439 : i32 to index
          %get3A_447 = tpu.vector_load %arg20[%get3A_445, %get3A_446] {strides = array<i32>} : memref<2x256xf32, #tpu.memory_space<vmem>>, vector<16xf32>,
          %get3A_448 = arith.index_cast %mul3A_439 : i32 to index
          %get3A_449 = tpu.vector_load %arg21[%get3A_448] {strides = array<i32>} : memref<256xf32, #tpu.memory_space<vmem>>, vector<16xf32>,
          %add3A_450 = arith.constant 8 : i32
          %add3A_451 = arith.addi %mul3A_93, %add3A_450 : i32
          %add3A_452 = arith.constant 0 : i32
          %add3A_453 = arith.addi %add3A_451, %add3A_452 : i32
          %get3A_454 = arith.index_cast %add3A_453 : i32 to index
          %get3A_455 = arith.index_cast %mul3A_439 : i32 to index
          %get3A_456 = tpu.vector_load %arg17[%get3A_454, %get3A_455] {strides = array<i32>} : memref<32x256xf32, #tpu.memory_space<vmem>>, vector<16xf32>,
          %add3A_457 = arith.constant 8 : i32
          %add3A_458 = arith.addi %mul3A_93, %add3A_457 : i32
          %add3A_459 = arith.constant 0 : i32
          %add3A_460 = arith.addi %add3A_458, %add3A_459 : i32
          %get3A_461 = arith.index_cast %add3A_460 : i32 to index
          %get3A_462 = arith.index_cast %mul3A_439 : i32 to index
          %get3A_463 = tpu.vector_load %arg19[%get3A_461, %get3A_462] {strides = array<i32>} : memref<32x512xf32, #tpu.memory_space<vmem>>, vector<16xf32>,
          %add3A_464 = arith.constant 8 : i32
          %add3A_465 = arith.addi %mul3A_93, %add3A_464 : i32
          %add3A_466 = arith.constant 0 : i32
          %add3A_467 = arith.addi %add3A_465, %add3A_466 : i32
          %add3A_468 = arith.constant 256 : i32
          %add3A_469 = arith.addi %mul3A_439, %add3A_468 : i32
          %get3A_470 = arith.index_cast %add3A_467 : i32 to index
          %get3A_471 = arith.index_cast %add3A_469 : i32 to index
          %get3A_472 = tpu.vector_load %arg19[%get3A_470, %get3A_471] {strides = array<i32>} : memref<32x512xf32, #tpu.memory_space<vmem>>, vector<16xf32>,
          %mul3A_473 = arith.mulf %get3A_456, %get3A_463 : vector<16xf32>
          %add3A_474 = arith.addf %scan3A_414, %mul3A_473 : vector<16xf32>
          %mul3A_475 = arith.mulf %get3A_449, %get3A_472 : vector<16xf32>
          %add3A_476 = arith.addf %add3A_474, %mul3A_475 : vector<16xf32>
          %mul3A_477 = arith.mulf %get3A_443, %get3A_472 : vector<16xf32>
          %add3A_478 = arith.addf %scan3A_422, %mul3A_477 : vector<16xf32>
          %mul3A_479 = arith.mulf %get3A_447, %get3A_472 : vector<16xf32>
          %add3A_480 = arith.addf %scan3A_430, %mul3A_479 : vector<16xf32>
          %add3A_481 = arith.constant 8 : i32
          %add3A_482 = arith.addi %mul3A_93, %add3A_481 : i32
          %add3A_483 = arith.constant 1 : i32
          %add3A_484 = arith.addi %add3A_482, %add3A_483 : i32
          %get3A_485 = arith.index_cast %add3A_484 : i32 to index
          %get3A_486 = arith.index_cast %mul3A_439 : i32 to index
          %get3A_487 = tpu.vector_load %arg17[%get3A_485, %get3A_486] {strides = array<i32>} : memref<32x256xf32, #tpu.memory_space<vmem>>, vector<16xf32>,
          %add3A_488 = arith.constant 8 : i32
          %add3A_489 = arith.addi %mul3A_93, %add3A_488 : i32
          %add3A_490 = arith.constant 1 : i32
          %add3A_491 = arith.addi %add3A_489, %add3A_490 : i32
          %get3A_492 = arith.index_cast %add3A_491 : i32 to index
          %get3A_493 = arith.index_cast %mul3A_439 : i32 to index
          %get3A_494 = tpu.vector_load %arg19[%get3A_492, %get3A_493] {strides = array<i32>} : memref<32x512xf32, #tpu.memory_space<vmem>>, vector<16xf32>,
          %add3A_495 = arith.constant 8 : i32
          %add3A_496 = arith.addi %mul3A_93, %add3A_495 : i32
          %add3A_497 = arith.constant 1 : i32
          %add3A_498 = arith.addi %add3A_496, %add3A_497 : i32
          %add3A_499 = arith.constant 256 : i32
          %add3A_500 = arith.addi %mul3A_439, %add3A_499 : i32
          %get3A_501 = arith.index_cast %add3A_498 : i32 to index
          %get3A_502 = arith.index_cast %add3A_500 : i32 to index
          %get3A_503 = tpu.vector_load %arg19[%get3A_501, %get3A_502] {strides = array<i32>} : memref<32x512xf32, #tpu.memory_space<vmem>>, vector<16xf32>,
          %mul3A_504 = arith.mulf %get3A_487, %get3A_494 : vector<16xf32>
          %add3A_505 = arith.addf %scan3A_415, %mul3A_504 : vector<16xf32>
          %mul3A_506 = arith.mulf %get3A_449, %get3A_503 : vector<16xf32>
          %add3A_507 = arith.addf %add3A_505, %mul3A_506 : vector<16xf32>
          %mul3A_508 = arith.mulf %get3A_443, %get3A_503 : vector<16xf32>
          %add3A_509 = arith.addf %scan3A_423, %mul3A_508 : vector<16xf32>
          %mul3A_510 = arith.mulf %get3A_447, %get3A_503 : vector<16xf32>
          %add3A_511 = arith.addf %scan3A_431, %mul3A_510 : vector<16xf32>
          %add3A_512 = arith.constant 8 : i32
          %add3A_513 = arith.addi %mul3A_93, %add3A_512 : i32
          %add3A_514 = arith.constant 2 : i32
          %add3A_515 = arith.addi %add3A_513, %add3A_514 : i32
          %get3A_516 = arith.index_cast %add3A_515 : i32 to index
          %get3A_517 = arith.index_cast %mul3A_439 : i32 to index
          %get3A_518 = tpu.vector_load %arg17[%get3A_516, %get3A_517] {strides = array<i32>} : memref<32x256xf32, #tpu.memory_space<vmem>>, vector<16xf32>,
          %add3A_519 = arith.constant 8 : i32
          %add3A_520 = arith.addi %mul3A_93, %add3A_519 : i32
          %add3A_521 = arith.constant 2 : i32
          %add3A_522 = arith.addi %add3A_520, %add3A_521 : i32
          %get3A_523 = arith.index_cast %add3A_522 : i32 to index
          %get3A_524 = arith.index_cast %mul3A_439 : i32 to index
          %get3A_525 = tpu.vector_load %arg19[%get3A_523, %get3A_524] {strides = array<i32>} : memref<32x512xf32, #tpu.memory_space<vmem>>, vector<16xf32>,
          %add3A_526 = arith.constant 8 : i32
          %add3A_527 = arith.addi %mul3A_93, %add3A_526 : i32
          %add3A_528 = arith.constant 2 : i32
          %add3A_529 = arith.addi %add3A_527, %add3A_528 : i32
          %add3A_530 = arith.constant 256 : i32
          %add3A_531 = arith.addi %mul3A_439, %add3A_530 : i32
          %get3A_532 = arith.index_cast %add3A_529 : i32 to index
          %get3A_533 = arith.index_cast %add3A_531 : i32 to index
          %get3A_534 = tpu.vector_load %arg19[%get3A_532, %get3A_533] {strides = array<i32>} : memref<32x512xf32, #tpu.memory_space<vmem>>, vector<16xf32>,
          %mul3A_535 = arith.mulf %get3A_518, %get3A_525 : vector<16xf32>
          %add3A_536 = arith.addf %scan3A_416, %mul3A_535 : vector<16xf32>
          %mul3A_537 = arith.mulf %get3A_449, %get3A_534 : vector<16xf32>
          %add3A_538 = arith.addf %add3A_536, %mul3A_537 : vector<16xf32>
          %mul3A_539 = arith.mulf %get3A_443, %get3A_534 : vector<16xf32>
          %add3A_540 = arith.addf %scan3A_424, %mul3A_539 : vector<16xf32>
          %mul3A_541 = arith.mulf %get3A_447, %get3A_534 : vector<16xf32>
          %add3A_542 = arith.addf %scan3A_432, %mul3A_541 : vector<16xf32>
          %add3A_543 = arith.constant 8 : i32
          %add3A_544 = arith.addi %mul3A_93, %add3A_543 : i32
          %add3A_545 = arith.constant 3 : i32
          %add3A_546 = arith.addi %add3A_544, %add3A_545 : i32
          %get3A_547 = arith.index_cast %add3A_546 : i32 to index
          %get3A_548 = arith.index_cast %mul3A_439 : i32 to index
          %get3A_549 = tpu.vector_load %arg17[%get3A_547, %get3A_548] {strides = array<i32>} : memref<32x256xf32, #tpu.memory_space<vmem>>, vector<16xf32>,
          %add3A_550 = arith.constant 8 : i32
          %add3A_551 = arith.addi %mul3A_93, %add3A_550 : i32
          %add3A_552 = arith.constant 3 : i32
          %add3A_553 = arith.addi %add3A_551, %add3A_552 : i32
          %get3A_554 = arith.index_cast %add3A_553 : i32 to index
          %get3A_555 = arith.index_cast %mul3A_439 : i32 to index
          %get3A_556 = tpu.vector_load %arg19[%get3A_554, %get3A_555] {strides = array<i32>} : memref<32x512xf32, #tpu.memory_space<vmem>>, vector<16xf32>,
          %add3A_557 = arith.constant 8 : i32
          %add3A_558 = arith.addi %mul3A_93, %add3A_557 : i32
          %add3A_559 = arith.constant 3 : i32
          %add3A_560 = arith.addi %add3A_558, %add3A_559 : i32
          %add3A_561 = arith.constant 256 : i32
          %add3A_562 = arith.addi %mul3A_439, %add3A_561 : i32
          %get3A_563 = arith.index_cast %add3A_560 : i32 to index
          %get3A_564 = arith.index_cast %add3A_562 : i32 to index
          %get3A_565 = tpu.vector_load %arg19[%get3A_563, %get3A_564] {strides = array<i32>} : memref<32x512xf32, #tpu.memory_space<vmem>>, vector<16xf32>,
          %mul3A_566 = arith.mulf %get3A_549, %get3A_556 : vector<16xf32>
          %add3A_567 = arith.addf %scan3A_417, %mul3A_566 : vector<16xf32>
          %mul3A_568 = arith.mulf %get3A_449, %get3A_565 : vector<16xf32>
          %add3A_569 = arith.addf %add3A_567, %mul3A_568 : vector<16xf32>
          %mul3A_570 = arith.mulf %get3A_443, %get3A_565 : vector<16xf32>
          %add3A_571 = arith.addf %scan3A_425, %mul3A_570 : vector<16xf32>
          %mul3A_572 = arith.mulf %get3A_447, %get3A_565 : vector<16xf32>
          %add3A_573 = arith.addf %scan3A_433, %mul3A_572 : vector<16xf32>
          %add3A_574 = arith.constant 8 : i32
          %add3A_575 = arith.addi %mul3A_93, %add3A_574 : i32
          %add3A_576 = arith.constant 4 : i32
          %add3A_577 = arith.addi %add3A_575, %add3A_576 : i32
          %get3A_578 = arith.index_cast %add3A_577 : i32 to index
          %get3A_579 = arith.index_cast %mul3A_439 : i32 to index
          %get3A_580 = tpu.vector_load %arg17[%get3A_578, %get3A_579] {strides = array<i32>} : memref<32x256xf32, #tpu.memory_space<vmem>>, vector<16xf32>,
          %add3A_581 = arith.constant 8 : i32
          %add3A_582 = arith.addi %mul3A_93, %add3A_581 : i32
          %add3A_583 = arith.constant 4 : i32
          %add3A_584 = arith.addi %add3A_582, %add3A_583 : i32
          %get3A_585 = arith.index_cast %add3A_584 : i32 to index
          %get3A_586 = arith.index_cast %mul3A_439 : i32 to index
          %get3A_587 = tpu.vector_load %arg19[%get3A_585, %get3A_586] {strides = array<i32>} : memref<32x512xf32, #tpu.memory_space<vmem>>, vector<16xf32>,
          %add3A_588 = arith.constant 8 : i32
          %add3A_589 = arith.addi %mul3A_93, %add3A_588 : i32
          %add3A_590 = arith.constant 4 : i32
          %add3A_591 = arith.addi %add3A_589, %add3A_590 : i32
          %add3A_592 = arith.constant 256 : i32
          %add3A_593 = arith.addi %mul3A_439, %add3A_592 : i32
          %get3A_594 = arith.index_cast %add3A_591 : i32 to index
          %get3A_595 = arith.index_cast %add3A_593 : i32 to index
          %get3A_596 = tpu.vector_load %arg19[%get3A_594, %get3A_595] {strides = array<i32>} : memref<32x512xf32, #tpu.memory_space<vmem>>, vector<16xf32>,
          %mul3A_597 = arith.mulf %get3A_580, %get3A_587 : vector<16xf32>
          %add3A_598 = arith.addf %scan3A_418, %mul3A_597 : vector<16xf32>
          %mul3A_599 = arith.mulf %get3A_449, %get3A_596 : vector<16xf32>
          %add3A_600 = arith.addf %add3A_598, %mul3A_599 : vector<16xf32>
          %mul3A_601 = arith.mulf %get3A_443, %get3A_596 : vector<16xf32>
          %add3A_602 = arith.addf %scan3A_426, %mul3A_601 : vector<16xf32>
          %mul3A_603 = arith.mulf %get3A_447, %get3A_596 : vector<16xf32>
          %add3A_604 = arith.addf %scan3A_434, %mul3A_603 : vector<16xf32>
          %add3A_605 = arith.constant 8 : i32
          %add3A_606 = arith.addi %mul3A_93, %add3A_605 : i32
          %add3A_607 = arith.constant 5 : i32
          %add3A_608 = arith.addi %add3A_606, %add3A_607 : i32
          %get3A_609 = arith.index_cast %add3A_608 : i32 to index
          %get3A_610 = arith.index_cast %mul3A_439 : i32 to index
          %get3A_611 = tpu.vector_load %arg17[%get3A_609, %get3A_610] {strides = array<i32>} : memref<32x256xf32, #tpu.memory_space<vmem>>, vector<16xf32>,
          %add3A_612 = arith.constant 8 : i32
          %add3A_613 = arith.addi %mul3A_93, %add3A_612 : i32
          %add3A_614 = arith.constant 5 : i32
          %add3A_615 = arith.addi %add3A_613, %add3A_614 : i32
          %get3A_616 = arith.index_cast %add3A_615 : i32 to index
          %get3A_617 = arith.index_cast %mul3A_439 : i32 to index
          %get3A_618 = tpu.vector_load %arg19[%get3A_616, %get3A_617] {strides = array<i32>} : memref<32x512xf32, #tpu.memory_space<vmem>>, vector<16xf32>,
          %add3A_619 = arith.constant 8 : i32
          %add3A_620 = arith.addi %mul3A_93, %add3A_619 : i32
          %add3A_621 = arith.constant 5 : i32
          %add3A_622 = arith.addi %add3A_620, %add3A_621 : i32
          %add3A_623 = arith.constant 256 : i32
          %add3A_624 = arith.addi %mul3A_439, %add3A_623 : i32
          %get3A_625 = arith.index_cast %add3A_622 : i32 to index
          %get3A_626 = arith.index_cast %add3A_624 : i32 to index
          %get3A_627 = tpu.vector_load %arg19[%get3A_625, %get3A_626] {strides = array<i32>} : memref<32x512xf32, #tpu.memory_space<vmem>>, vector<16xf32>,
          %mul3A_628 = arith.mulf %get3A_611, %get3A_618 : vector<16xf32>
          %add3A_629 = arith.addf %scan3A_419, %mul3A_628 : vector<16xf32>
          %mul3A_630 = arith.mulf %get3A_449, %get3A_627 : vector<16xf32>
          %add3A_631 = arith.addf %add3A_629, %mul3A_630 : vector<16xf32>
          %mul3A_632 = arith.mulf %get3A_443, %get3A_627 : vector<16xf32>
          %add3A_633 = arith.addf %scan3A_427, %mul3A_632 : vector<16xf32>
          %mul3A_634 = arith.mulf %get3A_447, %get3A_627 : vector<16xf32>
          %add3A_635 = arith.addf %scan3A_435, %mul3A_634 : vector<16xf32>
          %add3A_636 = arith.constant 8 : i32
          %add3A_637 = arith.addi %mul3A_93, %add3A_636 : i32
          %add3A_638 = arith.constant 6 : i32
          %add3A_639 = arith.addi %add3A_637, %add3A_638 : i32
          %get3A_640 = arith.index_cast %add3A_639 : i32 to index
          %get3A_641 = arith.index_cast %mul3A_439 : i32 to index
          %get3A_642 = tpu.vector_load %arg17[%get3A_640, %get3A_641] {strides = array<i32>} : memref<32x256xf32, #tpu.memory_space<vmem>>, vector<16xf32>,
          %add3A_643 = arith.constant 8 : i32
          %add3A_644 = arith.addi %mul3A_93, %add3A_643 : i32
          %add3A_645 = arith.constant 6 : i32
          %add3A_646 = arith.addi %add3A_644, %add3A_645 : i32
          %get3A_647 = arith.index_cast %add3A_646 : i32 to index
          %get3A_648 = arith.index_cast %mul3A_439 : i32 to index
          %get3A_649 = tpu.vector_load %arg19[%get3A_647, %get3A_648] {strides = array<i32>} : memref<32x512xf32, #tpu.memory_space<vmem>>, vector<16xf32>,
          %add3A_650 = arith.constant 8 : i32
          %add3A_651 = arith.addi %mul3A_93, %add3A_650 : i32
          %add3A_652 = arith.constant 6 : i32
          %add3A_653 = arith.addi %add3A_651, %add3A_652 : i32
          %add3A_654 = arith.constant 256 : i32
          %add3A_655 = arith.addi %mul3A_439, %add3A_654 : i32
          %get3A_656 = arith.index_cast %add3A_653 : i32 to index
          %get3A_657 = arith.index_cast %add3A_655 : i32 to index
          %get3A_658 = tpu.vector_load %arg19[%get3A_656, %get3A_657] {strides = array<i32>} : memref<32x512xf32, #tpu.memory_space<vmem>>, vector<16xf32>,
          %mul3A_659 = arith.mulf %get3A_642, %get3A_649 : vector<16xf32>
          %add3A_660 = arith.addf %scan3A_420, %mul3A_659 : vector<16xf32>
          %mul3A_661 = arith.mulf %get3A_449, %get3A_658 : vector<16xf32>
          %add3A_662 = arith.addf %add3A_660, %mul3A_661 : vector<16xf32>
          %mul3A_663 = arith.mulf %get3A_443, %get3A_658 : vector<16xf32>
          %add3A_664 = arith.addf %scan3A_428, %mul3A_663 : vector<16xf32>
          %mul3A_665 = arith.mulf %get3A_447, %get3A_658 : vector<16xf32>
          %add3A_666 = arith.addf %scan3A_436, %mul3A_665 : vector<16xf32>
          %add3A_667 = arith.constant 8 : i32
          %add3A_668 = arith.addi %mul3A_93, %add3A_667 : i32
          %add3A_669 = arith.constant 7 : i32
          %add3A_670 = arith.addi %add3A_668, %add3A_669 : i32
          %get3A_671 = arith.index_cast %add3A_670 : i32 to index
          %get3A_672 = arith.index_cast %mul3A_439 : i32 to index
          %get3A_673 = tpu.vector_load %arg17[%get3A_671, %get3A_672] {strides = array<i32>} : memref<32x256xf32, #tpu.memory_space<vmem>>, vector<16xf32>,
          %add3A_674 = arith.constant 8 : i32
          %add3A_675 = arith.addi %mul3A_93, %add3A_674 : i32
          %add3A_676 = arith.constant 7 : i32
          %add3A_677 = arith.addi %add3A_675, %add3A_676 : i32
          %get3A_678 = arith.index_cast %add3A_677 : i32 to index
          %get3A_679 = arith.index_cast %mul3A_439 : i32 to index
          %get3A_680 = tpu.vector_load %arg19[%get3A_678, %get3A_679] {strides = array<i32>} : memref<32x512xf32, #tpu.memory_space<vmem>>, vector<16xf32>,
          %add3A_681 = arith.constant 8 : i32
          %add3A_682 = arith.addi %mul3A_93, %add3A_681 : i32
          %add3A_683 = arith.constant 7 : i32
          %add3A_684 = arith.addi %add3A_682, %add3A_683 : i32
          %add3A_685 = arith.constant 256 : i32
          %add3A_686 = arith.addi %mul3A_439, %add3A_685 : i32
          %get3A_687 = arith.index_cast %add3A_684 : i32 to index
          %get3A_688 = arith.index_cast %add3A_686 : i32 to index
          %get3A_689 = tpu.vector_load %arg19[%get3A_687, %get3A_688] {strides = array<i32>} : memref<32x512xf32, #tpu.memory_space<vmem>>, vector<16xf32>,
          %mul3A_690 = arith.mulf %get3A_673, %get3A_680 : vector<16xf32>
          %add3A_691 = arith.addf %scan3A_421, %mul3A_690 : vector<16xf32>
          %mul3A_692 = arith.mulf %get3A_449, %get3A_689 : vector<16xf32>
          %add3A_693 = arith.addf %add3A_691, %mul3A_692 : vector<16xf32>
          %mul3A_694 = arith.mulf %get3A_443, %get3A_689 : vector<16xf32>
          %add3A_695 = arith.addf %scan3A_429, %mul3A_694 : vector<16xf32>
          %mul3A_696 = arith.mulf %get3A_447, %get3A_689 : vector<16xf32>
          %add3A_697 = arith.addf %scan3A_437, %mul3A_696 : vector<16xf32>
          scf.yield %add3A_476, %add3A_507, %add3A_538, %add3A_569, %add3A_600, %add3A_631, %add3A_662, %add3A_693, %add3A_478, %add3A_509, %add3A_540, %add3A_571, %add3A_602, %add3A_633, %add3A_664, %add3A_695, %add3A_480, %add3A_511, %add3A_542, %add3A_573, %add3A_604, %add3A_635, %add3A_666, %add3A_697 : vector<16xf32>, vector<16xf32>, vector<16xf32>, vector<16xf32>, vector<16xf32>, vector<16xf32>, vector<16xf32>, vector<16xf32>, vector<16xf32>, vector<16xf32>, vector<16xf32>, vector<16xf32>, vector<16xf32>, vector<16xf32>, vector<16xf32>, vector<16xf32>, vector<16xf32>, vector<16xf32>, vector<16xf32>, vector<16xf32>, vector<16xf32>, vector<16xf32>, vector<16xf32>, vector<16xf32>
        }
        %scan3A_259 = arith.constant 16 : i32
        %slice3A_260 = vector.extract_strided_slice %get3A_97 {offsets = [8], sizes = [1], strides = [1]} : vector<16xf32> to vector<1xf32>
        %squeeze3A_261 = vector.extract %slice3A_260[0] : f32 from vector<1xf32>
        %mul3A_262 = vector.broadcast %squeeze3A_261 : f32 to vector<16xf32>
        %mul3A_263 = arith.mulf %mul3A_262, %scan3A_258#8 : vector<16xf32>
        %add3A_264 = arith.addf %scan3A_258#0, %mul3A_263 : vector<16xf32>
        %slice3A_265 = vector.extract_strided_slice %get3A_99 {offsets = [8], sizes = [1], strides = [1]} : vector<16xf32> to vector<1xf32>
        %squeeze3A_266 = vector.extract %slice3A_265[0] : f32 from vector<1xf32>
        %mul3A_267 = vector.broadcast %squeeze3A_266 : f32 to vector<16xf32>
        %mul3A_268 = arith.mulf %mul3A_267, %scan3A_258#16 : vector<16xf32>
        %add3A_269 = arith.addf %add3A_264, %mul3A_268 : vector<16xf32>
        %eq3A_270 = arith.constant 8 : i32
        %eq3A_271 = vector.broadcast %eq3A_270 : i32 to vector<16xi32>
        %eq3A_272 = arith.cmpi eq, %iota3A, %eq3A_271 : vector<16xi32>
        %reduce_sum3A_273 = arith.constant true
        %reduce_sum3A_274 = vector.broadcast %reduce_sum3A_273 : i1 to vector<16xi1>
        %reduce_sum3A_275 = tpu.scan <sum>, %add3A_269 masked %reduce_sum3A_274 : vector<16xf32>, vector<16xi1> -> vector<16xf32>
        %reduce_sum3A_276 = vector.extract %reduce_sum3A_275[15] : f32 from vector<16xf32>
        %broadcast_in_dim3A_277 = vector.broadcast %reduce_sum3A_276 : f32 to vector<16xf32>
        %select_n3A_278 = arith.select %eq3A_272, %broadcast_in_dim3A_277, %select_n3A_253 : vector<16xi1>, vector<16xf32>
        %slice3A_279 = vector.extract_strided_slice %get3A_97 {offsets = [9], sizes = [1], strides = [1]} : vector<16xf32> to vector<1xf32>
        %squeeze3A_280 = vector.extract %slice3A_279[0] : f32 from vector<1xf32>
        %mul3A_281 = vector.broadcast %squeeze3A_280 : f32 to vector<16xf32>
        %mul3A_282 = arith.mulf %mul3A_281, %scan3A_258#9 : vector<16xf32>
        %add3A_283 = arith.addf %scan3A_258#1, %mul3A_282 : vector<16xf32>
        %slice3A_284 = vector.extract_strided_slice %get3A_99 {offsets = [9], sizes = [1], strides = [1]} : vector<16xf32> to vector<1xf32>
        %squeeze3A_285 = vector.extract %slice3A_284[0] : f32 from vector<1xf32>
        %mul3A_286 = vector.broadcast %squeeze3A_285 : f32 to vector<16xf32>
        %mul3A_287 = arith.mulf %mul3A_286, %scan3A_258#17 : vector<16xf32>
        %add3A_288 = arith.addf %add3A_283, %mul3A_287 : vector<16xf32>
        %eq3A_289 = arith.constant 9 : i32
        %eq3A_290 = vector.broadcast %eq3A_289 : i32 to vector<16xi32>
        %eq3A_291 = arith.cmpi eq, %iota3A, %eq3A_290 : vector<16xi32>
        %reduce_sum3A_292 = arith.constant true
        %reduce_sum3A_293 = vector.broadcast %reduce_sum3A_292 : i1 to vector<16xi1>
        %reduce_sum3A_294 = tpu.scan <sum>, %add3A_288 masked %reduce_sum3A_293 : vector<16xf32>, vector<16xi1> -> vector<16xf32>
        %reduce_sum3A_295 = vector.extract %reduce_sum3A_294[15] : f32 from vector<16xf32>
        %broadcast_in_dim3A_296 = vector.broadcast %reduce_sum3A_295 : f32 to vector<16xf32>
        %select_n3A_297 = arith.select %eq3A_291, %broadcast_in_dim3A_296, %select_n3A_278 : vector<16xi1>, vector<16xf32>
        %slice3A_298 = vector.extract_strided_slice %get3A_97 {offsets = [10], sizes = [1], strides = [1]} : vector<16xf32> to vector<1xf32>
        %squeeze3A_299 = vector.extract %slice3A_298[0] : f32 from vector<1xf32>
        %mul3A_300 = vector.broadcast %squeeze3A_299 : f32 to vector<16xf32>
        %mul3A_301 = arith.mulf %mul3A_300, %scan3A_258#10 : vector<16xf32>
        %add3A_302 = arith.addf %scan3A_258#2, %mul3A_301 : vector<16xf32>
        %slice3A_303 = vector.extract_strided_slice %get3A_99 {offsets = [10], sizes = [1], strides = [1]} : vector<16xf32> to vector<1xf32>
        %squeeze3A_304 = vector.extract %slice3A_303[0] : f32 from vector<1xf32>
        %mul3A_305 = vector.broadcast %squeeze3A_304 : f32 to vector<16xf32>
        %mul3A_306 = arith.mulf %mul3A_305, %scan3A_258#18 : vector<16xf32>
        %add3A_307 = arith.addf %add3A_302, %mul3A_306 : vector<16xf32>
        %eq3A_308 = arith.constant 10 : i32
        %eq3A_309 = vector.broadcast %eq3A_308 : i32 to vector<16xi32>
        %eq3A_310 = arith.cmpi eq, %iota3A, %eq3A_309 : vector<16xi32>
        %reduce_sum3A_311 = arith.constant true
        %reduce_sum3A_312 = vector.broadcast %reduce_sum3A_311 : i1 to vector<16xi1>
        %reduce_sum3A_313 = tpu.scan <sum>, %add3A_307 masked %reduce_sum3A_312 : vector<16xf32>, vector<16xi1> -> vector<16xf32>
        %reduce_sum3A_314 = vector.extract %reduce_sum3A_313[15] : f32 from vector<16xf32>
        %broadcast_in_dim3A_315 = vector.broadcast %reduce_sum3A_314 : f32 to vector<16xf32>
        %select_n3A_316 = arith.select %eq3A_310, %broadcast_in_dim3A_315, %select_n3A_297 : vector<16xi1>, vector<16xf32>
        %slice3A_317 = vector.extract_strided_slice %get3A_97 {offsets = [11], sizes = [1], strides = [1]} : vector<16xf32> to vector<1xf32>
        %squeeze3A_318 = vector.extract %slice3A_317[0] : f32 from vector<1xf32>
        %mul3A_319 = vector.broadcast %squeeze3A_318 : f32 to vector<16xf32>
        %mul3A_320 = arith.mulf %mul3A_319, %scan3A_258#11 : vector<16xf32>
        %add3A_321 = arith.addf %scan3A_258#3, %mul3A_320 : vector<16xf32>
        %slice3A_322 = vector.extract_strided_slice %get3A_99 {offsets = [11], sizes = [1], strides = [1]} : vector<16xf32> to vector<1xf32>
        %squeeze3A_323 = vector.extract %slice3A_322[0] : f32 from vector<1xf32>
        %mul3A_324 = vector.broadcast %squeeze3A_323 : f32 to vector<16xf32>
        %mul3A_325 = arith.mulf %mul3A_324, %scan3A_258#19 : vector<16xf32>
        %add3A_326 = arith.addf %add3A_321, %mul3A_325 : vector<16xf32>
        %eq3A_327 = arith.constant 11 : i32
        %eq3A_328 = vector.broadcast %eq3A_327 : i32 to vector<16xi32>
        %eq3A_329 = arith.cmpi eq, %iota3A, %eq3A_328 : vector<16xi32>
        %reduce_sum3A_330 = arith.constant true
        %reduce_sum3A_331 = vector.broadcast %reduce_sum3A_330 : i1 to vector<16xi1>
        %reduce_sum3A_332 = tpu.scan <sum>, %add3A_326 masked %reduce_sum3A_331 : vector<16xf32>, vector<16xi1> -> vector<16xf32>
        %reduce_sum3A_333 = vector.extract %reduce_sum3A_332[15] : f32 from vector<16xf32>
        %broadcast_in_dim3A_334 = vector.broadcast %reduce_sum3A_333 : f32 to vector<16xf32>
        %select_n3A_335 = arith.select %eq3A_329, %broadcast_in_dim3A_334, %select_n3A_316 : vector<16xi1>, vector<16xf32>
        %slice3A_336 = vector.extract_strided_slice %get3A_97 {offsets = [12], sizes = [1], strides = [1]} : vector<16xf32> to vector<1xf32>
        %squeeze3A_337 = vector.extract %slice3A_336[0] : f32 from vector<1xf32>
        %mul3A_338 = vector.broadcast %squeeze3A_337 : f32 to vector<16xf32>
        %mul3A_339 = arith.mulf %mul3A_338, %scan3A_258#12 : vector<16xf32>
        %add3A_340 = arith.addf %scan3A_258#4, %mul3A_339 : vector<16xf32>
        %slice3A_341 = vector.extract_strided_slice %get3A_99 {offsets = [12], sizes = [1], strides = [1]} : vector<16xf32> to vector<1xf32>
        %squeeze3A_342 = vector.extract %slice3A_341[0] : f32 from vector<1xf32>
        %mul3A_343 = vector.broadcast %squeeze3A_342 : f32 to vector<16xf32>
        %mul3A_344 = arith.mulf %mul3A_343, %scan3A_258#20 : vector<16xf32>
        %add3A_345 = arith.addf %add3A_340, %mul3A_344 : vector<16xf32>
        %eq3A_346 = arith.constant 12 : i32
        %eq3A_347 = vector.broadcast %eq3A_346 : i32 to vector<16xi32>
        %eq3A_348 = arith.cmpi eq, %iota3A, %eq3A_347 : vector<16xi32>
        %reduce_sum3A_349 = arith.constant true
        %reduce_sum3A_350 = vector.broadcast %reduce_sum3A_349 : i1 to vector<16xi1>
        %reduce_sum3A_351 = tpu.scan <sum>, %add3A_345 masked %reduce_sum3A_350 : vector<16xf32>, vector<16xi1> -> vector<16xf32>
        %reduce_sum3A_352 = vector.extract %reduce_sum3A_351[15] : f32 from vector<16xf32>
        %broadcast_in_dim3A_353 = vector.broadcast %reduce_sum3A_352 : f32 to vector<16xf32>
        %select_n3A_354 = arith.select %eq3A_348, %broadcast_in_dim3A_353, %select_n3A_335 : vector<16xi1>, vector<16xf32>
        %slice3A_355 = vector.extract_strided_slice %get3A_97 {offsets = [13], sizes = [1], strides = [1]} : vector<16xf32> to vector<1xf32>
        %squeeze3A_356 = vector.extract %slice3A_355[0] : f32 from vector<1xf32>
        %mul3A_357 = vector.broadcast %squeeze3A_356 : f32 to vector<16xf32>
        %mul3A_358 = arith.mulf %mul3A_357, %scan3A_258#13 : vector<16xf32>
        %add3A_359 = arith.addf %scan3A_258#5, %mul3A_358 : vector<16xf32>
        %slice3A_360 = vector.extract_strided_slice %get3A_99 {offsets = [13], sizes = [1], strides = [1]} : vector<16xf32> to vector<1xf32>
        %squeeze3A_361 = vector.extract %slice3A_360[0] : f32 from vector<1xf32>
        %mul3A_362 = vector.broadcast %squeeze3A_361 : f32 to vector<16xf32>
        %mul3A_363 = arith.mulf %mul3A_362, %scan3A_258#21 : vector<16xf32>
        %add3A_364 = arith.addf %add3A_359, %mul3A_363 : vector<16xf32>
        %eq3A_365 = arith.constant 13 : i32
        %eq3A_366 = vector.broadcast %eq3A_365 : i32 to vector<16xi32>
        %eq3A_367 = arith.cmpi eq, %iota3A, %eq3A_366 : vector<16xi32>
        %reduce_sum3A_368 = arith.constant true
        %reduce_sum3A_369 = vector.broadcast %reduce_sum3A_368 : i1 to vector<16xi1>
        %reduce_sum3A_370 = tpu.scan <sum>, %add3A_364 masked %reduce_sum3A_369 : vector<16xf32>, vector<16xi1> -> vector<16xf32>
        %reduce_sum3A_371 = vector.extract %reduce_sum3A_370[15] : f32 from vector<16xf32>
        %broadcast_in_dim3A_372 = vector.broadcast %reduce_sum3A_371 : f32 to vector<16xf32>
        %select_n3A_373 = arith.select %eq3A_367, %broadcast_in_dim3A_372, %select_n3A_354 : vector<16xi1>, vector<16xf32>
        %slice3A_374 = vector.extract_strided_slice %get3A_97 {offsets = [14], sizes = [1], strides = [1]} : vector<16xf32> to vector<1xf32>
        %squeeze3A_375 = vector.extract %slice3A_374[0] : f32 from vector<1xf32>
        %mul3A_376 = vector.broadcast %squeeze3A_375 : f32 to vector<16xf32>
        %mul3A_377 = arith.mulf %mul3A_376, %scan3A_258#14 : vector<16xf32>
        %add3A_378 = arith.addf %scan3A_258#6, %mul3A_377 : vector<16xf32>
        %slice3A_379 = vector.extract_strided_slice %get3A_99 {offsets = [14], sizes = [1], strides = [1]} : vector<16xf32> to vector<1xf32>
        %squeeze3A_380 = vector.extract %slice3A_379[0] : f32 from vector<1xf32>
        %mul3A_381 = vector.broadcast %squeeze3A_380 : f32 to vector<16xf32>
        %mul3A_382 = arith.mulf %mul3A_381, %scan3A_258#22 : vector<16xf32>
        %add3A_383 = arith.addf %add3A_378, %mul3A_382 : vector<16xf32>
        %eq3A_384 = arith.constant 14 : i32
        %eq3A_385 = vector.broadcast %eq3A_384 : i32 to vector<16xi32>
        %eq3A_386 = arith.cmpi eq, %iota3A, %eq3A_385 : vector<16xi32>
        %reduce_sum3A_387 = arith.constant true
        %reduce_sum3A_388 = vector.broadcast %reduce_sum3A_387 : i1 to vector<16xi1>
        %reduce_sum3A_389 = tpu.scan <sum>, %add3A_383 masked %reduce_sum3A_388 : vector<16xf32>, vector<16xi1> -> vector<16xf32>
        %reduce_sum3A_390 = vector.extract %reduce_sum3A_389[15] : f32 from vector<16xf32>
        %broadcast_in_dim3A_391 = vector.broadcast %reduce_sum3A_390 : f32 to vector<16xf32>
        %select_n3A_392 = arith.select %eq3A_386, %broadcast_in_dim3A_391, %select_n3A_373 : vector<16xi1>, vector<16xf32>
        %slice3A_393 = vector.extract_strided_slice %get3A_97 {offsets = [15], sizes = [1], strides = [1]} : vector<16xf32> to vector<1xf32>
        %squeeze3A_394 = vector.extract %slice3A_393[0] : f32 from vector<1xf32>
        %mul3A_395 = vector.broadcast %squeeze3A_394 : f32 to vector<16xf32>
        %mul3A_396 = arith.mulf %mul3A_395, %scan3A_258#15 : vector<16xf32>
        %add3A_397 = arith.addf %scan3A_258#7, %mul3A_396 : vector<16xf32>
        %slice3A_398 = vector.extract_strided_slice %get3A_99 {offsets = [15], sizes = [1], strides = [1]} : vector<16xf32> to vector<1xf32>
        %squeeze3A_399 = vector.extract %slice3A_398[0] : f32 from vector<1xf32>
        %mul3A_400 = vector.broadcast %squeeze3A_399 : f32 to vector<16xf32>
        %mul3A_401 = arith.mulf %mul3A_400, %scan3A_258#23 : vector<16xf32>
        %add3A_402 = arith.addf %add3A_397, %mul3A_401 : vector<16xf32>
        %eq3A_403 = arith.constant 15 : i32
        %eq3A_404 = vector.broadcast %eq3A_403 : i32 to vector<16xi32>
        %eq3A_405 = arith.cmpi eq, %iota3A, %eq3A_404 : vector<16xi32>
        %reduce_sum3A_406 = arith.constant true
        %reduce_sum3A_407 = vector.broadcast %reduce_sum3A_406 : i1 to vector<16xi1>
        %reduce_sum3A_408 = tpu.scan <sum>, %add3A_402 masked %reduce_sum3A_407 : vector<16xf32>, vector<16xi1> -> vector<16xf32>
        %reduce_sum3A_409 = vector.extract %reduce_sum3A_408[15] : f32 from vector<16xf32>
        %broadcast_in_dim3A_410 = vector.broadcast %reduce_sum3A_409 : f32 to vector<16xf32>
        %select_n3A_411 = arith.select %eq3A_405, %broadcast_in_dim3A_410, %select_n3A_392 : vector<16xi1>, vector<16xf32>
        %swap3A = arith.index_cast %add3A_96 : i32 to index
        %swap3A_412 = tpu.vector_load %arg15[%swap3A] {strides = array<i32>} : memref<512xf32, #tpu.memory_space<vmem>>, vector<16xf32>,
        tpu.vector_store %arg15[%swap3A], %select_n3A_411 {strides = array<i32>} : memref<512xf32, #tpu.memory_space<vmem>>, vector<16xf32>,
      }
      %scan3A_90 = arith.constant 2 : i32
    }
    %scan3A_31 = arith.constant 8 : i32
    "tpu.region"() ({
      %run_scoped3A = tpu.sem_alloc : memref<!tpu.dma_semaphore, #tpu.memory_space<semaphore_mem>>
      %dma_start3A_32 = tpu.memref_slice %arg10[%mul3A_2] : memref<16384xf32, #tpu.memory_space<hbm>> -> memref<512xf32, #tpu.memory_space<hbm>>
      %dma_start3A_33 = tpu.memref_slice %arg10[%mul3A_2] : memref<16384xf32, #tpu.memory_space<hbm>> -> memref<512xf32, #tpu.memory_space<hbm>>
      tpu.enqueue_dma source(%arg15 : memref<512xf32, #tpu.memory_space<vmem>>) target(%dma_start3A_33 : memref<512xf32, #tpu.memory_space<hbm>>) target_semaphore(%run_scoped3A : memref<!tpu.dma_semaphore, #tpu.memory_space<semaphore_mem>>)
      %dma_wait3A_34 = tpu.memref_slice %arg10[%mul3A_2] : memref<16384xf32, #tpu.memory_space<hbm>> -> memref<512xf32, #tpu.memory_space<hbm>>
      %dma_wait3A_35 = tpu.memref_slice %arg10[%mul3A_2] : memref<16384xf32, #tpu.memory_space<hbm>> -> memref<512xf32, #tpu.memory_space<hbm>>
      tpu.wait_dma2 semaphore(%run_scoped3A : memref<!tpu.dma_semaphore, #tpu.memory_space<semaphore_mem>>) src(%arg15 : memref<512xf32, #tpu.memory_space<vmem>>) dst(%dma_wait3A_35 : memref<512xf32, #tpu.memory_space<hbm>>)
      tpu.yield
    }) : () -> ()
    return
  }
}

</mosaic_0001>

<sc_bundles>
// kernel: kernel.3.cloned.1.call-start
scs
__scs_entry_jumppad:
0x0: {  	(pc) =	sbr.rel $0x88, $3  }
0x1: {  	(tag) =	ssettag $0x0;
	lr =	simm.s32 $0x1  }
0x2: {  	[smem:$0x3F99] =	sst lr;
	_ =	strace $0xD0000000  }
0x3: {  	_ = 	snop  }
0x4: {  	_ = 	snop  }
0x5: {  	_ = 	snop  }
0x6: {  	_ = 	snop  }
0x7: {  	_ = 	snop  }
__scs_overlays_trampoline_lowered:
0x8: {  	[smem:$0x3FA8] =	sst s0  }
0x9: {  	[smem:$0x3FA9] =	sst s1  }
0xa: {  	[smem:$0x3FAA] =	sst s2  }
0xb: {  	[smem:$0x3FAB] =	sst s3  }
0xc: {  	[smem:$0x3FAC] =	sst s4  }
0xd: {  	[smem:$0x3FAD] =	sst s5  }
0xe: {  	[smem:$0x3FAE] =	sst s6  }
0xf: {  	[smem:$0x3FAF] =	sst s7  }
0x10: {  	[smem:$0x3FB0] =	sst s8  }
0x11: {  	[smem:$0x3FB1] =	sst s9;
	s0 =	simm.s32 @!p0 $0x0  }
0x12: {  	s1 =	sld [smem:$0x3F97];
	s0 =	simm.s32 @p0 $0x1  }
0x13: {  	[smem:$0x3FB2] =	sst s0;
	s0 =	simm.s32 @!p1 $0x0  }
0x14: {  	s2 =	sld [smem:$0x3F96];
	s0 =	simm.s32 @p1 $0x1  }
0x15: {  	[smem:$0x3FB3] =	sst s0;
	s0 =	simm.s32 @!p2 $0x0  }
0x16: {  	s3 =	sld [smem:$0x3FDB];
	s0 =	simm.s32 @p2 $0x1  }
0x17: {  	s4 =	simm.s32 $0x1BF5;
	[smem:$0x3FB5] =	sst s0  }
0x18: {  	s0 =	sld [smem:$0x3F98];
	_ =	swait.ge [sflag:s4], $0x0  }
0x19: {  	s7 =	sld [smem:$0x3F99]  }
0x1a: {  	s8 =	sadd.s32 $0xFFFFE003, lr  }
0x1b: {  	s9 =	sadd.s32 $0xFFFFFEF7, lr;
	s5 =	simm.s32 $0xFFFFFFFF;
	p2 =	slt.u32 s8, $0xFFFFF086  }
0x1c: {  	p1 =	slt.u32 s9, $0xF7A;
	s5 =	simm.s32 @!p2 $0x0  }
0x1d: {  	s5 =	simm.s32 @p1 $0x1;
	p0 =	seq.s32 s7, s2  }
0x1e: {  	s7 =	smul.u32 @!p0 $0xF7A, s2;
	p2 =	seq.s32 @!p0 s5, $0x0  }
0x1f: {  	s9 =	smul.u32 $0xF7A, s1;
	s8 =	simm.s32 @!p0 $0x1BF5;
	p2 =	por !p2, p0  }
0x20: {  	[sflag:s8] =	ssyncset.s32 @!p0 $0xFFFFF086;
	s6 =	sadd.s32 @!p0 s3, s7;
	s7 =	simm.s32 @!p0 $0x108  }
0x21: {  	s3 =	sadd.s32 s3, s9;
	s6 =	sadd.s32 @!p0 $0x88, s6;
	s7 =	simm.s32 @p2 $0x1082  }
0x22: {  	[simem:s7], [sflag:s8] =	dma.local @!p0 [hbm:s6], $0xF7A  }
0x23: {  	s9 =	sor.u32 $0xD0000000, s2;
	s6 =	simm.s32 $0x108;
	_ =	swait.ge @!p0 [sflag:s8], $0x0  }
0x24: {  	s3 =	sadd.s32 $0x88, s3;
	s6 =	simm.s32 @!p1 $0x1082;
	[sflag:s4] =	ssyncset.s32 $0xFFFFF086  }
0x25: {  	[simem:s6], [sflag:s4] =	dma.local [hbm:s3], $0xF7A  }
0x26: {  	[smem:$0x3F99] =	sst s1;
	(tag) =	ssettag s2;
	_ =	strace s9  }
0x27: {  	s1 =	sld [smem:$0x3FA9]  }
0x28: {  	s2 =	sld [smem:$0x3FAA]  }
0x29: {  	s4 =	sld [smem:$0x3FAC]  }
0x2a: {  	p0 =	seq.s32 s5, $0x0;
	s5 =	sld [smem:$0x3FAD]  }
0x2b: {  	s6 =	sld [smem:$0x3FAE]  }
0x2c: {  	s7 =	sld [smem:$0x3FAF]  }
0x2d: {  	s3 =	simm.s32 $0x108;
	s8 =	sld [smem:$0x3FB0]  }
0x2e: {  	s3 =	simm.s32 @!p0 $0x1082;
	s9 =	sld [smem:$0x3FB1]  }
0x2f: {  	lr =	sadd.s32 s0, s3;
	s0 =	sld [smem:$0x3FA8]  }
0x30: {  	s3 =	sld [smem:$0x3FAB]  }
0x31: {  	[smem:$0x3FB4] =	sst s10  }
0x32: {  	s10 =	sld [smem:$0x3FB2];
	_ =	sdelay $0x3  }
0x33: {  	p0 =	seq.s32 s10, $0x1;
	s10 =	sld [smem:$0x3FB4];
	_ =	sdelay $0x3  }
0x34: {  	[smem:$0x3FB4] =	sst s10  }
0x35: {  	s10 =	sld [smem:$0x3FB3];
	_ =	sdelay $0x3  }
0x36: {  	p1 =	seq.s32 s10, $0x1;
	s10 =	sld [smem:$0x3FB4];
	_ =	sdelay $0x3  }
0x37: {  	[smem:$0x3FB4] =	sst s10  }
0x38: {  	s10 =	sld [smem:$0x3FB5]  }
0x39: {  	_ = 	snop;
	(pc) =	sbr.ind lr, $3  }
0x3a: {  	_ = 	snop  }
0x3b: {  	_ = 	snop  }
0x3c: {  	p2 =	seq.s32 s10, $0x1;
	s10 =	sld [smem:$0x3FB4]  }
0x3d: {  	_ =	shalt  }
0x3e: {  	_ =	shalt  }
0x3f: {  	_ =	shalt  }
0x40: {  	_ =	shalt  }
0x41: {  	_ =	shalt  }
0x42: {  	_ =	shalt  }
0x43: {  	_ =	shalt  }
0x44: {  	_ =	shalt  }
0x45: {  	_ =	shalt  }
0x46: {  	_ =	shalt  }
0x47: {  	_ =	shalt  }
0x48: {  	_ =	shalt  }
0x49: {  	_ =	shalt  }
0x4a: {  	_ =	shalt  }
0x4b: {  	_ =	shalt  }
0x4c: {  	_ =	shalt  }
0x4d: {  	_ =	shalt  }
0x4e: {  	_ =	shalt  }
0x4f: {  	_ =	shalt  }
0x50: {  	_ =	shalt  }
0x51: {  	_ =	shalt  }
0x52: {  	_ =	shalt  }
0x53: {  	_ =	shalt  }
0x54: {  	_ =	shalt  }
0x55: {  	_ =	shalt  }
0x56: {  	_ =	shalt  }
0x57: {  	_ =	shalt  }
0x58: {  	_ =	shalt  }
0x59: {  	_ =	shalt  }
0x5a: {  	_ =	shalt  }
0x5b: {  	_ =	shalt  }
0x5c: {  	_ =	shalt  }
0x5d: {  	_ =	shalt  }
0x5e: {  	_ =	shalt  }
0x5f: {  	_ =	shalt  }
0x60: {  	_ =	shalt  }
0x61: {  	_ =	shalt  }
0x62: {  	_ =	shalt  }
0x63: {  	_ =	shalt  }
0x64: {  	_ =	shalt  }
0x65: {  	_ =	shalt  }
0x66: {  	_ =	shalt  }
0x67: {  	_ =	shalt  }
0x68: {  	_ =	shalt  }
0x69: {  	_ =	shalt  }
0x6a: {  	_ =	shalt  }
0x6b: {  	_ =	shalt  }
0x6c: {  	_ =	shalt  }
0x6d: {  	_ =	shalt  }
0x6e: {  	_ =	shalt  }
0x6f: {  	_ =	shalt  }
0x70: {  	_ =	shalt  }
0x71: {  	_ =	shalt  }
0x72: {  	_ =	shalt  }
0x73: {  	_ =	shalt  }
0x74: {  	_ =	shalt  }
0x75: {  	_ =	shalt  }
0x76: {  	_ =	shalt  }
0x77: {  	_ =	shalt  }
0x78: {  	_ =	shalt  }
0x79: {  	_ =	shalt  }
0x7a: {  	_ =	shalt  }
0x7b: {  	_ =	shalt  }
0x7c: {  	_ =	shalt  }
0x7d: {  	_ =	shalt  }
0x7e: {  	_ =	shalt  }
0x7f: {  	_ =	shalt  }
0x80: {  	_ =	shalt  }
0x81: {  	_ =	shalt  }
0x82: {  	_ =	shalt  }
0x83: {  	_ =	shalt  }
0x84: {  	_ =	shalt  }
0x85: {  	_ =	shalt  }
0x86: {  	_ =	shalt  }
0x87: {  	_ =	shalt  }
.Lfunc_end0:
.L_simem_size_0:
called_computation_lowered:
.L_overlay_start_0:
0x88: {  	s2 =	sld [smem:$0x3FD9]  }
0x89: {  	s3 =	sld [smem:$0x3FFE];
	_ =	sdelay $0x1  }
0x8a: {  	s1 =	srdreg.scid  }
0x8b: {  	s0 =	sand.u32 $0x1, s1  }
0x8c: {  	s18 =	sshll.u32 s0, $0xA;
	s2 =	sadd.s32 s3, s2  }
0x8d: {  	s2 =	sadd.s32 s2, s18  }
0x8e: {  	[smem:$0x3FC0] =	sst s2  }
0x8f: {  	_ = 	snop  }
0x90: {  	s2 =	sld [smem:$0x3FC9]  }
0x91: {  	s19 =	sld [smem:$0x3FC8]  }
0x92: {  	s4 =	sld [smem:$0x3FC7]  }
0x93: {  	s5 =	sld [smem:$0x3FC6]  }
0x94: {  	s6 =	sld [smem:$0x3FC5]  }
0x95: {  	s7 =	sld [smem:$0x3FC4]  }
0x96: {  	s8 =	sld [smem:$0x3FC3]  }
0x97: {  	s9 =	sld [smem:$0x3FC2]  }
0x98: {  	s10 =	sld [smem:$0x3FD0];
	(tm) =	ssettm $0x1  }
0x99: {  	s11 =	sld [smem:$0x3FFB];
	_ =	sdelay $0x3  }
0x9a: {  	_ =	strace s11  }
0x9b: {  	s11 =	sld [smem:$0x3FFC];
	_ =	sdelay $0x3  }
0x9c: {  	_ =	strace s11  }
0x9d: {  	s11 =	sld [smem:$0x3FFD];
	_ =	sdelay $0x3  }
0x9e: {  	_ =	strace s11  }
0x9f: {  	_ =	strace $0x8FFFFFFF  }
0xa0: {  	s20 =	sld [smem:$0x3FDB];
	_ =	sdelay $0x1  }
0xa1: {  	s12 =	simm.s32 $_scs_section_size  }
0xa2: {  	s13 =	simm.s32 $_size__tile_overlayer_lowered;
	s14 =	simm.s32 $_tile_overlayer_lowered  }
0xa3: {  	s23 =	simm.s32 $0x1BFF;
	s22 =	sshll.u32 s14, $0x1;
	s11 =	sadd.s32 s12, s20  }
0xa4: {  	s15 =	simm.s32 $0x0;
	s21 =	sshll.u32 s13, $0x1;
	s13 =	sadd.s32 s22, s11  }
0xa5: {  	[timem:s15], [sflag:s23] =	dma.local [hbm:s13], s21  }
0xa6: {  	_ =	swait.ge [sflag:s23], s21  }
0xa7: {  	s12 =	ssub.s32 $0x0, s21;
	[sflag:s23] =	ssyncset.done $0x0  }
0xa8: {  	[sflag:s23] =	ssyncadd.s32 s12;
	_ =	sdelay $0x1  }
0xa9: {  	s24 =	simm.s32 $0x1B8B  }
0xaa: {  	_ =	swait.ge [sflag:s24], $0x1  }
0xab: {  	[sflag:s24] =	ssyncset.done $0x0  }
0xac: {  	s25 =	simm.s32 $0x1B8E;
	[sflag:s24] =	ssyncadd.s32 $0xFFFFFFFF  }
0xad: {  	s26 =	simm.s32 $execute0_lowered;
	[smem:$0x3FD2] =	sst s25  }
0xae: {  	s12 =	sshll.u32 s26, $0x1;
	_ =	strace $0x80000046;
	[dreg:$0x1] =	wrdreg $0xFFFFFFFF  }
0xaf: {  	s28 =	simm.s32 $_size_execute0_lowered;
	s11 =	sadd.s32 s11, s12;
	[dreg:$0x0] =	wrdreg $0x0  }
0xb0: {  	s12 =	sshll.u32 s28, $0x1;
	[dreg:$0x2] =	wrdreg s11  }
0xb1: {  	[dreg:$0x3] =	wrdreg s12  }
0xb2: {  	[dreg:$0x4] =	wrdreg $0xC0  }
0xb3: {  	_ =	task [dreg:s15], $0x5FFFF  }
0xb4: {  	[dreg:$0x1] =	wrdreg $0xFFFFFFFF  }
0xb5: {  	[dreg:$0x0] =	wrdreg $0x60  }
0xb6: {  	[dreg:$0x2] =	wrdreg s2  }
0xb7: {  	[dreg:$0x3] =	wrdreg s5  }
0xb8: {  	[dreg:$0x4] =	wrdreg s19  }
0xb9: {  	[dreg:$0x5] =	wrdreg s4  }
0xba: {  	[dreg:$0x6] =	wrdreg s6  }
0xbb: {  	[dreg:$0x7] =	wrdreg s7  }
0xbc: {  	[dreg:$0x8] =	wrdreg s8  }
0xbd: {  	[dreg:$0x9] =	wrdreg s9  }
0xbe: {  	[dreg:$0xa] =	wrdreg s10  }
0xbf: {  	[dreg:$0xb] =	wrdreg $0x9  }
0xc0: {  	_ =	task.clear_ibuf [dreg:s15], $0xCFFFF;
	_ =	strace $0x90000046  }
0xc1: {  	s29 =	simm.s32 $0x9;
	_ =	strace $0x80000048  }
0xc2: {  	_ =	swait.ge [sflag:s29], $0x1  }
0xc3: {  	[sflag:s29] =	ssyncadd.s32 $0xFFFFFFFF  }
0xc4: {  	_ =	strace $0x90000048  }
0xc5: {  	_ =	sfence  }
0xc6: {  	s30 =	sld [smem:$0x0];
	_ =	sdelay $0x2  }
0xc7: {  	s31 =	sshll.u32 s1, $0xD;
	s1 =	sshrl.u32 s1, $0x2  }
0xc8: {  	s3 =	sand.u32 $0x4000, s31;
	s1 =	sadd.s32 s1, s30  }
0xc9: {  	s0 =	sor.u32 s3, s0;
	s1 =	sshll.u32 s1, $0x11  }
0xca: {  	s0 =	sor.u32 s1, s0  }
0xcb: {  	s0 =	sadd.s32 $0x8F2B, s0  }
0xcc: {  	[sflag:s0] =	ssyncadd.remote.s32 $0x1  }
0xcd: {  	_ =	sfence.sel $0xFFFF  }
0xce: {  	[dreg:$0x0] =	wrdreg $0xFFFFFFFF;
	(pc) =	sbr.abs _section_cstart, $3  }
0xcf: {  	[dreg:$0x1] =	wrdreg $0xFFFFFFFF  }
0xd0: {  	_ =	task.clear_ibuf [dreg:s15], $0x2FFFF;
	_ =	strace $0x9FFFFFFF  }
0xd1: {  	(tm) =	ssettm $0x7FFFFFFF  }
tec
execute0_lowered:
.L_overlay_start_1:
0x0: {  	(tag) =	ssettag $0x1  }
0x1: {  	s0 =	rddreg [dreg:$0x0]  }
0x2: {  	s1 =	rddreg [dreg:$0x1]  }
0x3: {  	s2 =	rddreg [dreg:$0x2]  }
0x4: {  	s5 =	rddreg [dreg:$0x3]  }
0x5: {  	s3 =	rddreg [dreg:$0x6]  }
0x6: {  	s4 =	rddreg [dreg:$0x7]  }
0x7: {  	s7 =	rddreg [dreg:$0x8];
	s6 =	simm.s32 $0x0  }
0x8: {  	s8 =	srdreg.scid;
	s10 =	stileid.u32;
	s16 =	simm.s32 $0x9200  }
0x9: {  	s17 =	simm.s32 $0x9A00;
	s18 =	simm.s32 $0xA200;
	s12 =	simm.s32 $0x1  }
0xa: {  	s13 =	simm.s32 $0x3;
	s20 =	simm.s32 $0x2;
	s8 =	sand.u32 $0x1, s8  }
0xb: {  	s10 =	sshll.u32 s10, $0x7;
	s9 =	ssub.s32 $0x2, s8;
	s8 =	sshll.u32 s8, $0x6  }
0xc: {  	s21 =	simm.s32 $0x4;
	[smem:$0x7FF] =	sst s6;
	s8 =	sor.u32 s8, s10  }
0xd: {  	v0 =	vlaneseq.u32;
	vm0 =	vmmov $0xffff;
	vm1 =	vmmov $0x1;
	_ =	strace $0x80000047;
	s11 =	sshrl.u32 s9, $0x1;
	s0 =	sadd.s32 s0, s8  }
0xe: {  	vm2 =	vmmov $0x3;
	vm3 =	vmmov $0x7;
	vm4 =	vmmov $0xf;
	s10 =	simm.s32 $0xC200;
	s26 =	sadd.s32 s1, s8;
	[dreg:$0xe] =	wrdreg s0  }
0xf: {  	vm5 =	vmmov $0x1f;
	vm6 =	vmmov $0x3f;
	vm7 =	vmmov $0x7f;
	s9 =	ssub.s32 s9, s11;
	s28 =	sadd.s32 s2, s8;
	[dreg:$0xf] =	wrdreg s26  }
0x10: {  	vm8 =	vmmov $0xff;
	v1 =	vand.u32 $0x7, v0;
	v63 =	vshrl.u32 v0, $0x3;
	s29 =	sadd.s32 s5, s8;
	s11 =	sadd.s32 $0x100, s4;
	[dreg:$0x10] =	wrdreg s28  }
0x11: {  	vm9 =	vmmov $0x1ff;
	v0 =	vor.u32 $0x8, v0;
	[tilespmem:$0x1FFD0] =	vst v1;
	v1 =	vmul.u32 $0x8, v63;
	s30 =	sadd.s32 s7, s8;
	s7 =	simm.s32 $0xAA00;
	[dreg:$0x11] =	wrdreg s29  }
0x12: {  	vm10 =	vmmov $0x3ff;
	vm11 =	vmmov $0x7ff;
	vm12 =	vmmov $0xfff;
	[tilespmem:$0x1FFF0] =	vst v0;
	s8 =	simm.s32 $0xB200;
	[dreg:$0x12] =	wrdreg s30;
	s31 =	smax.u32 s9, $0x1  }
0x13: {  	vm13 =	vmmov $0x1fff;
	vm14 =	vmmov $0x3fff;
	vm15 =	vmmov $0x7fff;
	[tilespmem:$0x1FFE0] =	vst v1;
	s2 =	simm.s32 $0x0;
	s9 =	simm.s32 $0xBA00;
	[dreg:$0x13] =	wrdreg s31  }
.LBB2_1:
0x14: {  	[dreg:$0x14] =	wrdreg s2  }
0x15: {  	s0 =	rddreg [dreg:$0x4];
	s1 =	simm.s32 $0xCA00  }
0x16: {  	[tilespmem:s1], [sflag:$0x5] =	stream.linear.gather [hbm4b:s0+s6], $0x200, $0x38;
	[tilespmem:$0xCD00] =	vst v63  }
0x17: {  	s24 =	rddreg [dreg:$0x5];
	s25 =	simm.s32 $0xCC00  }
0x18: {  	[tilespmem:s25], [sflag:$0x5] =	stream.linear.gather [hbm4b:s24+s6], $0x100, $0x38;
	[tilespmem:$0xCD00] =	vst v63  }
0x19: {  	s26 =	rddreg [dreg:$0xe]  }
0x1a: {  	[tilespmem:s6], [sflag:$0x5] =	stream.linear.gather [hbm4b:s26+s6], $0x200, $0x38;
	[tilespmem:$0xCD00] =	vst v63  }
0x1b: {  	s28 =	rddreg [dreg:$0xf];
	s29 =	simm.s32 $0x200  }
0x1c: {  	[tilespmem:s29], [sflag:$0x5] =	stream.linear.gather [hbm4b:s28+s6], $0x200, $0x38;
	[tilespmem:$0xCD00] =	vst v63  }
0x1d: {  	s30 =	rddreg [dreg:$0x10];
	s31 =	simm.s32 $0x400  }
0x1e: {  	[tilespmem:s31], [sflag:$0x5] =	stream.linear.gather [hbm4b:s30+s6], $0x200, $0x38;
	[tilespmem:$0xCD00] =	vst v63  }
0x1f: {  	s2 =	simm.s32 $0x600;
	s5 =	simm.s32 $0x5;
	s1 =	rddreg [dreg:$0x11]  }
0x20: {  	[tilespmem:s2], [sflag:$0x5] =	stream.linear.gather [hbm4b:s1+s6], $0x200, $0x38;
	[tilespmem:$0xCD00] =	vst v63  }
0x21: {  	_ =	swait.ge [sflag:s5], $0x200  }
0x22: {  	[sflag:s5] =	ssyncset.done $0x0  }
0x23: {  	[sflag:s5] =	ssyncadd.s32 $0xFFFFFE00  }
0x24: {  	_ =	swait.ge [sflag:s5], $0x100  }
0x25: {  	[sflag:s5] =	ssyncset.done $0x0  }
0x26: {  	[sflag:s5] =	ssyncadd.s32 $0xFFFFFF00  }
0x27: {  	_ =	swait.ge [sflag:s5], $0x200  }
0x28: {  	[sflag:s5] =	ssyncset.done $0x0  }
0x29: {  	[sflag:s5] =	ssyncadd.s32 $0xFFFFFE00  }
0x2a: {  	_ =	swait.ge [sflag:s5], $0x200  }
0x2b: {  	[sflag:s5] =	ssyncset.done $0x0  }
0x2c: {  	[sflag:s5] =	ssyncadd.s32 $0xFFFFFE00  }
0x2d: {  	_ =	swait.ge [sflag:s5], $0x200  }
0x2e: {  	[sflag:s5] =	ssyncset.done $0x0  }
0x2f: {  	[sflag:s5] =	ssyncadd.s32 $0xFFFFFE00  }
0x30: {  	_ =	swait.ge [sflag:s5], $0x200  }
0x31: {  	[sflag:s5] =	ssyncset.done $0x0  }
0x32: {  	[sflag:s5] =	ssyncadd.s32 $0xFFFFFE00  }
0x33: {  	v0 =	vld [tilespmem:$0x0];
	_ =	sdelay $0x2  }
0x34: {  	v2 =	vld [tilespmem:$0x1FFD0]  }
0x35: {  	v3 =	vld [tilespmem:$0x1FFE0]  }
0x36: {  	v4 =	vld [tilespmem:$0x1FFF0];
	v1 =	vshll.u32 v0, $0x1  }
0x37: {  	v0 =	vand.u32 $0x7, v0;
	v1 =	vand.u32 $0xFFFFFFF0, v1  }
0x38: {  	v0 =	vor.u32 v0, v1  }
0x39: {  	v1 =	vperm.xlane v0, v2;
	_ =	sdelay $0x1  }
0x3a: {  	v0 =	vperm.xlane v0, v4;
	v1 =	vadd.s32 v3, v1;
	_ =	sdelay $0x1  }
0x3b: {  	v0 =	vadd.s32 v3, v0;
	_ =	sdelay $0x1  }
0x3c: {  	s14 =	simm.s32 $0xA00  }
0x3d: {  	[tilespmem:s14], [sflag:$0x1] =	stream.indirect_vreg.gather [hbm4b:s3+s6], $0x80, v1, vm0, $0xb8;
	[tilespmem:$0xCD00] =	vst v63  }
0x3e: {  	s15 =	simm.s32 $0x1200  }
0x3f: {  	[tilespmem:s15], [sflag:$0x1] =	stream.indirect_vreg.gather [hbm4b:s3+s6], $0x80, v0, vm0, $0xb8;
	[tilespmem:$0xCD00] =	vst v63  }
0x40: {  	v0 =	vld [tilespmem:$0x10];
	_ =	sdelay $0x4  }
0x41: {  	v61 =	vshll.u32 v0, $0x1  }
0x42: {  	v0 =	vand.u32 $0x7, v0;
	v1 =	vand.u32 $0xFFFFFFF0, v61  }
0x43: {  	v0 =	vor.u32 v0, v1  }
0x44: {  	v1 =	vperm.xlane v0, v2;
	_ =	sdelay $0x1  }
0x45: {  	v0 =	vperm.xlane v0, v4;
	v1 =	vadd.s32 v3, v1;
	_ =	sdelay $0x1  }
0x46: {  	v0 =	vadd.s32 v3, v0;
	_ =	sdelay $0x1  }
0x47: {  	s19 =	simm.s32 $0x1A00  }
0x48: {  	[tilespmem:s19], [sflag:$0x1] =	stream.indirect_vreg.gather [hbm4b:s3+s6], $0x80, v1, vm0, $0xb8;
	[tilespmem:$0xCD00] =	vst v63  }
0x49: {  	s22 =	simm.s32 $0x2200  }
0x4a: {  	[tilespmem:s22], [sflag:$0x1] =	stream.indirect_vreg.gather [hbm4b:s3+s6], $0x80, v0, vm0, $0xb8;
	[tilespmem:$0xCD00] =	vst v63  }
0x4b: {  	v0 =	vld [tilespmem:$0x200];
	_ =	sdelay $0x4  }
0x4c: {  	v62 =	vshll.u32 v0, $0x2  }
0x4d: {  	v0 =	vand.u32 $0x7, v0;
	v1 =	vand.u32 $0xFFFFFFE0, v62  }
0x4e: {  	v0 =	vor.u32 v0, v1  }
0x4f: {  	v1 =	vperm.xlane v0, v2;
	_ =	sdelay $0x1  }
0x50: {  	v1 =	vadd.s32 v3, v1;
	_ =	sdelay $0x1  }
0x51: {  	v0 =	vperm.xlane v0, v4;
	_ =	sdelay $0x1  }
0x52: {  	s23 =	simm.s32 $0x4A00;
	v0 =	vadd.s32 v3, v0  }
0x53: {  	[tilespmem:s23], [sflag:$0x3] =	stream.indirect_vreg.gather [hbm4b:s4+s6], $0x80, v1, vm0, $0xb8;
	[tilespmem:$0xCD00] =	vst v63  }
0x54: {  	s24 =	simm.s32 $0x5200  }
0x55: {  	[tilespmem:s24], [sflag:$0x3] =	stream.indirect_vreg.gather [hbm4b:s11+s6], $0x80, v1, vm0, $0xb8;
	[tilespmem:$0xCD00] =	vst v63  }
0x56: {  	s25 =	simm.s32 $0x5A00  }
0x57: {  	[tilespmem:s25], [sflag:$0x3] =	stream.indirect_vreg.gather [hbm4b:s4+s6], $0x80, v0, vm0, $0xb8;
	[tilespmem:$0xCD00] =	vst v63  }
0x58: {  	s26 =	simm.s32 $0x6200  }
0x59: {  	[tilespmem:s26], [sflag:$0x3] =	stream.indirect_vreg.gather [hbm4b:s11+s6], $0x80, v0, vm0, $0xb8;
	[tilespmem:$0xCD00] =	vst v63  }
0x5a: {  	v0 =	vld [tilespmem:$0x210];
	_ =	sdelay $0x4  }
0x5b: {  	v63 =	vshll.u32 v0, $0x2  }
0x5c: {  	v0 =	vand.u32 $0x7, v0;
	v1 =	vand.u32 $0xFFFFFFE0, v63  }
0x5d: {  	v0 =	vor.u32 v0, v1  }
0x5e: {  	v1 =	vperm.xlane v0, v2;
	_ =	sdelay $0x1  }
0x5f: {  	v1 =	vadd.s32 v3, v1;
	_ =	sdelay $0x1  }
0x60: {  	v0 =	vperm.xlane v0, v4;
	_ =	sdelay $0x1  }
0x61: {  	s28 =	simm.s32 $0x6A00;
	v0 =	vadd.s32 v3, v0  }
0x62: {  	[tilespmem:s28], [sflag:$0x3] =	stream.indirect_vreg.gather [hbm4b:s4+s6], $0x80, v1, vm0, $0xb8;
	[tilespmem:$0xCD00] =	vst v63  }
0x63: {  	s29 =	simm.s32 $0x7200  }
0x64: {  	[tilespmem:s29], [sflag:$0x3] =	stream.indirect_vreg.gather [hbm4b:s11+s6], $0x80, v1, vm0, $0xb8;
	[tilespmem:$0xCD00] =	vst v63  }
0x65: {  	s30 =	simm.s32 $0x7A00  }
0x66: {  	[tilespmem:s30], [sflag:$0x3] =	stream.indirect_vreg.gather [hbm4b:s4+s6], $0x80, v0, vm0, $0xb8;
	[tilespmem:$0xCD00] =	vst v63  }
0x67: {  	s31 =	simm.s32 $0x8200;
	s22 =	simm.s32 $0x0  }
0x68: {  	[tilespmem:s31], [sflag:$0x3] =	stream.indirect_vreg.gather [hbm4b:s11+s6], $0x80, v0, vm0, $0xb8;
	[tilespmem:$0xCD00] =	vst v63  }
.LBB2_2:
0x69: {  	s24 =	sshll.u32 s22, $0x6  }
0x6a: {  	v0 =	vld [tilespmem:s24+$0x20];
	_ =	sdelay $0x2  }
0x6b: {  	v2 =	vld [tilespmem:$0x1FFD0]  }
0x6c: {  	v3 =	vld [tilespmem:$0x1FFE0]  }
0x6d: {  	v4 =	vld [tilespmem:$0x1FFF0];
	v1 =	vshll.u32 v0, $0x1  }
0x6e: {  	v0 =	vand.u32 $0x7, v0;
	v1 =	vand.u32 $0xFFFFFFF0, v1  }
0x6f: {  	v0 =	vor.u32 v0, v1  }
0x70: {  	v1 =	vperm.xlane v0, v2;
	_ =	sdelay $0x1  }
0x71: {  	v0 =	vperm.xlane v0, v4;
	v1 =	vadd.s32 v3, v1;
	_ =	sdelay $0x1  }
0x72: {  	v0 =	vadd.s32 v3, v0;
	_ =	sdelay $0x1  }
0x73: {  	s25 =	simm.s32 $0x0;
	s0 =	simm.s32 $0x2A00  }
0x74: {  	[tilespmem:s0], [sflag:$0x2] =	stream.indirect_vreg.gather [hbm4b:s3+s25], $0x80, v1, vm0, $0xb8;
	[tilespmem:$0xCD00] =	vst v63  }
0x75: {  	s26 =	simm.s32 $0x3200  }
0x76: {  	[tilespmem:s26], [sflag:$0x2] =	stream.indirect_vreg.gather [hbm4b:s3+s25], $0x80, v0, vm0, $0xb8;
	[tilespmem:$0xCD00] =	vst v63  }
0x77: {  	v0 =	vld [tilespmem:s24+$0x30];
	_ =	sdelay $0x4  }
0x78: {  	v61 =	vshll.u32 v0, $0x1  }
0x79: {  	v0 =	vand.u32 $0x7, v0;
	v1 =	vand.u32 $0xFFFFFFF0, v61  }
0x7a: {  	v0 =	vor.u32 v0, v1  }
0x7b: {  	v1 =	vperm.xlane v0, v2;
	_ =	sdelay $0x1  }
0x7c: {  	v0 =	vperm.xlane v0, v4;
	v1 =	vadd.s32 v3, v1;
	_ =	sdelay $0x1  }
0x7d: {  	v0 =	vadd.s32 v3, v0;
	_ =	sdelay $0x1  }
0x7e: {  	s29 =	simm.s32 $0x3A00  }
0x7f: {  	[tilespmem:s29], [sflag:$0x2] =	stream.indirect_vreg.gather [hbm4b:s3+s25], $0x80, v1, vm0, $0xb8;
	[tilespmem:$0xCD00] =	vst v63  }
0x80: {  	s30 =	simm.s32 $0x4200  }
0x81: {  	[tilespmem:s30], [sflag:$0x2] =	stream.indirect_vreg.gather [hbm4b:s3+s25], $0x80, v0, vm0, $0xb8;
	[tilespmem:$0xCD00] =	vst v63  }
0x82: {  	v0 =	vld [tilespmem:s24+$0x220];
	_ =	sdelay $0x4  }
0x83: {  	v62 =	vshll.u32 v0, $0x2  }
0x84: {  	v0 =	vand.u32 $0x7, v0;
	v1 =	vand.u32 $0xFFFFFFE0, v62  }
0x85: {  	v0 =	vor.u32 v0, v1  }
0x86: {  	v1 =	vperm.xlane v0, v2;
	_ =	sdelay $0x1  }
0x87: {  	v1 =	vadd.s32 v3, v1;
	_ =	sdelay $0x1  }
0x88: {  	v0 =	vperm.xlane v0, v4;
	_ =	sdelay $0x1  }
0x89: {  	s31 =	simm.s32 $0x8A00;
	v0 =	vadd.s32 v3, v0  }
0x8a: {  	[tilespmem:s31], [sflag:$0x4] =	stream.indirect_vreg.gather [hbm4b:s4+s25], $0x80, v1, vm0, $0xb8;
	[tilespmem:$0xCD00] =	vst v63  }
0x8b: {  	_ = 	snop  }
0x8c: {  	[tilespmem:s16], [sflag:$0x4] =	stream.indirect_vreg.gather [hbm4b:s11+s25], $0x80, v1, vm0, $0xb8;
	[tilespmem:$0xCD00] =	vst v63  }
0x8d: {  	_ = 	snop  }
0x8e: {  	[tilespmem:s17], [sflag:$0x4] =	stream.indirect_vreg.gather [hbm4b:s4+s25], $0x80, v0, vm0, $0xb8;
	[tilespmem:$0xCD00] =	vst v63  }
0x8f: {  	_ = 	snop  }
0x90: {  	[tilespmem:s18], [sflag:$0x4] =	stream.indirect_vreg.gather [hbm4b:s11+s25], $0x80, v0, vm0, $0xb8;
	[tilespmem:$0xCD00] =	vst v63  }
0x91: {  	v0 =	vld [tilespmem:s24+$0x230];
	_ =	sdelay $0x4  }
0x92: {  	v63 =	vshll.u32 v0, $0x2  }
0x93: {  	v0 =	vand.u32 $0x7, v0;
	v1 =	vand.u32 $0xFFFFFFE0, v63  }
0x94: {  	v0 =	vor.u32 v0, v1  }
0x95: {  	v1 =	vperm.xlane v0, v2;
	_ =	sdelay $0x1  }
0x96: {  	v1 =	vadd.s32 v3, v1;
	_ =	sdelay $0x1  }
0x97: {  	v0 =	vperm.xlane v0, v4;
	_ =	sdelay $0x1  }
0x98: {  	v0 =	vadd.s32 v3, v0  }
0x99: {  	[tilespmem:s7], [sflag:$0x4] =	stream.indirect_vreg.gather [hbm4b:s4+s25], $0x80, v1, vm0, $0xb8;
	[tilespmem:$0xCD00] =	vst v63  }
0x9a: {  	_ = 	snop  }
0x9b: {  	[tilespmem:s8], [sflag:$0x4] =	stream.indirect_vreg.gather [hbm4b:s11+s25], $0x80, v1, vm0, $0xb8;
	[tilespmem:$0xCD00] =	vst v63  }
0x9c: {  	_ = 	snop  }
0x9d: {  	[tilespmem:s9], [sflag:$0x4] =	stream.indirect_vreg.gather [hbm4b:s4+s25], $0x80, v0, vm0, $0xb8;
	[tilespmem:$0xCD00] =	vst v63  }
0x9e: {  	_ = 	snop  }
0x9f: {  	[tilespmem:s10], [sflag:$0x4] =	stream.indirect_vreg.gather [hbm4b:s11+s25], $0x80, v0, vm0, $0xb8;
	[tilespmem:$0xCD00] =	vst v63  }
0xa0: {  	_ =	swait.ge [sflag:s12], $0x2000  }
0xa1: {  	[sflag:s12] =	ssyncset.done $0x0  }
0xa2: {  	[sflag:s12] =	ssyncadd.s32 $0xFFFFE000  }
0xa3: {  	_ =	swait.ge [sflag:s13], $0x4000  }
0xa4: {  	p1 =	por $0x1, $0x1;
	[sflag:s13] =	ssyncset.done $0x0  }
0xa5: {  	s28 =	simm.s32 $0x0;
	s23 =	sor.u32 $0x20, s24;
	[sflag:s13] =	ssyncadd.s32 $0xFFFFC000  }
.LBB2_3:
0xa6: {  	s1 =	sshll.u32 s28, $0xD  }
0xa7: {  	s0 =	sshll.u32 s28, $0x4;
	s30 =	simm.s32 $0xCC00;
	s1 =	sand.u32 $0x3FFFE000, s1  }
0xa8: {  	s2 =	sand.u32 $0x400, s25;
	s26 =	sor.u32 s24, s0;
	v7 =	vld [tilespmem:s30+$0x0];
	s29 =	sadd.s32 $0x4A00, s1  }
0xa9: {  	s5 =	sand.u32 $0x70, s25;
	v4 =	vld [tilespmem:s26+$0x400];
	s0 =	sadd.s32 s2, s29  }
0xaa: {  	v3 =	vld [tilespmem:s26+$0x600];
	s31 =	sadd.s32 s5, s0  }
0xab: {  	v5 =	vld [tilespmem:s31+$0x800]  }
0xac: {  	v14 =	vld [tilespmem:s31+$0x880]  }
0xad: {  	v16 =	vld [tilespmem:s31+$0x900]  }
0xae: {  	s14 =	sand.u32 $0x7FFFFC00, s25;
	v18 =	vld [tilespmem:s31+$0x980]  }
0xaf: {  	s15 =	sadd.s32 s14, s29;
	v17 =	vld [tilespmem:s31+$0xA00]  }
0xb0: {  	s2 =	sadd.s32 s5, s15;
	v15 =	vld [tilespmem:s31+$0xA80]  }
0xb1: {  	v32 =	vld [tilespmem:s2+$0x0]  }
0xb2: {  	s19 =	sshll.u32 s28, $0xC;
	v34 =	vld [tilespmem:s2+$0x80]  }
0xb3: {  	s19 =	sand.u32 $0x3FFFF000, s19;
	v35 =	vld [tilespmem:s2+$0x100]  }
0xb4: {  	v9 =	vimm.f32 $0.0e+00;
	v12 =	vimm.f32 $0.0e+00;
	v6 =	vimm.f32 $0.0e+00;
	s1 =	sor.u32 $0xA00, s19;
	v42 =	vld [tilespmem:s2+$0x180]  }
0xb5: {  	v10 =	vimm.f32 $0.0e+00;
	v8 =	vimm.f32 $0.0e+00;
	v11 =	vimm.f32 $0.0e+00;
	[dreg:$0xa] =	wrdreg s1;
	v43 =	vld [tilespmem:s2+$0x200]  }
0xb6: {  	v30 =	vimm.f32 $0.0e+00;
	v31 =	vimm.f32 $0.0e+00;
	v13 =	vimm.f32 $0.0e+00;
	s1 =	rddreg [dreg:$0xa];
	v41 =	vld [tilespmem:s2+$0x280]  }
0xb7: {  	v29 =	vimm.f32 $0.0e+00;
	v28 =	vimm.f32 $0.0e+00;
	v19 =	vimm.f32 $0.0e+00;
	s1 =	sadd.s32 s14, s1;
	v39 =	vld [tilespmem:s2+$0x300]  }
0xb8: {  	v20 =	vimm.f32 $0.0e+00;
	v24 =	vimm.f32 $0.0e+00;
	v25 =	vimm.f32 $0.0e+00;
	v40 =	vld [tilespmem:s2+$0x380];
	s1 =	sadd.s32 s5, s1  }
0xb9: {  	v26 =	vimm.f32 $0.0e+00;
	v21 =	vimm.f32 $0.0e+00;
	v27 =	vimm.f32 $0.0e+00;
	v0 =	vld [tilespmem:s1+$0x0]  }
0xba: {  	v22 =	vimm.f32 $0.0e+00;
	v33 =	vimm.f32 $0.0e+00;
	v23 =	vimm.f32 $0.0e+00;
	p0 =	por p1, p1;
	s0 =	sshrl.u32 s14, $0x2;
	v1 =	vld [tilespmem:s1+$0x80]  }
0xbb: {  	v38 =	vimm.f32 $0.0e+00;
	v36 =	vimm.f32 $0.0e+00;
	v37 =	vimm.f32 $0.0e+00;
	s19 =	simm.s32 $0x0;
	s5 =	sor.u32 s5, s0;
	s0 =	simm.s32 $0x80;
	v2 =	vld [tilespmem:s1+$0x100]  }
.LBB2_4:
0xbc: {  	v44 =	vld [tilespmem:s1+$0x180]  }
0xbd: {  	v47 =	vld [tilespmem:s1+$0x200]  }
0xbe: {  	v50 =	vld [tilespmem:s1+$0x280]  }
0xbf: {  	v45 =	vmul.f32 v5, v7;
	v46 =	vmul.f32 v14, v7;
	v54 =	vld [tilespmem:s5+$0xCA00]  }
0xc0: {  	v48 =	vmul.f32 v16, v7;
	v49 =	vmul.f32 v18, v7;
	v53 =	vld [tilespmem:s1+$0x300]  }
0xc1: {  	v62 =	vld [tilespmem:s1+$0x380];
	v0 =	vmul.f32 v32, v0;
	v1 =	vmul.f32 v34, v1  }
0xc2: {  	s2 =	sand.u32 $0x400, s0;
	s19 =	sadd.s32 $0x10, s19;
	v2 =	vmul.f32 v35, v2;
	v63 =	vmul.f32 v42, v44;
	v44 =	vld [tilespmem:s31+$0xB00]  }
0xc3: {  	s1 =	sand.u32 $0x70, s19;
	s2 =	sadd.s32 s2, s29;
	v57 =	vmul.f32 v43, v47;
	v47 =	vld [tilespmem:s31+$0xB80];
	v58 =	vmul.f32 v41, v50  }
0xc4: {  	v41 =	vld [tilespmem:s5+$0xCA80];
	s31 =	sadd.s32 s1, s2;
	v50 =	vmul.f32 v5, v54;
	v0 =	vadd.f32 v0, v9;
	v1 =	vadd.f32 v1, v12  }
0xc5: {  	v56 =	vmul.f32 v16, v54;
	v2 =	vadd.f32 v2, v6;
	v59 =	vld [tilespmem:s31+$0x800];
	v10 =	vadd.f32 v63, v10  }
0xc6: {  	v51 =	vmul.f32 v17, v7;
	s2 =	sand.u32 $0x7FFFFC00, s0;
	v61 =	vld [tilespmem:s31+$0x880];
	v8 =	vadd.f32 v57, v8;
	v11 =	vadd.f32 v58, v11  }
0xc7: {  	v52 =	vmul.f32 v15, v7;
	s30 =	sadd.s32 $0x10, s30;
	s14 =	sadd.s32 s2, s29;
	v63 =	vld [tilespmem:s31+$0x900];
	v13 =	vadd.f32 v50, v13;
	v20 =	vadd.f32 v56, v20  }
0xc8: {  	s14 =	sadd.s32 s1, s14;
	v9 =	vadd.f32 v45, v0;
	v12 =	vadd.f32 v46, v1;
	v0 =	vmul.f32 v39, v53;
	v1 =	vld [tilespmem:s30+$0x0]  }
0xc9: {  	v6 =	vadd.f32 v48, v2;
	v2 =	vmul.f32 v40, v62;
	v32 =	vld [tilespmem:s14+$0x0];
	v10 =	vadd.f32 v49, v10  }
0xca: {  	v34 =	vld [tilespmem:s14+$0x80];
	v8 =	vadd.f32 v51, v8;
	v11 =	vadd.f32 v52, v11;
	v60 =	vmul.f32 v44, v7  }
0xcb: {  	v35 =	vld [tilespmem:s14+$0x100];
	v0 =	vadd.f32 v0, v30;
	v62 =	vmul.f32 v47, v7;
	v53 =	vmul.f32 v5, v41  }
0xcc: {  	v42 =	vld [tilespmem:s14+$0x180];
	v2 =	vadd.f32 v2, v31;
	v55 =	vmul.f32 v14, v41;
	v57 =	vmul.f32 v16, v41  }
0xcd: {  	v43 =	vld [tilespmem:s14+$0x200];
	v58 =	vmul.f32 v18, v41;
	v5 =	vmovc v59;
	v59 =	vmul.f32 v17, v54;
	v30 =	vadd.f32 v60, v0  }
0xce: {  	v39 =	vld [tilespmem:s14+$0x300];
	v31 =	vadd.f32 v62, v2;
	v2 =	vmul.f32 v14, v54;
	v29 =	vadd.f32 v53, v29;
	v14 =	vmovc v61  }
0xcf: {  	v0 =	vld [tilespmem:s31+$0xA00];
	v19 =	vadd.f32 v55, v19;
	v60 =	vmul.f32 v17, v41;
	v16 =	vmovc v63;
	v61 =	vmul.f32 v15, v54  }
0xd0: {  	s15 =	sshrl.u32 s2, $0x2;
	v62 =	vmul.f32 v15, v41;
	v24 =	vadd.f32 v57, v24;
	v63 =	vmul.f32 v44, v54;
	v7 =	vmovc v1;
	v1 =	vld [tilespmem:s31+$0xA80]  }
0xd1: {  	p1 =	sne.s32 s0, $0x780;
	s5 =	sor.u32 s1, s15;
	s15 =	rddreg [dreg:$0xa];
	v52 =	vld [tilespmem:s31+$0x980];
	v26 =	vadd.f32 v58, v26;
	v28 =	vadd.f32 v2, v28;
	v2 =	vmul.f32 v18, v54  }
.Ltmp0:
0xd2: {  	s2 =	sadd.s32 s2, s15;
	v40 =	vld [tilespmem:s14+$0x380];
	v44 =	vmul.f32 v44, v41;
	v21 =	vadd.f32 v59, v21;
	v27 =	vadd.f32 v60, v27;
	(pc) =	sbr.rel @p1 .LBB2_4-.Ltmp0, $4  }
0xd3: {  	s1 =	sadd.s32 s1, s2;
	v25 =	vadd.f32 v2, v25;
	v2 =	vmul.f32 v47, v54;
	v47 =	vmul.f32 v47, v41;
	v41 =	vld [tilespmem:s14+$0x280]  }
0xd4: {  	v22 =	vadd.f32 v61, v22;
	v33 =	vadd.f32 v62, v33;
	v17 =	vmov v0;
	v0 =	vld [tilespmem:s1+$0x0]  }
0xd5: {  	v23 =	vadd.f32 v63, v23;
	v38 =	vadd.f32 v44, v38;
	v15 =	vmov v1;
	v1 =	vld [tilespmem:s1+$0x80]  }
0xd6: {  	s0 =	sadd.s32 $0x80, s0;
	v18 =	vmov v52;
	v36 =	vadd.f32 v2, v36;
	v37 =	vadd.f32 v47, v37;
	v2 =	vld [tilespmem:s1+$0x100]  }
0xd7: {  	_ =	sdelay $0x1  }
0xd8: {  	v44 =	vld [tilespmem:s1+$0x180];
	v0 =	vmul.f32 v32, v0  }
0xd9: {  	v46 =	vld [tilespmem:s1+$0x200]  }
0xda: {  	v45 =	vmul.f32 v5, v7;
	v49 =	vld [tilespmem:s1+$0x280];
	v1 =	vmul.f32 v34, v1;
	v0 =	vadd.f32 v0, v9  }
0xdb: {  	v52 =	vld [tilespmem:s1+$0x300];
	v2 =	vmul.f32 v35, v2  }
0xdc: {  	v47 =	vmul.f32 v14, v7;
	v63 =	vld [tilespmem:s31+$0xB00];
	v1 =	vadd.f32 v1, v12;
	v0 =	vadd.f32 v45, v0  }
0xdd: {  	v48 =	vmul.f32 v16, v7;
	v57 =	vld [tilespmem:s5+$0xCA80];
	v62 =	vmul.f32 v42, v44;
	v2 =	vadd.f32 v2, v6  }
0xde: {  	v61 =	vld [tilespmem:s1+$0x380];
	[tilespmem:$0x1FEF0] =	vst v0;
	v0 =	vadd.f32 v47, v1  }
0xdf: {  	v50 =	vmul.f32 v18, v7;
	v6 =	vadd.f32 v62, v10;
	v1 =	vadd.f32 v48, v2  }
0xe0: {  	v51 =	vmul.f32 v17, v7;
	v54 =	vld [tilespmem:s31+$0xB80];
	v53 =	vmul.f32 v43, v46;
	[tilespmem:$0x1FF00] =	vst v0  }
0xe1: {  	v56 =	vmul.f32 v41, v49;
	v0 =	vmul.f32 v39, v52;
	[tilespmem:$0x1FF10] =	vst v1;
	v1 =	vadd.f32 v50, v6  }
0xe2: {  	v55 =	vld [tilespmem:s5+$0xCA00];
	s5 =	sshllo.u32 s28, $0x1;
	v58 =	vmul.f32 v63, v7;
	v59 =	vmul.f32 v63, v57  }
0xe3: {  	s0 =	sshll.u32 s5, $0xC;
	v49 =	vimm.f32 $0.0e+00;
	[tilespmem:$0x1FF20] =	vst v1;
	v1 =	vmul.f32 v40, v61;
	v0 =	vadd.f32 v0, v30  }
0xe4: {  	s28 =	simm.s32 $0x0;
	s0 =	sand.u32 $0x3FFFF000, s0;
	v43 =	vimm.f32 $0.0e+00;
	v44 =	vimm.f32 $0.0e+00;
	v2 =	vmul.f32 v15, v7  }
0xe5: {  	s2 =	sand.u32 $0x400, s28;
	s29 =	sadd.s32 $0x4A00, s0;
	v7 =	vmul.f32 v54, v7;
	v1 =	vadd.f32 v1, v31;
	v0 =	vadd.f32 v58, v0  }
0xe6: {  	s30 =	simm.s32 $0xCC00;
	s14 =	sand.u32 $0x70, s28;
	s2 =	sadd.s32 s2, s29;
	v41 =	vimm.f32 $0.0e+00;
	v6 =	vadd.f32 v53, v8;
	v8 =	vadd.f32 v56, v11  }
0xe7: {  	s15 =	sand.u32 $0x7FFFFC00, s28;
	v34 =	vld [tilespmem:s30+$0x0];
	s31 =	sadd.s32 s14, s2;
	v46 =	vimm.f32 $0.0e+00;
	v30 =	vmul.f32 v5, v55;
	[tilespmem:$0x1FF50] =	vst v0;
	v0 =	vadd.f32 v7, v1  }
0xe8: {  	s19 =	sadd.s32 s15, s29;
	v42 =	vimm.f32 $0.0e+00;
	v32 =	vld [tilespmem:s31+$0x800];
	v45 =	vimm.f32 $0.0e+00;
	v2 =	vadd.f32 v2, v8  }
0xe9: {  	s1 =	sshll.u32 s5, $0xB;
	s5 =	sadd.s32 s14, s19;
	v35 =	vld [tilespmem:s31+$0xA00];
	v47 =	vimm.f32 $0.0e+00;
	v48 =	vimm.f32 $0.0e+00;
	[tilespmem:$0x1FF60] =	vst v0;
	v0 =	vadd.f32 v30, v13  }
0xea: {  	v60 =	vld [tilespmem:s5+$0x0];
	v56 =	vimm.f32 $0.0e+00;
	v52 =	vimm.f32 $0.0e+00;
	[tilespmem:$0x1FF40] =	vst v2;
	v2 =	vmul.f32 v5, v57  }
0xeb: {  	v62 =	vld [tilespmem:s5+$0x380];
	v53 =	vimm.f32 $0.0e+00;
	v6 =	vadd.f32 v51, v6;
	[tilespmem:$0x1FF70] =	vst v0;
	v0 =	vmul.f32 v14, v55  }
0xec: {  	v39 =	vld [tilespmem:s31+$0xA80];
	v50 =	vimm.f32 $0.0e+00;
	v5 =	vmul.f32 v16, v57;
	v2 =	vadd.f32 v2, v29  }
0xed: {  	s1 =	sand.u32 $0x3FFFF800, s1;
	v61 =	vld [tilespmem:s5+$0x80];
	[tilespmem:$0x1FF30] =	vst v6;
	v6 =	vmul.f32 v18, v57;
	v1 =	vmul.f32 v14, v57;
	v0 =	vadd.f32 v0, v28  }
0xee: {  	s1 =	sadd.s32 $0xA00, s1;
	v31 =	vld [tilespmem:s31+$0x980];
	v24 =	vadd.f32 v5, v24;
	v5 =	vmul.f32 v63, v55;
	[tilespmem:$0x1FF80] =	vst v2;
	v2 =	vmul.f32 v16, v55  }
0xef: {  	[dreg:$0xb] =	wrdreg s1;
	v7 =	vmul.f32 v17, v57;
	v29 =	vld [tilespmem:s31+$0x900];
	v19 =	vadd.f32 v1, v19;
	[tilespmem:$0x1FF90] =	vst v0;
	v0 =	vmul.f32 v18, v55  }
0xf0: {  	s1 =	rddreg [dreg:$0xb];
	v63 =	vld [tilespmem:s5+$0x300];
	v1 =	vmul.f32 v17, v55;
	v23 =	vadd.f32 v5, v23;
	v20 =	vadd.f32 v2, v20  }
0xf1: {  	s1 =	sadd.s32 s15, s1;
	v30 =	vld [tilespmem:s31+$0x880];
	v2 =	vmul.f32 v15, v55;
	v28 =	vadd.f32 v0, v25;
	v25 =	vadd.f32 v6, v26  }
0xf2: {  	s1 =	sadd.s32 s14, s1;
	v5 =	vld [tilespmem:s5+$0x200];
	v0 =	vmul.f32 v54, v55;
	v26 =	vadd.f32 v1, v21;
	v21 =	vadd.f32 v7, v27  }
0xf3: {  	v8 =	vmul.f32 v15, v57;
	v27 =	vadd.f32 v2, v22;
	v2 =	vadd.f32 v59, v38;
	v6 =	vld [tilespmem:s1+$0x0]  }
0xf4: {  	v51 =	vimm.f32 $0.0e+00;
	v1 =	vmul.f32 v54, v57;
	v7 =	vld [tilespmem:s1+$0x80];
	v0 =	vadd.f32 v0, v36  }
0xf5: {  	v40 =	vimm.f32 $0.0e+00;
	v58 =	vimm.f32 $0.0e+00;
	v22 =	vadd.f32 v8, v33;
	v8 =	vld [tilespmem:s1+$0x100];
	[tilespmem:$0x1FFA0] =	vst v2  }
0xf6: {  	v57 =	vimm.f32 $0.0e+00;
	v59 =	vimm.f32 $0.0e+00;
	v2 =	vld [tilespmem:s5+$0x280];
	[tilespmem:$0x1FFB0] =	vst v0;
	v0 =	vadd.f32 v1, v37  }
0xf7: {  	s2 =	sshrl.u32 s15, $0x2;
	v55 =	vimm.f32 $0.0e+00;
	v54 =	vimm.f32 $0.0e+00;
	v38 =	vimm.f32 $0.0e+00;
	v1 =	vld [tilespmem:s5+$0x180]  }
0xf8: {  	s0 =	simm.s32 $0x80;
	s19 =	sor.u32 s14, s2;
	v33 =	vimm.f32 $0.0e+00;
	v36 =	vimm.f32 $0.0e+00;
	v37 =	vimm.f32 $0.0e+00;
	[tilespmem:$0x1FFC0] =	vst v0;
	v0 =	vld [tilespmem:s5+$0x100]  }
.LBB2_6:
0xf9: {  	v9 =	vld [tilespmem:s1+$0x180]  }
0xfa: {  	v12 =	vld [tilespmem:s1+$0x200]  }
0xfb: {  	v15 =	vld [tilespmem:s1+$0x280]  }
0xfc: {  	v10 =	vmul.f32 v32, v34;
	v11 =	vmul.f32 v30, v34;
	v18 =	vld [tilespmem:s1+$0x300]  }
0xfd: {  	v13 =	vmul.f32 v29, v34;
	v6 =	vmul.f32 v60, v6;
	v60 =	vld [tilespmem:s1+$0x380]  }
0xfe: {  	v7 =	vmul.f32 v61, v7;
	v0 =	vmul.f32 v0, v8;
	v8 =	vld [tilespmem:s31+$0xB00]  }
0xff: {  	v14 =	vmul.f32 v31, v34;
	s2 =	sand.u32 $0x400, s0;
	s28 =	sadd.s32 $0x10, s28;
	v1 =	vmul.f32 v1, v9;
	v9 =	vld [tilespmem:s31+$0xB80]  }
0x100: {  	s2 =	sadd.s32 s2, s29;
	s1 =	sand.u32 $0x70, s28;
	v5 =	vmul.f32 v5, v12;
	v12 =	vld [tilespmem:s19+$0xCA00];
	v6 =	vadd.f32 v6, v57;
	v7 =	vadd.f32 v7, v59  }
0x101: {  	s30 =	sadd.s32 $0x10, s30;
	v2 =	vmul.f32 v2, v15;
	v15 =	vld [tilespmem:s19+$0xCA80];
	s31 =	sadd.s32 s1, s2;
	s2 =	sand.u32 $0x7FFFFC00, s0;
	v0 =	vadd.f32 v0, v58;
	v1 =	vadd.f32 v1, v56  }
0x102: {  	v16 =	vmul.f32 v35, v34;
	s5 =	sshrl.u32 s2, $0x2;
	s14 =	sadd.s32 s2, s29;
	v5 =	vadd.f32 v5, v52;
	v59 =	vadd.f32 v11, v7;
	v7 =	vld [tilespmem:s30+$0x0]  }
0x103: {  	v17 =	vmul.f32 v39, v34;
	v2 =	vadd.f32 v2, v53;
	s19 =	sor.u32 s1, s5;
	s5 =	sadd.s32 s1, s14;
	v57 =	vadd.f32 v10, v6;
	v11 =	vld [tilespmem:s31+$0x880]  }
0x104: {  	v6 =	vmul.f32 v63, v18;
	v58 =	vadd.f32 v13, v0;
	v61 =	vld [tilespmem:s5+$0x80];
	v56 =	vadd.f32 v14, v1  }
0x105: {  	v0 =	vmul.f32 v62, v60;
	v1 =	vld [tilespmem:s31+$0x800];
	v10 =	vmul.f32 v8, v34;
	v52 =	vadd.f32 v16, v5  }
0x106: {  	v14 =	vld [tilespmem:s31+$0x900];
	v53 =	vadd.f32 v17, v2;
	v63 =	vmul.f32 v9, v34;
	v18 =	vmul.f32 v32, v12  }
0x107: {  	v2 =	vld [tilespmem:s31+$0x980];
	v6 =	vadd.f32 v6, v55;
	v5 =	vmul.f32 v32, v15;
	v13 =	vmul.f32 v29, v15  }
0x108: {  	v60 =	vld [tilespmem:s5+$0x0];
	v16 =	vmul.f32 v31, v12;
	v17 =	vmul.f32 v31, v15;
	v0 =	vadd.f32 v0, v54  }
0x109: {  	v62 =	vld [tilespmem:s5+$0x380];
	v55 =	vadd.f32 v10, v6;
	v50 =	vadd.f32 v18, v50;
	v10 =	vmul.f32 v30, v15  }
0x10a: {  	v6 =	vld [tilespmem:s31+$0xA00];
	v51 =	vadd.f32 v5, v51;
	v5 =	vmul.f32 v29, v12;
	v18 =	vmul.f32 v39, v15  }
0x10b: {  	v45 =	vadd.f32 v13, v45;
	v13 =	vmul.f32 v8, v12;
	v43 =	vadd.f32 v16, v43;
	v34 =	vmovc v7;
	v7 =	vld [tilespmem:s31+$0xA80]  }
0x10c: {  	v8 =	vmul.f32 v8, v15;
	v36 =	vadd.f32 v17, v36;
	v54 =	vadd.f32 v63, v0;
	v63 =	vld [tilespmem:s5+$0x300]  }
0x10d: {  	s15 =	rddreg [dreg:$0xb];
	v0 =	vmul.f32 v30, v12;
	v30 =	vmovc v11;
	v11 =	vmul.f32 v35, v15;
	v32 =	vmov v1;
	v1 =	vld [tilespmem:s5+$0x180]  }
0x10e: {  	p1 =	sne.s32 s0, $0x780;
	s2 =	sadd.s32 s2, s15;
	v47 =	vadd.f32 v10, v47;
	v10 =	vmul.f32 v35, v12;
	v48 =	vadd.f32 v5, v48;
	v5 =	vld [tilespmem:s5+$0x200]  }
.Ltmp1:
0x10f: {  	s1 =	sadd.s32 s1, s2;
	v29 =	vmovc v14;
	v14 =	vmul.f32 v39, v12;
	v31 =	vmov v2;
	v2 =	vld [tilespmem:s5+$0x280];
	v40 =	vadd.f32 v18, v40;
	(pc) =	sbr.rel @p1 .LBB2_6-.Ltmp1, $4  }
0x110: {  	v12 =	vmul.f32 v9, v12;
	v41 =	vadd.f32 v13, v41;
	v46 =	vadd.f32 v8, v46;
	v8 =	vld [tilespmem:s1+$0x100]  }
0x111: {  	v9 =	vmul.f32 v9, v15;
	v49 =	vadd.f32 v0, v49;
	v0 =	vld [tilespmem:s5+$0x100];
	v38 =	vadd.f32 v11, v38  }
0x112: {  	v37 =	vadd.f32 v10, v37;
	v44 =	vadd.f32 v14, v44;
	v35 =	vmov v6;
	v6 =	vld [tilespmem:s1+$0x0]  }
0x113: {  	s0 =	sadd.s32 $0x80, s0;
	v42 =	vadd.f32 v12, v42;
	v33 =	vadd.f32 v9, v33;
	v39 =	vmov v7;
	v7 =	vld [tilespmem:s1+$0x80]  }
0x114: {  	v9 =	vld [tilespmem:s1+$0x180]  }
0x115: {  	v11 =	vld [tilespmem:s1+$0x280]  }
0x116: {  	v10 =	vld [tilespmem:s1+$0x200]  }
0x117: {  	v18 =	vld [tilespmem:s1+$0x300];
	v13 =	vmul.f32 v30, v34;
	v14 =	vmul.f32 v29, v34  }
0x118: {  	v12 =	vld [tilespmem:s31+$0xB00];
	v0 =	vmul.f32 v0, v8;
	v6 =	vmul.f32 v60, v6  }
0x119: {  	v15 =	vld [tilespmem:s31+$0xB80];
	v60 =	vmul.f32 v32, v34;
	v7 =	vmul.f32 v61, v7  }
0x11a: {  	v61 =	vmul.f32 v31, v34;
	v2 =	vmul.f32 v2, v11;
	v11 =	vld [tilespmem:s19+$0xCA00]  }
0x11b: {  	v1 =	vmul.f32 v1, v9;
	v5 =	vmul.f32 v5, v10  }
0x11c: {  	v0 =	vadd.f32 v0, v58;
	v8 =	vmul.f32 v63, v18;
	v63 =	vmul.f32 v39, v34  }
0x11d: {  	v16 =	vmul.f32 v12, v34;
	v7 =	vadd.f32 v7, v59;
	v59 =	vld [tilespmem:s1+$0x380];
	v1 =	vadd.f32 v1, v56  }
0x11e: {  	v17 =	vmul.f32 v15, v34;
	v5 =	vadd.f32 v5, v52;
	v2 =	vadd.f32 v2, v53  }
0x11f: {  	v8 =	vadd.f32 v8, v55;
	v7 =	vadd.f32 v13, v7;
	v52 =	vmul.f32 v32, v11  }
0x120: {  	v13 =	vld [tilespmem:s19+$0xCA80];
	v1 =	vadd.f32 v61, v1;
	v56 =	vmul.f32 v29, v11;
	v18 =	vmul.f32 v31, v11  }
0x121: {  	v2 =	vadd.f32 v63, v2;
	v61 =	vmul.f32 v39, v11;
	v63 =	vmul.f32 v12, v11  }
0x122: {  	v6 =	vadd.f32 v6, v57;
	v9 =	vmul.f32 v62, v59;
	v62 =	vmul.f32 v35, v34  }
0x123: {  	v34 =	vadd.f32 v16, v8;
	v59 =	vmul.f32 v35, v11;
	v16 =	vadd.f32 v56, v48  }
0x124: {  	v18 =	vadd.f32 v18, v43;
	v48 =	vbroadcast v4, $0x1;
	v43 =	vbroadcast v3, $0x6  }
0x125: {  	v9 =	vadd.f32 v9, v54;
	v53 =	vmul.f32 v32, v13;
	v54 =	vmul.f32 v30, v11  }
0x126: {  	v0 =	vadd.f32 v14, v0;
	v55 =	vmul.f32 v30, v13;
	v57 =	vmul.f32 v29, v13  }
0x127: {  	v6 =	vadd.f32 v60, v6;
	v58 =	vmul.f32 v31, v13;
	v60 =	vmul.f32 v35, v13  }
0x128: {  	v5 =	vadd.f32 v62, v5;
	v62 =	vmul.f32 v39, v13;
	v12 =	vmul.f32 v12, v13  }
0x129: {  	v11 =	vmul.f32 v15, v11;
	v13 =	vmul.f32 v15, v13;
	v29 =	vadd.f32 v59, v37  }
0x12a: {  	v31 =	vadd.f32 v61, v44;
	v44 =	vbroadcast v4, $0x0;
	v32 =	vadd.f32 v17, v9  }
0x12b: {  	v59 =	vbroadcast v4, $0x4;
	v9 =	vadd.f32 v52, v50;
	v8 =	vadd.f32 v53, v51  }
0x12c: {  	v10 =	vadd.f32 v54, v49;
	v17 =	vadd.f32 v57, v45;
	v45 =	vbroadcast v3, $0x0  }
0x12d: {  	v14 =	vadd.f32 v55, v47;
	v50 =	vbroadcast v3, $0x1;
	v53 =	vbroadcast v4, $0x2  }
0x12e: {  	v15 =	vadd.f32 v58, v36;
	v54 =	vbroadcast v3, $0x2;
	v55 =	vbroadcast v4, $0x3  }
0x12f: {  	v30 =	vadd.f32 v60, v38;
	v57 =	vbroadcast v3, $0x3;
	v60 =	vbroadcast v3, $0x4  }
0x130: {  	v36 =	vadd.f32 v62, v40;
	v61 =	vmul.f32 v26, v59;
	v62 =	vbroadcast v4, $0x5  }
0x131: {  	v11 =	vadd.f32 v11, v42;
	v40 =	vbroadcast v3, $0x5;
	v42 =	vbroadcast v4, $0x6  }
0x132: {  	v59 =	vbroadcast v3, $0xA;
	v19 =	vmul.f32 v19, v50  }
0x133: {  	v37 =	vadd.f32 v63, v41;
	v63 =	vld [tilespmem:$0x1FF20];
	v20 =	vmul.f32 v20, v53;
	v24 =	vmul.f32 v24, v54  }
0x134: {  	v47 =	vld [tilespmem:$0x1FF70];
	v28 =	vmul.f32 v28, v55;
	v25 =	vmul.f32 v25, v57  }
0x135: {  	v49 =	vld [tilespmem:$0x1FF80];
	v21 =	vmul.f32 v21, v60;
	v26 =	vmul.f32 v27, v62  }
0x136: {  	v52 =	vld [tilespmem:$0x1FF90];
	v22 =	vmul.f32 v22, v40;
	v23 =	vmul.f32 v23, v42  }
0x137: {  	v58 =	vld [tilespmem:$0x1FF10];
	v50 =	vbroadcast v4, $0x8;
	v53 =	vbroadcast v4, $0x9  }
0x138: {  	v12 =	vadd.f32 v12, v46;
	v46 =	vld [tilespmem:$0x1FFA0];
	v55 =	vbroadcast v3, $0x9;
	v57 =	vbroadcast v4, $0xA  }
0x139: {  	v51 =	vld [tilespmem:$0x1FEF0];
	v62 =	vmul.f32 v17, v59;
	v9 =	vmul.f32 v9, v50  }
0x13a: {  	v56 =	vld [tilespmem:$0x1FF00];
	v14 =	vmul.f32 v14, v55;
	v60 =	vmul.f32 v16, v57  }
0x13b: {  	v41 =	vld [tilespmem:$0x1FF30];
	v28 =	vadd.f32 v28, v63;
	v63 =	vbroadcast v3, $0xB;
	v35 =	vmul.f32 v47, v44  }
0x13c: {  	v13 =	vadd.f32 v13, v33;
	v54 =	vld [tilespmem:$0x1FF60];
	v38 =	vmul.f32 v49, v45;
	v39 =	vmul.f32 v52, v48  }
0x13d: {  	v20 =	vadd.f32 v20, v58;
	v44 =	vbroadcast v4, $0x7;
	v45 =	vld [tilespmem:$0x1FF40];
	v27 =	vmul.f32 v46, v43  }
0x13e: {  	v47 =	vbroadcast v3, $0x7;
	v49 =	vld [tilespmem:$0x1FFB0];
	v25 =	vadd.f32 v25, v28;
	v35 =	vadd.f32 v35, v51  }
0x13f: {  	v48 =	vld [tilespmem:$0x1FF50];
	v52 =	vbroadcast v3, $0x8;
	v6 =	vadd.f32 v9, v6;
	v39 =	vadd.f32 v39, v56  }
0x140: {  	v43 =	vbroadcast v4, $0xF;
	v20 =	vadd.f32 v24, v20;
	v51 =	vld [tilespmem:$0x1FFC0];
	v35 =	vadd.f32 v38, v35  }
0x141: {  	v28 =	vbroadcast v3, $0xC;
	v24 =	vadd.f32 v61, v41;
	v19 =	vadd.f32 v19, v39  }
0x142: {  	v0 =	vadd.f32 v60, v0;
	v8 =	vmul.f32 v8, v52;
	v56 =	vmul.f32 v10, v53;
	(xrf2) =	vadd.scan.msk.f32 $0xffff, v35  }
0x143: {  	v21 =	vadd.f32 v21, v24;
	v26 =	vadd.f32 v26, v45;
	v24 =	vmul.f32 v49, v44;
	(xrf2) =	vadd.scan.msk.f32 $0xffff, v19  }
0x144: {  	v61 =	vbroadcast v4, $0xB;
	v0 =	vadd.f32 v62, v0;
	v23 =	vadd.f32 v23, v48  }
0x145: {  	v22 =	vadd.f32 v22, v26;
	v26 =	vmul.f32 v51, v47;
	v24 =	vadd.f32 v24, v54;
	(xrf2) =	vadd.scan.msk.f32 $0xffff, v20  }
0x146: {  	v33 =	vmul.f32 v30, v28;
	v7 =	vadd.f32 v56, v7;
	v35 =	vbroadcast v4, $0xE;
	(xrf2) =	vadd.scan.msk.f32 $0xffff, v25  }
0x147: {  	v23 =	vadd.f32 v27, v23;
	v58 =	vadd.f32 v26, v24;
	v24 =	vbroadcast v4, $0xC;
	(xrf2) =	vadd.scan.msk.f32 $0xffff, v21  }
0x148: {  	v6 =	vadd.f32 v8, v6;
	v20 =	vmul.f32 v18, v61;
	v26 =	vbroadcast v4, $0xD;
	(xrf2) =	vadd.scan.msk.f32 $0xffff, v22  }
0x149: {  	v7 =	vadd.f32 v14, v7;
	v25 =	vmul.f32 v15, v63;
	v27 =	vmul.f32 v29, v24;
	(xrf2) =	vadd.scan.msk.f32 $0xffff, v23  }
0x14a: {  	v1 =	vadd.f32 v20, v1;
	v29 =	vmul.f32 v31, v26;
	v31 =	vbroadcast v3, $0xD;
	(xrf2) =	vadd.scan.msk.f32 $0xffff, v58  }
0x14b: {  	v38 =	vbroadcast v3, $0xE;
	v39 =	vmul.f32 v37, v35;
	v5 =	vadd.f32 v27, v5;
	(xrf2) =	vadd.scan.msk.f32 $0xffff, v6  }
0x14c: {  	v1 =	vadd.f32 v25, v1;
	v2 =	vadd.f32 v29, v2;
	v36 =	vmul.f32 v36, v31;
	v40, _, _ =	vpop (xrf2);
	(xrf2) =	vadd.scan.msk.f32 $0xffff, v7  }
0x14d: {  	v41 =	vmul.f32 v12, v38;
	v44 =	vadd.f32 v39, v34;
	v5 =	vadd.f32 v33, v5;
	v42, _, _ =	vpop (xrf2);
	(xrf2) =	vadd.scan.msk.f32 $0xffff, v0  }
0x14e: {  	v46 =	vmul.f32 v11, v43;
	v48 =	vbroadcast v3, $0xF;
	v2 =	vadd.f32 v36, v2;
	(xrf2) =	vadd.scan.msk.f32 $0xffff, v1  }
0x14f: {  	v45 =	vbroadcast v40, $0xF;
	v0 =	vadd.f32 v41, v44;
	v8 =	vbroadcast v42, $0xF;
	v47, _, _ =	vpop (xrf2);
	(xrf2) =	vadd.scan.msk.f32 $0xffff, v5  }
0x150: {  	v49 =	vmul.f32 v13, v48;
	v1 =	vadd.f32 v46, v32;
	v4 =	vbroadcast v47, $0xF;
	v50, _, _ =	vpop (xrf2);
	(xrf2) =	vadd.scan.msk.f32 $0xffff, v2  }
0x151: {  	v6 =	vsel vm1, v45, v8;
	v51, _, _ =	vpop (xrf2);
	v3 =	vbroadcast v50, $0xF;
	(xrf2) =	vadd.scan.msk.f32 $0xffff, v0  }
0x152: {  	v1 =	vadd.f32 v49, v1;
	v4 =	vsel vm2, v6, v4;
	v52, _, _ =	vpop (xrf2);
	v0 =	vbroadcast v51, $0xF  }
0x153: {  	v3 =	vsel vm3, v4, v3;
	v2 =	vbroadcast v52, $0xF;
	v53, _, _ =	vpop (xrf2)  }
0x154: {  	(xrf2) =	vadd.scan.msk.f32 $0xffff, v1;
	v0 =	vsel vm4, v3, v0;
	v54, _, _ =	vpop (xrf2);
	v55 =	vbroadcast v53, $0xF  }
0x155: {  	v0 =	vsel vm5, v0, v2;
	v56, _, _ =	vpop (xrf2);
	v1 =	vbroadcast v54, $0xF  }
0x156: {  	v0 =	vsel vm6, v0, v55;
	v2 =	vbroadcast v56, $0xF;
	v57, _, _ =	vpop (xrf2)  }
0x157: {  	v0 =	vsel vm7, v0, v1;
	v58, _, _ =	vpop (xrf2);
	v3 =	vbroadcast v57, $0xF  }
0x158: {  	v0 =	vsel vm8, v0, v2;
	v59, _, _ =	vpop (xrf2);
	v1 =	vbroadcast v58, $0xF  }
0x159: {  	v0 =	vsel vm9, v0, v3;
	v60, _, _ =	vpop (xrf2);
	v2 =	vbroadcast v59, $0xF  }
0x15a: {  	v0 =	vsel vm10, v0, v1;
	v61, _, _ =	vpop (xrf2);
	v3 =	vbroadcast v60, $0xF  }
0x15b: {  	v0 =	vsel vm11, v0, v2;
	v62, _, _ =	vpop (xrf2);
	v1 =	vbroadcast v61, $0xF  }
.Ltmp2:
0x15c: {  	v0 =	vsel vm12, v0, v3;
	v2 =	vbroadcast v62, $0xF;
	(pc) =	sbr.rel @p0 .LBB2_3-.Ltmp2, $4  }
0x15d: {  	v0 =	vsel vm13, v0, v1  }
0x15e: {  	v63, _, _ =	vpop (xrf2);
	v0 =	vsel vm14, v0, v2  }
0x15f: {  	v0 =	vsel vm15, v0, v63  }
0x160: {  	s28 =	simm.s32 $0x1;
	p1 =	por $0x0, $0x0;
	[tilespmem:s26+$0x800] =	vst v0  }
0x161: {  	p0 =	seq.s32 s22, $0x7  }
.Ltmp3:
0x162: {  	_ = 	snop;
	(pc) =	sbr.rel @p0 .LBB2_10-.Ltmp3, $1  }
0x163: {  	_ =	sdelay $0x3  }
0x164: {  	v0 =	vld [tilespmem:s24+$0x40];
	_ =	sdelay $0x2  }
0x165: {  	v2 =	vld [tilespmem:$0x1FFD0]  }
0x166: {  	v3 =	vld [tilespmem:$0x1FFE0]  }
0x167: {  	v4 =	vld [tilespmem:$0x1FFF0];
	v1 =	vshll.u32 v0, $0x1  }
0x168: {  	v0 =	vand.u32 $0x7, v0;
	v1 =	vand.u32 $0xFFFFFFF0, v1  }
0x169: {  	v0 =	vor.u32 v0, v1  }
0x16a: {  	v1 =	vperm.xlane v0, v2;
	_ =	sdelay $0x1  }
0x16b: {  	v0 =	vperm.xlane v0, v4;
	v1 =	vadd.s32 v3, v1;
	_ =	sdelay $0x1  }
0x16c: {  	v0 =	vadd.s32 v3, v0;
	_ =	sdelay $0x1  }
0x16d: {  	s0 =	simm.s32 $0xA00  }
0x16e: {  	[tilespmem:s0], [sflag:$0x1] =	stream.indirect_vreg.gather [hbm4b:s3+s6], $0x80, v1, vm0, $0xb8;
	[tilespmem:$0xCD00] =	vst v63  }
0x16f: {  	s2 =	simm.s32 $0x1200  }
0x170: {  	[tilespmem:s2], [sflag:$0x1] =	stream.indirect_vreg.gather [hbm4b:s3+s6], $0x80, v0, vm0, $0xb8;
	[tilespmem:$0xCD00] =	vst v63  }
0x171: {  	v0 =	vld [tilespmem:s24+$0x50];
	_ =	sdelay $0x4  }
0x172: {  	v61 =	vshll.u32 v0, $0x1  }
0x173: {  	v0 =	vand.u32 $0x7, v0;
	v1 =	vand.u32 $0xFFFFFFF0, v61  }
0x174: {  	v0 =	vor.u32 v0, v1  }
0x175: {  	v1 =	vperm.xlane v0, v2;
	_ =	sdelay $0x1  }
0x176: {  	v0 =	vperm.xlane v0, v4;
	v1 =	vadd.s32 v3, v1;
	_ =	sdelay $0x1  }
0x177: {  	v0 =	vadd.s32 v3, v0;
	_ =	sdelay $0x1  }
0x178: {  	s5 =	simm.s32 $0x1A00  }
0x179: {  	[tilespmem:s5], [sflag:$0x1] =	stream.indirect_vreg.gather [hbm4b:s3+s6], $0x80, v1, vm0, $0xb8;
	[tilespmem:$0xCD00] =	vst v63  }
0x17a: {  	s14 =	simm.s32 $0x2200  }
0x17b: {  	[tilespmem:s14], [sflag:$0x1] =	stream.indirect_vreg.gather [hbm4b:s3+s6], $0x80, v0, vm0, $0xb8;
	[tilespmem:$0xCD00] =	vst v63  }
0x17c: {  	v0 =	vld [tilespmem:s24+$0x240];
	_ =	sdelay $0x4  }
0x17d: {  	v62 =	vshll.u32 v0, $0x2  }
0x17e: {  	v0 =	vand.u32 $0x7, v0;
	v1 =	vand.u32 $0xFFFFFFE0, v62  }
0x17f: {  	v0 =	vor.u32 v0, v1  }
0x180: {  	v1 =	vperm.xlane v0, v2;
	_ =	sdelay $0x1  }
0x181: {  	v1 =	vadd.s32 v3, v1;
	_ =	sdelay $0x1  }
0x182: {  	v0 =	vperm.xlane v0, v4;
	_ =	sdelay $0x1  }
0x183: {  	s15 =	simm.s32 $0x4A00;
	v0 =	vadd.s32 v3, v0  }
0x184: {  	[tilespmem:s15], [sflag:$0x3] =	stream.indirect_vreg.gather [hbm4b:s4+s6], $0x80, v1, vm0, $0xb8;
	[tilespmem:$0xCD00] =	vst v63  }
0x185: {  	s19 =	simm.s32 $0x5200  }
0x186: {  	[tilespmem:s19], [sflag:$0x3] =	stream.indirect_vreg.gather [hbm4b:s11+s6], $0x80, v1, vm0, $0xb8;
	[tilespmem:$0xCD00] =	vst v63  }
0x187: {  	s25 =	simm.s32 $0x5A00  }
0x188: {  	[tilespmem:s25], [sflag:$0x3] =	stream.indirect_vreg.gather [hbm4b:s4+s6], $0x80, v0, vm0, $0xb8;
	[tilespmem:$0xCD00] =	vst v63  }
0x189: {  	s26 =	simm.s32 $0x6200  }
0x18a: {  	[tilespmem:s26], [sflag:$0x3] =	stream.indirect_vreg.gather [hbm4b:s11+s6], $0x80, v0, vm0, $0xb8;
	[tilespmem:$0xCD00] =	vst v63  }
0x18b: {  	v0 =	vld [tilespmem:s24+$0x250];
	_ =	sdelay $0x4  }
0x18c: {  	v63 =	vshll.u32 v0, $0x2  }
0x18d: {  	v0 =	vand.u32 $0x7, v0;
	v1 =	vand.u32 $0xFFFFFFE0, v63  }
0x18e: {  	v0 =	vor.u32 v0, v1  }
0x18f: {  	v1 =	vperm.xlane v0, v2;
	_ =	sdelay $0x1  }
0x190: {  	v1 =	vadd.s32 v3, v1;
	_ =	sdelay $0x1  }
0x191: {  	v0 =	vperm.xlane v0, v4;
	_ =	sdelay $0x1  }
0x192: {  	s28 =	simm.s32 $0x6A00;
	v0 =	vadd.s32 v3, v0  }
0x193: {  	[tilespmem:s28], [sflag:$0x3] =	stream.indirect_vreg.gather [hbm4b:s4+s6], $0x80, v1, vm0, $0xb8;
	[tilespmem:$0xCD00] =	vst v63  }
0x194: {  	s29 =	simm.s32 $0x7200  }
0x195: {  	[tilespmem:s29], [sflag:$0x3] =	stream.indirect_vreg.gather [hbm4b:s11+s6], $0x80, v1, vm0, $0xb8;
	[tilespmem:$0xCD00] =	vst v63  }
0x196: {  	s30 =	simm.s32 $0x7A00  }
0x197: {  	[tilespmem:s30], [sflag:$0x3] =	stream.indirect_vreg.gather [hbm4b:s4+s6], $0x80, v0, vm0, $0xb8;
	[tilespmem:$0xCD00] =	vst v63  }
0x198: {  	s31 =	simm.s32 $0x8200  }
0x199: {  	[tilespmem:s31], [sflag:$0x3] =	stream.indirect_vreg.gather [hbm4b:s11+s6], $0x80, v0, vm0, $0xb8;
	[tilespmem:$0xCD00] =	vst v63  }
.LBB2_10:
0x19a: {  	_ =	swait.ge [sflag:s20], $0x2000  }
0x19b: {  	[sflag:s20] =	ssyncset.done $0x0  }
0x19c: {  	[sflag:s20] =	ssyncadd.s32 $0xFFFFE000  }
0x19d: {  	_ =	swait.ge [sflag:s21], $0x4000  }
0x19e: {  	s24 =	simm.s32 $0x0;
	[sflag:s21] =	ssyncset.done $0x0  }
0x19f: {  	p1 =	por $0x1, $0x1;
	s26 =	simm.s32 $0x0;
	[sflag:s21] =	ssyncadd.s32 $0xFFFFC000  }
.LBB2_11:
0x1a0: {  	s1 =	sshll.u32 s26, $0xD  }
0x1a1: {  	s0 =	sshll.u32 s26, $0x4;
	s29 =	simm.s32 $0xCC00;
	s5 =	sand.u32 $0x3FFFE000, s1  }
0x1a2: {  	s14 =	sand.u32 $0x400, s24;
	s25 =	sor.u32 s23, s0;
	v6 =	vld [tilespmem:s29+$0x0];
	s28 =	sadd.s32 $0x8A00, s5  }
0x1a3: {  	s2 =	sand.u32 $0x70, s24;
	v4 =	vld [tilespmem:s25+$0x400];
	s0 =	sadd.s32 s14, s28  }
0x1a4: {  	v3 =	vld [tilespmem:s25+$0x600];
	s30 =	sadd.s32 s2, s0  }
0x1a5: {  	v5 =	vld [tilespmem:s30+$0x800]  }
0x1a6: {  	v14 =	vld [tilespmem:s30+$0x880]  }
0x1a7: {  	v16 =	vld [tilespmem:s30+$0x900]  }
0x1a8: {  	s15 =	sand.u32 $0x7FFFFC00, s24;
	v18 =	vld [tilespmem:s30+$0x980]  }
0x1a9: {  	s19 =	sadd.s32 s15, s28;
	v17 =	vld [tilespmem:s30+$0xA00]  }
0x1aa: {  	s14 =	sadd.s32 s2, s19;
	v15 =	vld [tilespmem:s30+$0xA80]  }
0x1ab: {  	v32 =	vld [tilespmem:s14+$0x0]  }
0x1ac: {  	s5 =	sshll.u32 s26, $0xC;
	v34 =	vld [tilespmem:s14+$0x80]  }
0x1ad: {  	s31 =	sand.u32 $0x3FFFF000, s5;
	v35 =	vld [tilespmem:s14+$0x100]  }
0x1ae: {  	v8 =	vimm.f32 $0.0e+00;
	v12 =	vimm.f32 $0.0e+00;
	v7 =	vimm.f32 $0.0e+00;
	s1 =	sadd.s32 $0x2A00, s31;
	v42 =	vld [tilespmem:s14+$0x180]  }
0x1af: {  	v11 =	vimm.f32 $0.0e+00;
	v9 =	vimm.f32 $0.0e+00;
	v10 =	vimm.f32 $0.0e+00;
	[dreg:$0xc] =	wrdreg s1;
	v43 =	vld [tilespmem:s14+$0x200]  }
0x1b0: {  	v30 =	vimm.f32 $0.0e+00;
	v31 =	vimm.f32 $0.0e+00;
	v13 =	vimm.f32 $0.0e+00;
	v41 =	vld [tilespmem:s14+$0x280];
	s1 =	rddreg [dreg:$0xc]  }
0x1b1: {  	v29 =	vimm.f32 $0.0e+00;
	v28 =	vimm.f32 $0.0e+00;
	v19 =	vimm.f32 $0.0e+00;
	v39 =	vld [tilespmem:s14+$0x300];
	s1 =	sadd.s32 s15, s1  }
0x1b2: {  	v20 =	vimm.f32 $0.0e+00;
	v24 =	vimm.f32 $0.0e+00;
	v25 =	vimm.f32 $0.0e+00;
	v40 =	vld [tilespmem:s14+$0x380];
	s1 =	sadd.s32 s2, s1  }
0x1b3: {  	v26 =	vimm.f32 $0.0e+00;
	v21 =	vimm.f32 $0.0e+00;
	v27 =	vimm.f32 $0.0e+00;
	v0 =	vld [tilespmem:s1+$0x0]  }
0x1b4: {  	v22 =	vimm.f32 $0.0e+00;
	v33 =	vimm.f32 $0.0e+00;
	v23 =	vimm.f32 $0.0e+00;
	p0 =	por p1, p1;
	s0 =	sshrl.u32 s15, $0x2;
	v1 =	vld [tilespmem:s1+$0x80]  }
0x1b5: {  	v38 =	vimm.f32 $0.0e+00;
	v36 =	vimm.f32 $0.0e+00;
	v37 =	vimm.f32 $0.0e+00;
	s19 =	simm.s32 $0x0;
	s5 =	sor.u32 s2, s0;
	s0 =	simm.s32 $0x80;
	v2 =	vld [tilespmem:s1+$0x100]  }
.LBB2_12:
0x1b6: {  	v44 =	vld [tilespmem:s1+$0x180]  }
0x1b7: {  	v47 =	vld [tilespmem:s1+$0x200]  }
0x1b8: {  	v50 =	vld [tilespmem:s1+$0x280]  }
0x1b9: {  	v45 =	vmul.f32 v5, v6;
	v46 =	vmul.f32 v14, v6;
	v54 =	vld [tilespmem:s5+$0xCA00]  }
0x1ba: {  	v48 =	vmul.f32 v16, v6;
	v49 =	vmul.f32 v18, v6;
	v53 =	vld [tilespmem:s1+$0x300]  }
0x1bb: {  	v62 =	vld [tilespmem:s1+$0x380];
	v0 =	vmul.f32 v32, v0;
	v1 =	vmul.f32 v34, v1  }
0x1bc: {  	s2 =	sand.u32 $0x400, s0;
	s19 =	sadd.s32 $0x10, s19;
	v2 =	vmul.f32 v35, v2;
	v63 =	vmul.f32 v42, v44;
	v44 =	vld [tilespmem:s30+$0xB00]  }
0x1bd: {  	s1 =	sand.u32 $0x70, s19;
	s2 =	sadd.s32 s2, s28;
	v57 =	vmul.f32 v43, v47;
	v47 =	vld [tilespmem:s30+$0xB80];
	v58 =	vmul.f32 v41, v50  }
0x1be: {  	v41 =	vld [tilespmem:s5+$0xCA80];
	s30 =	sadd.s32 s1, s2;
	v50 =	vmul.f32 v5, v54;
	v0 =	vadd.f32 v0, v8;
	v1 =	vadd.f32 v1, v12  }
0x1bf: {  	v56 =	vmul.f32 v16, v54;
	v2 =	vadd.f32 v2, v7;
	v59 =	vld [tilespmem:s30+$0x800];
	v11 =	vadd.f32 v63, v11  }
0x1c0: {  	v51 =	vmul.f32 v17, v6;
	s2 =	sand.u32 $0x7FFFFC00, s0;
	v61 =	vld [tilespmem:s30+$0x880];
	v9 =	vadd.f32 v57, v9;
	v10 =	vadd.f32 v58, v10  }
0x1c1: {  	v52 =	vmul.f32 v15, v6;
	s29 =	sadd.s32 $0x10, s29;
	s14 =	sadd.s32 s2, s28;
	v63 =	vld [tilespmem:s30+$0x900];
	v13 =	vadd.f32 v50, v13;
	v20 =	vadd.f32 v56, v20  }
0x1c2: {  	s14 =	sadd.s32 s1, s14;
	v8 =	vadd.f32 v45, v0;
	v12 =	vadd.f32 v46, v1;
	v0 =	vmul.f32 v39, v53;
	v1 =	vld [tilespmem:s29+$0x0]  }
0x1c3: {  	v7 =	vadd.f32 v48, v2;
	v2 =	vmul.f32 v40, v62;
	v32 =	vld [tilespmem:s14+$0x0];
	v11 =	vadd.f32 v49, v11  }
0x1c4: {  	v34 =	vld [tilespmem:s14+$0x80];
	v9 =	vadd.f32 v51, v9;
	v10 =	vadd.f32 v52, v10;
	v60 =	vmul.f32 v44, v6  }
0x1c5: {  	v35 =	vld [tilespmem:s14+$0x100];
	v0 =	vadd.f32 v0, v30;
	v62 =	vmul.f32 v47, v6;
	v53 =	vmul.f32 v5, v41  }
0x1c6: {  	v42 =	vld [tilespmem:s14+$0x180];
	v2 =	vadd.f32 v2, v31;
	v55 =	vmul.f32 v14, v41;
	v57 =	vmul.f32 v16, v41  }
0x1c7: {  	v43 =	vld [tilespmem:s14+$0x200];
	v58 =	vmul.f32 v18, v41;
	v5 =	vmovc v59;
	v59 =	vmul.f32 v17, v54;
	v30 =	vadd.f32 v60, v0  }
0x1c8: {  	v39 =	vld [tilespmem:s14+$0x300];
	v31 =	vadd.f32 v62, v2;
	v2 =	vmul.f32 v14, v54;
	v29 =	vadd.f32 v53, v29;
	v14 =	vmovc v61  }
0x1c9: {  	v0 =	vld [tilespmem:s30+$0xA00];
	v19 =	vadd.f32 v55, v19;
	v60 =	vmul.f32 v17, v41;
	v16 =	vmovc v63;
	v61 =	vmul.f32 v15, v54  }
0x1ca: {  	v62 =	vmul.f32 v15, v41;
	v24 =	vadd.f32 v57, v24;
	v63 =	vmul.f32 v44, v54;
	v6 =	vmovc v1;
	v1 =	vld [tilespmem:s30+$0xA80]  }
0x1cb: {  	p1 =	sne.s32 s0, $0x780;
	s15 =	rddreg [dreg:$0xc];
	v52 =	vld [tilespmem:s30+$0x980];
	v26 =	vadd.f32 v58, v26;
	v28 =	vadd.f32 v2, v28;
	v2 =	vmul.f32 v18, v54  }
.Ltmp4:
0x1cc: {  	s31 =	sshrl.u32 s2, $0x2;
	s2 =	sadd.s32 s2, s15;
	v40 =	vld [tilespmem:s14+$0x380];
	v44 =	vmul.f32 v44, v41;
	v21 =	vadd.f32 v59, v21;
	v27 =	vadd.f32 v60, v27;
	(pc) =	sbr.rel @p1 .LBB2_12-.Ltmp4, $4  }
0x1cd: {  	s5 =	sor.u32 s1, s31;
	s1 =	sadd.s32 s1, s2;
	v25 =	vadd.f32 v2, v25;
	v2 =	vmul.f32 v47, v54;
	v47 =	vmul.f32 v47, v41;
	v41 =	vld [tilespmem:s14+$0x280]  }
0x1ce: {  	v22 =	vadd.f32 v61, v22;
	v33 =	vadd.f32 v62, v33;
	v17 =	vmov v0;
	v0 =	vld [tilespmem:s1+$0x0]  }
0x1cf: {  	v23 =	vadd.f32 v63, v23;
	v38 =	vadd.f32 v44, v38;
	v15 =	vmov v1;
	v1 =	vld [tilespmem:s1+$0x80]  }
0x1d0: {  	s0 =	sadd.s32 $0x80, s0;
	v18 =	vmov v52;
	v36 =	vadd.f32 v2, v36;
	v37 =	vadd.f32 v47, v37;
	v2 =	vld [tilespmem:s1+$0x100]  }
0x1d1: {  	_ =	sdelay $0x1  }
0x1d2: {  	v44 =	vld [tilespmem:s1+$0x180];
	v0 =	vmul.f32 v32, v0  }
0x1d3: {  	v46 =	vld [tilespmem:s1+$0x200]  }
0x1d4: {  	v45 =	vmul.f32 v5, v6;
	v49 =	vld [tilespmem:s1+$0x280];
	v1 =	vmul.f32 v34, v1;
	v0 =	vadd.f32 v0, v8  }
0x1d5: {  	v52 =	vld [tilespmem:s1+$0x300];
	v2 =	vmul.f32 v35, v2  }
0x1d6: {  	v47 =	vmul.f32 v14, v6;
	v53 =	vld [tilespmem:s30+$0xB00];
	v1 =	vadd.f32 v1, v12;
	v0 =	vadd.f32 v45, v0  }
0x1d7: {  	v48 =	vmul.f32 v16, v6;
	v57 =	vld [tilespmem:s5+$0xCA80];
	v63 =	vmul.f32 v42, v44;
	v2 =	vadd.f32 v2, v7  }
0x1d8: {  	v62 =	vld [tilespmem:s1+$0x380];
	[tilespmem:$0x1FE10] =	vst v0;
	v0 =	vadd.f32 v47, v1  }
0x1d9: {  	v50 =	vmul.f32 v18, v6;
	v7 =	vadd.f32 v63, v11;
	v1 =	vadd.f32 v48, v2  }
0x1da: {  	v51 =	vmul.f32 v17, v6;
	v54 =	vld [tilespmem:s30+$0xB80];
	v8 =	vmul.f32 v43, v46;
	[tilespmem:$0x1FE20] =	vst v0  }
0x1db: {  	v56 =	vmul.f32 v41, v49;
	v0 =	vmul.f32 v39, v52;
	[tilespmem:$0x1FE30] =	vst v1;
	v1 =	vadd.f32 v50, v7  }
0x1dc: {  	v55 =	vld [tilespmem:s5+$0xCA00];
	s14 =	sshllo.u32 s26, $0x1;
	v58 =	vmul.f32 v53, v6;
	v59 =	vmul.f32 v53, v57  }
0x1dd: {  	s0 =	sshll.u32 s14, $0xC;
	v49 =	vimm.f32 $0.0e+00;
	[tilespmem:$0x1FE40] =	vst v1;
	v1 =	vmul.f32 v40, v62;
	v0 =	vadd.f32 v0, v30  }
0x1de: {  	s26 =	simm.s32 $0x0;
	s0 =	sand.u32 $0x3FFFF000, s0;
	v43 =	vimm.f32 $0.0e+00;
	v44 =	vimm.f32 $0.0e+00;
	v2 =	vmul.f32 v15, v6  }
0x1df: {  	s2 =	sand.u32 $0x400, s26;
	s28 =	sadd.s32 $0x8A00, s0;
	v6 =	vmul.f32 v54, v6;
	v1 =	vadd.f32 v1, v31;
	v0 =	vadd.f32 v58, v0  }
0x1e0: {  	s29 =	simm.s32 $0xCC00;
	s15 =	sand.u32 $0x70, s26;
	s2 =	sadd.s32 s2, s28;
	v41 =	vimm.f32 $0.0e+00;
	v7 =	vadd.f32 v8, v9;
	v8 =	vadd.f32 v56, v10  }
0x1e1: {  	s19 =	sand.u32 $0x7FFFFC00, s26;
	v34 =	vld [tilespmem:s29+$0x0];
	s30 =	sadd.s32 s15, s2;
	v46 =	vimm.f32 $0.0e+00;
	v30 =	vmul.f32 v5, v55;
	[tilespmem:$0x1FE70] =	vst v0;
	v0 =	vadd.f32 v6, v1  }
0x1e2: {  	s31 =	sadd.s32 s19, s28;
	v42 =	vimm.f32 $0.0e+00;
	v32 =	vld [tilespmem:s30+$0x800];
	v45 =	vimm.f32 $0.0e+00;
	v2 =	vadd.f32 v2, v8  }
0x1e3: {  	s5 =	sadd.s32 s15, s31;
	v35 =	vld [tilespmem:s30+$0xA00];
	v47 =	vimm.f32 $0.0e+00;
	v48 =	vimm.f32 $0.0e+00;
	[tilespmem:$0x1FE80] =	vst v0;
	v0 =	vadd.f32 v30, v13  }
0x1e4: {  	v60 =	vld [tilespmem:s5+$0x0];
	v56 =	vimm.f32 $0.0e+00;
	v52 =	vimm.f32 $0.0e+00;
	[tilespmem:$0x1FE60] =	vst v2;
	v2 =	vmul.f32 v5, v57  }
0x1e5: {  	v61 =	vld [tilespmem:s5+$0x80];
	v50 =	vimm.f32 $0.0e+00;
	v7 =	vadd.f32 v51, v7;
	[tilespmem:$0x1FE90] =	vst v0;
	v0 =	vmul.f32 v14, v55  }
0x1e6: {  	s1 =	sshll.u32 s14, $0xB;
	v63 =	vld [tilespmem:s5+$0x300];
	v8 =	vmul.f32 v15, v57;
	v5 =	vmul.f32 v16, v57;
	v2 =	vadd.f32 v2, v29  }
0x1e7: {  	s1 =	sand.u32 $0x3FFFF800, s1;
	v39 =	vld [tilespmem:s30+$0xA80];
	[tilespmem:$0x1FE50] =	vst v7;
	v7 =	vmul.f32 v17, v57;
	v1 =	vmul.f32 v14, v57;
	v0 =	vadd.f32 v0, v28  }
0x1e8: {  	s1 =	sadd.s32 $0x2A00, s1;
	v62 =	vld [tilespmem:s5+$0x380];
	v24 =	vadd.f32 v5, v24;
	v5 =	vmul.f32 v53, v55;
	[tilespmem:$0x1FEA0] =	vst v2;
	v2 =	vmul.f32 v16, v55  }
0x1e9: {  	[dreg:$0xd] =	wrdreg s1;
	v31 =	vld [tilespmem:s30+$0x980];
	v6 =	vmul.f32 v18, v57;
	v19 =	vadd.f32 v1, v19;
	[tilespmem:$0x1FEB0] =	vst v0;
	v0 =	vmul.f32 v18, v55  }
0x1ea: {  	s1 =	rddreg [dreg:$0xd];
	v29 =	vld [tilespmem:s30+$0x900];
	v1 =	vmul.f32 v17, v55;
	v23 =	vadd.f32 v5, v23;
	v20 =	vadd.f32 v2, v20  }
0x1eb: {  	s1 =	sadd.s32 s19, s1;
	v30 =	vld [tilespmem:s30+$0x880];
	v2 =	vmul.f32 v15, v55;
	v28 =	vadd.f32 v0, v25;
	v25 =	vadd.f32 v6, v26  }
0x1ec: {  	s1 =	sadd.s32 s15, s1;
	v5 =	vld [tilespmem:s5+$0x200];
	v0 =	vmul.f32 v54, v55;
	v26 =	vadd.f32 v1, v21;
	v21 =	vadd.f32 v7, v27  }
0x1ed: {  	v51 =	vimm.f32 $0.0e+00;
	v27 =	vadd.f32 v2, v22;
	v2 =	vadd.f32 v59, v38;
	v6 =	vld [tilespmem:s1+$0x0]  }
0x1ee: {  	v40 =	vimm.f32 $0.0e+00;
	v1 =	vmul.f32 v54, v57;
	v7 =	vld [tilespmem:s1+$0x80];
	v0 =	vadd.f32 v0, v36  }
0x1ef: {  	v58 =	vimm.f32 $0.0e+00;
	v53 =	vimm.f32 $0.0e+00;
	v22 =	vadd.f32 v8, v33;
	v8 =	vld [tilespmem:s1+$0x100];
	[tilespmem:$0x1FEC0] =	vst v2  }
0x1f0: {  	v57 =	vimm.f32 $0.0e+00;
	v59 =	vimm.f32 $0.0e+00;
	v2 =	vld [tilespmem:s5+$0x280];
	[tilespmem:$0x1FED0] =	vst v0;
	v0 =	vadd.f32 v1, v37  }
0x1f1: {  	s2 =	sshrl.u32 s19, $0x2;
	v55 =	vimm.f32 $0.0e+00;
	v54 =	vimm.f32 $0.0e+00;
	v38 =	vimm.f32 $0.0e+00;
	v1 =	vld [tilespmem:s5+$0x180]  }
0x1f2: {  	s0 =	simm.s32 $0x80;
	s19 =	sor.u32 s15, s2;
	v33 =	vimm.f32 $0.0e+00;
	v36 =	vimm.f32 $0.0e+00;
	v37 =	vimm.f32 $0.0e+00;
	[tilespmem:$0x1FEE0] =	vst v0;
	v0 =	vld [tilespmem:s5+$0x100]  }
.LBB2_14:
0x1f3: {  	v9 =	vld [tilespmem:s1+$0x180]  }
0x1f4: {  	v12 =	vld [tilespmem:s1+$0x200]  }
0x1f5: {  	v15 =	vld [tilespmem:s1+$0x280]  }
0x1f6: {  	v10 =	vmul.f32 v32, v34;
	v11 =	vmul.f32 v30, v34;
	v18 =	vld [tilespmem:s1+$0x300]  }
0x1f7: {  	v13 =	vmul.f32 v29, v34;
	v6 =	vmul.f32 v60, v6;
	v60 =	vld [tilespmem:s1+$0x380]  }
0x1f8: {  	v7 =	vmul.f32 v61, v7;
	v0 =	vmul.f32 v0, v8;
	v8 =	vld [tilespmem:s30+$0xB00]  }
0x1f9: {  	v14 =	vmul.f32 v31, v34;
	s2 =	sand.u32 $0x400, s0;
	s26 =	sadd.s32 $0x10, s26;
	v1 =	vmul.f32 v1, v9;
	v9 =	vld [tilespmem:s30+$0xB80]  }
0x1fa: {  	s2 =	sadd.s32 s2, s28;
	s1 =	sand.u32 $0x70, s26;
	v5 =	vmul.f32 v5, v12;
	v12 =	vld [tilespmem:s19+$0xCA00];
	v6 =	vadd.f32 v6, v57;
	v7 =	vadd.f32 v7, v59  }
0x1fb: {  	s29 =	sadd.s32 $0x10, s29;
	v2 =	vmul.f32 v2, v15;
	v15 =	vld [tilespmem:s19+$0xCA80];
	s30 =	sadd.s32 s1, s2;
	s2 =	sand.u32 $0x7FFFFC00, s0;
	v0 =	vadd.f32 v0, v58;
	v1 =	vadd.f32 v1, v56  }
0x1fc: {  	v16 =	vmul.f32 v35, v34;
	s14 =	sadd.s32 s2, s28;
	v5 =	vadd.f32 v5, v52;
	v59 =	vadd.f32 v11, v7;
	v7 =	vld [tilespmem:s29+$0x0]  }
0x1fd: {  	v17 =	vmul.f32 v39, v34;
	v2 =	vadd.f32 v2, v53;
	s15 =	sadd.s32 s1, s14;
	v57 =	vadd.f32 v10, v6;
	v11 =	vld [tilespmem:s30+$0x880]  }
0x1fe: {  	v6 =	vmul.f32 v63, v18;
	v58 =	vadd.f32 v13, v0;
	v61 =	vld [tilespmem:s15+$0x80];
	v56 =	vadd.f32 v14, v1  }
0x1ff: {  	v0 =	vmul.f32 v62, v60;
	v1 =	vld [tilespmem:s30+$0x800];
	v10 =	vmul.f32 v8, v34;
	v52 =	vadd.f32 v16, v5  }
0x200: {  	v14 =	vld [tilespmem:s30+$0x900];
	v53 =	vadd.f32 v17, v2;
	v63 =	vmul.f32 v9, v34;
	v18 =	vmul.f32 v32, v12  }
0x201: {  	v2 =	vld [tilespmem:s30+$0x980];
	v6 =	vadd.f32 v6, v55;
	v5 =	vmul.f32 v32, v15;
	v13 =	vmul.f32 v29, v15  }
0x202: {  	v60 =	vld [tilespmem:s15+$0x0];
	v16 =	vmul.f32 v31, v12;
	v17 =	vmul.f32 v31, v15;
	v0 =	vadd.f32 v0, v54  }
0x203: {  	v62 =	vld [tilespmem:s15+$0x380];
	v55 =	vadd.f32 v10, v6;
	v50 =	vadd.f32 v18, v50;
	v10 =	vmul.f32 v30, v15  }
0x204: {  	v6 =	vld [tilespmem:s30+$0xA00];
	v51 =	vadd.f32 v5, v51;
	v5 =	vmul.f32 v29, v12;
	v18 =	vmul.f32 v39, v15  }
0x205: {  	v45 =	vadd.f32 v13, v45;
	v13 =	vmul.f32 v8, v12;
	v43 =	vadd.f32 v16, v43;
	v34 =	vmovc v7;
	v7 =	vld [tilespmem:s30+$0xA80]  }
0x206: {  	v8 =	vmul.f32 v8, v15;
	v36 =	vadd.f32 v17, v36;
	v54 =	vadd.f32 v63, v0;
	v63 =	vld [tilespmem:s15+$0x300]  }
0x207: {  	s31 =	rddreg [dreg:$0xd];
	v0 =	vmul.f32 v30, v12;
	v30 =	vmovc v11;
	v11 =	vmul.f32 v35, v15;
	v32 =	vmov v1;
	v1 =	vld [tilespmem:s15+$0x180]  }
0x208: {  	p1 =	sne.s32 s0, $0x780;
	s5 =	sshrl.u32 s2, $0x2;
	s2 =	sadd.s32 s2, s31;
	v47 =	vadd.f32 v10, v47;
	v10 =	vmul.f32 v35, v12;
	v48 =	vadd.f32 v5, v48;
	v5 =	vld [tilespmem:s15+$0x200]  }
.Ltmp5:
0x209: {  	s19 =	sor.u32 s1, s5;
	s1 =	sadd.s32 s1, s2;
	v29 =	vmovc v14;
	v14 =	vmul.f32 v39, v12;
	v31 =	vmov v2;
	v2 =	vld [tilespmem:s15+$0x280];
	v40 =	vadd.f32 v18, v40;
	(pc) =	sbr.rel @p1 .LBB2_14-.Ltmp5, $4  }
0x20a: {  	v12 =	vmul.f32 v9, v12;
	v41 =	vadd.f32 v13, v41;
	v46 =	vadd.f32 v8, v46;
	v8 =	vld [tilespmem:s1+$0x100]  }
0x20b: {  	v9 =	vmul.f32 v9, v15;
	v49 =	vadd.f32 v0, v49;
	v0 =	vld [tilespmem:s15+$0x100];
	v38 =	vadd.f32 v11, v38  }
0x20c: {  	v37 =	vadd.f32 v10, v37;
	v44 =	vadd.f32 v14, v44;
	v35 =	vmov v6;
	v6 =	vld [tilespmem:s1+$0x0]  }
0x20d: {  	s0 =	sadd.s32 $0x80, s0;
	v42 =	vadd.f32 v12, v42;
	v33 =	vadd.f32 v9, v33;
	v39 =	vmov v7;
	v7 =	vld [tilespmem:s1+$0x80]  }
0x20e: {  	v9 =	vld [tilespmem:s1+$0x180]  }
0x20f: {  	v11 =	vld [tilespmem:s1+$0x280]  }
0x210: {  	v10 =	vld [tilespmem:s1+$0x200]  }
0x211: {  	v18 =	vld [tilespmem:s1+$0x300];
	v13 =	vmul.f32 v30, v34;
	v14 =	vmul.f32 v29, v34  }
0x212: {  	v12 =	vld [tilespmem:s30+$0xB00];
	v0 =	vmul.f32 v0, v8;
	v6 =	vmul.f32 v60, v6  }
0x213: {  	v15 =	vld [tilespmem:s30+$0xB80];
	v60 =	vmul.f32 v32, v34;
	v7 =	vmul.f32 v61, v7  }
0x214: {  	v0 =	vadd.f32 v0, v58;
	v61 =	vmul.f32 v31, v34;
	v2 =	vmul.f32 v2, v11;
	v11 =	vld [tilespmem:s19+$0xCA00]  }
0x215: {  	v1 =	vmul.f32 v1, v9;
	v6 =	vadd.f32 v6, v57;
	v5 =	vmul.f32 v5, v10  }
0x216: {  	v8 =	vmul.f32 v63, v18;
	v63 =	vmul.f32 v39, v34;
	v7 =	vadd.f32 v7, v59;
	v59 =	vld [tilespmem:s1+$0x380]  }
0x217: {  	v16 =	vmul.f32 v12, v34;
	v0 =	vadd.f32 v14, v0;
	v1 =	vadd.f32 v1, v56  }
0x218: {  	v17 =	vmul.f32 v15, v34;
	v5 =	vadd.f32 v5, v52;
	v7 =	vadd.f32 v13, v7;
	v13 =	vld [tilespmem:s19+$0xCA80]  }
0x219: {  	v2 =	vadd.f32 v2, v53;
	v52 =	vmul.f32 v32, v11;
	v56 =	vmul.f32 v29, v11  }
0x21a: {  	v1 =	vadd.f32 v61, v1;
	v18 =	vmul.f32 v31, v11;
	v61 =	vmul.f32 v39, v11  }
0x21b: {  	v2 =	vadd.f32 v63, v2;
	v63 =	vmul.f32 v12, v11;
	v9 =	vmul.f32 v62, v59  }
0x21c: {  	v8 =	vadd.f32 v8, v55;
	v62 =	vmul.f32 v35, v34;
	v59 =	vmul.f32 v35, v11  }
0x21d: {  	v9 =	vadd.f32 v9, v54;
	v53 =	vmul.f32 v32, v13;
	v54 =	vmul.f32 v30, v11  }
0x21e: {  	v6 =	vadd.f32 v60, v6;
	v55 =	vmul.f32 v30, v13;
	v57 =	vmul.f32 v29, v13  }
0x21f: {  	v34 =	vadd.f32 v16, v8;
	v58 =	vmul.f32 v31, v13;
	v60 =	vmul.f32 v35, v13  }
0x220: {  	v5 =	vadd.f32 v62, v5;
	v62 =	vmul.f32 v39, v13;
	v12 =	vmul.f32 v12, v13  }
0x221: {  	v16 =	vadd.f32 v56, v48;
	v11 =	vmul.f32 v15, v11;
	v13 =	vmul.f32 v15, v13  }
0x222: {  	v29 =	vadd.f32 v59, v37;
	v31 =	vadd.f32 v61, v44;
	v44 =	vbroadcast v4, $0x0  }
0x223: {  	v37 =	vadd.f32 v63, v41;
	v59 =	vbroadcast v4, $0x4;
	v61 =	vbroadcast v3, $0x4  }
0x224: {  	v63 =	vbroadcast v4, $0x5;
	v39 =	vbroadcast v3, $0x5;
	v32 =	vadd.f32 v17, v9  }
0x225: {  	v8 =	vadd.f32 v53, v51;
	v14 =	vadd.f32 v55, v47;
	v47 =	vbroadcast v3, $0x0  }
0x226: {  	v10 =	vadd.f32 v54, v49;
	v49 =	vbroadcast v4, $0x1;
	v51 =	vbroadcast v3, $0x1  }
0x227: {  	v17 =	vadd.f32 v57, v45;
	v53 =	vbroadcast v4, $0x2;
	v55 =	vbroadcast v3, $0x2  }
0x228: {  	v15 =	vadd.f32 v58, v36;
	v57 =	vbroadcast v4, $0x3;
	v58 =	vbroadcast v3, $0x3  }
0x229: {  	v18 =	vadd.f32 v18, v43;
	v48 =	vld [tilespmem:$0x1FE90];
	v26 =	vmul.f32 v26, v59;
	v21 =	vmul.f32 v21, v61  }
0x22a: {  	v36 =	vadd.f32 v62, v40;
	v27 =	vmul.f32 v27, v63;
	v40 =	vbroadcast v4, $0x6  }
0x22b: {  	v11 =	vadd.f32 v11, v42;
	v22 =	vmul.f32 v22, v39;
	v42 =	vbroadcast v3, $0x6  }
0x22c: {  	v43 =	vld [tilespmem:$0x1FE60];
	v12 =	vadd.f32 v12, v46;
	v46 =	vbroadcast v3, $0x7;
	v59 =	vbroadcast v4, $0xB  }
0x22d: {  	v41 =	vld [tilespmem:$0x1FE50];
	v61 =	vbroadcast v3, $0xB;
	v63 =	vbroadcast v4, $0xC  }
0x22e: {  	v9 =	vadd.f32 v52, v50;
	v50 =	vld [tilespmem:$0x1FEA0];
	v35 =	vmul.f32 v48, v44;
	v19 =	vmul.f32 v19, v51  }
0x22f: {  	v52 =	vld [tilespmem:$0x1FEB0];
	v20 =	vmul.f32 v20, v53;
	v24 =	vmul.f32 v24, v55  }
0x230: {  	v54 =	vld [tilespmem:$0x1FE10];
	v28 =	vmul.f32 v28, v57;
	v25 =	vmul.f32 v25, v58  }
0x231: {  	v30 =	vadd.f32 v60, v38;
	v60 =	vld [tilespmem:$0x1FE30];
	v23 =	vmul.f32 v23, v40;
	v44 =	vbroadcast v4, $0x7  }
0x232: {  	v13 =	vadd.f32 v13, v33;
	v62 =	vld [tilespmem:$0x1FE40];
	v48 =	vbroadcast v4, $0x8;
	v51 =	vbroadcast v3, $0x8  }
0x233: {  	v56 =	vld [tilespmem:$0x1FE20];
	v27 =	vadd.f32 v27, v43;
	v53 =	vbroadcast v4, $0x9;
	v55 =	vbroadcast v4, $0xA  }
0x234: {  	v57 =	vbroadcast v3, $0xA;
	v26 =	vadd.f32 v26, v41;
	v9 =	vmul.f32 v9, v48  }
0x235: {  	v45 =	vld [tilespmem:$0x1FEC0];
	v22 =	vadd.f32 v22, v27;
	v8 =	vmul.f32 v8, v51;
	v38 =	vmul.f32 v50, v47  }
0x236: {  	v33 =	vmul.f32 v52, v49;
	v35 =	vadd.f32 v35, v54;
	v20 =	vadd.f32 v20, v60;
	v47 =	vld [tilespmem:$0x1FED0]  }
0x237: {  	v10 =	vmul.f32 v10, v53;
	v28 =	vadd.f32 v28, v62;
	v21 =	vadd.f32 v21, v26;
	v49 =	vld [tilespmem:$0x1FE70]  }
0x238: {  	v58 =	vmul.f32 v16, v55;
	v50 =	vld [tilespmem:$0x1FEE0];
	v6 =	vadd.f32 v9, v6;
	v33 =	vadd.f32 v33, v56  }
0x239: {  	v52 =	vld [tilespmem:$0x1FE80];
	v54 =	vbroadcast v3, $0x9;
	v7 =	vadd.f32 v10, v7;
	v35 =	vadd.f32 v38, v35  }
0x23a: {  	v62 =	vmul.f32 v18, v59;
	v0 =	vadd.f32 v58, v0;
	v19 =	vadd.f32 v19, v33  }
0x23b: {  	v60 =	vmul.f32 v17, v57;
	v20 =	vadd.f32 v24, v20;
	v25 =	vadd.f32 v25, v28;
	(xrf2) =	vadd.scan.msk.f32 $0xffff, v35  }
0x23c: {  	v24 =	vmul.f32 v45, v42;
	v1 =	vadd.f32 v62, v1;
	v27 =	vmul.f32 v47, v44;
	(xrf2) =	vadd.scan.msk.f32 $0xffff, v19  }
0x23d: {  	v56 =	vmul.f32 v14, v54;
	v6 =	vadd.f32 v8, v6;
	v23 =	vadd.f32 v23, v49;
	(xrf2) =	vadd.scan.msk.f32 $0xffff, v20  }
0x23e: {  	v35 =	vbroadcast v4, $0xF;
	v26 =	vmul.f32 v50, v46;
	v27 =	vadd.f32 v27, v52;
	(xrf2) =	vadd.scan.msk.f32 $0xffff, v25  }
0x23f: {  	v23 =	vadd.f32 v24, v23;
	v20 =	vmul.f32 v15, v61;
	v24 =	vbroadcast v4, $0xD;
	(xrf2) =	vadd.scan.msk.f32 $0xffff, v21  }
0x240: {  	v26 =	vadd.f32 v26, v27;
	v21 =	vbroadcast v3, $0xC;
	v27 =	vbroadcast v4, $0xE;
	(xrf2) =	vadd.scan.msk.f32 $0xffff, v22  }
0x241: {  	v0 =	vadd.f32 v60, v0;
	v28 =	vmul.f32 v31, v24;
	v22 =	vmul.f32 v29, v63;
	(xrf2) =	vadd.scan.msk.f32 $0xffff, v23  }
0x242: {  	v7 =	vadd.f32 v56, v7;
	v31 =	vbroadcast v3, $0xE;
	v29 =	vbroadcast v3, $0xD;
	(xrf2) =	vadd.scan.msk.f32 $0xffff, v26  }
0x243: {  	v25 =	vmul.f32 v30, v21;
	v30 =	vmul.f32 v37, v27;
	v5 =	vadd.f32 v22, v5;
	(xrf2) =	vadd.scan.msk.f32 $0xffff, v6  }
0x244: {  	v1 =	vadd.f32 v20, v1;
	v2 =	vadd.f32 v28, v2;
	v33 =	vmul.f32 v36, v29;
	(xrf2) =	vadd.scan.msk.f32 $0xffff, v7  }
0x245: {  	v38 =	vmul.f32 v12, v31;
	v37 =	vadd.f32 v30, v34;
	v36 =	vadd.f32 v25, v5;
	v39, _, _ =	vpop (xrf2);
	(xrf2) =	vadd.scan.msk.f32 $0xffff, v0  }
0x246: {  	v43 =	vbroadcast v3, $0xF;
	v41 =	vmul.f32 v11, v35;
	v40 =	vadd.f32 v33, v2;
	(xrf2) =	vadd.scan.msk.f32 $0xffff, v1;
	v42, _, _ =	vpop (xrf2)  }
0x247: {  	v44 =	vbroadcast v39, $0xF;
	v5 =	vadd.f32 v38, v37;
	(xrf2) =	vadd.scan.msk.f32 $0xffff, v36;
	v4 =	vbroadcast v42, $0xF;
	v45, _, _ =	vpop (xrf2)  }
0x248: {  	v46 =	vadd.f32 v41, v32;
	v3 =	vmul.f32 v13, v43;
	(xrf2) =	vadd.scan.msk.f32 $0xffff, v40;
	v47 =	vbroadcast v45, $0xF;
	v48, _, _ =	vpop (xrf2)  }
0x249: {  	v0 =	vsel vm1, v44, v4;
	(xrf2) =	vadd.scan.msk.f32 $0xffff, v5;
	v49, _, _ =	vpop (xrf2);
	v50 =	vbroadcast v48, $0xF  }
0x24a: {  	v1 =	vadd.f32 v3, v46;
	v0 =	vsel vm2, v0, v47;
	v51, _, _ =	vpop (xrf2);
	v52 =	vbroadcast v49, $0xF  }
0x24b: {  	v0 =	vsel vm3, v0, v50;
	v2 =	vbroadcast v51, $0xF;
	v53, _, _ =	vpop (xrf2)  }
0x24c: {  	(xrf2) =	vadd.scan.msk.f32 $0xffff, v1;
	v0 =	vsel vm4, v0, v52;
	v54, _, _ =	vpop (xrf2);
	v55 =	vbroadcast v53, $0xF  }
0x24d: {  	v0 =	vsel vm5, v0, v2;
	v56, _, _ =	vpop (xrf2);
	v1 =	vbroadcast v54, $0xF  }
0x24e: {  	v0 =	vsel vm6, v0, v55;
	v57, _, _ =	vpop (xrf2);
	v2 =	vbroadcast v56, $0xF  }
0x24f: {  	v0 =	vsel vm7, v0, v1;
	v58, _, _ =	vpop (xrf2);
	v3 =	vbroadcast v57, $0xF  }
0x250: {  	v0 =	vsel vm8, v0, v2;
	v59, _, _ =	vpop (xrf2);
	v1 =	vbroadcast v58, $0xF  }
0x251: {  	v0 =	vsel vm9, v0, v3;
	v60, _, _ =	vpop (xrf2);
	v2 =	vbroadcast v59, $0xF  }
0x252: {  	v0 =	vsel vm10, v0, v1;
	v61, _, _ =	vpop (xrf2);
	v3 =	vbroadcast v60, $0xF  }
0x253: {  	v0 =	vsel vm11, v0, v2;
	v62, _, _ =	vpop (xrf2);
	v1 =	vbroadcast v61, $0xF  }
.Ltmp6:
0x254: {  	v0 =	vsel vm12, v0, v3;
	v2 =	vbroadcast v62, $0xF;
	(pc) =	sbr.rel @p0 .LBB2_11-.Ltmp6, $4  }
0x255: {  	v0 =	vsel vm13, v0, v1  }
0x256: {  	v63, _, _ =	vpop (xrf2);
	v0 =	vsel vm14, v0, v2  }
0x257: {  	v0 =	vsel vm15, v0, v63  }
0x258: {  	s26 =	simm.s32 $0x1;
	p1 =	por $0x0, $0x0;
	[tilespmem:s25+$0x800] =	vst v0  }
0x259: {  	s22 =	sadd.s32 $0x1, s22  }
0x25a: {  	p0 =	sne.s32 s22, $0x8  }
.Ltmp7:
0x25b: {  	_ = 	snop;
	(pc) =	sbr.rel @p0 .LBB2_2-.Ltmp7, $1  }
0x25c: {  	_ =	sdelay $0x3  }
0x25d: {  	s0 =	rddreg [dreg:$0x12];
	s1 =	simm.s32 $0x800;
	s30 =	simm.s32 $0x6  }
0x25e: {  	[hbm4b:s0+s6] =	stream.linear.scatter [tilespmem:s1], [sflag:$0x6], $0x200, $0x38;
	[tilespmem:$0xCD00] =	vst v63  }
0x25f: {  	_ =	swait.ge [sflag:s30], $0x200  }
0x260: {  	s2 =	rddreg [dreg:$0x14]  }
0x261: {  	s31 =	rddreg [dreg:$0x13];
	s2 =	sadd.s32 $0x1, s2  }
0x262: {  	p0 =	sne.s32 s2, s31  }
.Ltmp8:
0x263: {  	_ = 	snop;
	(pc) =	sbr.rel @p0 .LBB2_1-.Ltmp8, $3  }
0x264: {  	_ =	sdelay $0x1  }
0x265: {  	[sflag:s30] =	ssyncset.done $0x0  }
0x266: {  	[sflag:s30] =	ssyncadd.s32 $0xFFFFFE00  }
0x267: {  	_ =	sfence.sel $0x180000  }
0x268: {  	[bflag:$0x0] =	sbarrier.arrive $0xFFFF  }
0x269: {  	_ =	strace $0x90000047  }
0x26a: {  	s0 =	stileid.u32;
	[bflag:$0x2] =	sbarrier.arrive $0xFFFF  }
0x26b: {  	p0 =	sne.s32 s0, $0x0;
	s0 =	rddreg [dreg:$0x9]  }
0x26c: {  	s0 =	sadd.s32 @!p0 $0x100000, s0  }
0x26d: {  	[sflag:s0] =	ssyncadd.tile.s32 @!p0 $0x1;
	_ =	shalt  }
.Lfunc_end2:
_tile_overlayer_lowered:
.L_overlay_start_2:
0x26e: {  	(tag) =	ssettag $0x2  }
0x26f: {  	s0 =	rddreg [dreg:$0x0];
	s2 =	stileid.u32  }
0x270: {  	s1 =	rddreg [dreg:$0x1];
	p0 =	sne.s32 s2, $0x0  }
0x271: {  	s3 =	rddreg [dreg:$0x2];
	[bflag:$0x3] =	sbarrier.arrive $0xFFFF;
	s2 =	simm.s32 @!p0 $0x1C06  }
0x272: {  	[timem:s3], [sflag:s2] =	dma.local @!p0 [hbm:s0], s1  }
0x273: {  	s0 =	simm.s32 @!p0 $0x6  }
0x274: {  	_ =	swait.ge @!p0 [sflag:s0], s1  }
0x275: {  	s1 =	ssub.s32 @!p0 $0x0, s1;
	[sflag:s0] =	ssyncset.done @!p0 $0x0  }
0x276: {  	[sflag:s0] =	ssyncadd.s32 @!p0 s1  }
0x277: {  	[bflag:$0x3] =	sbarrier.arrive $0xFFFF  }
0x278: {  	_ =	shalt  }

</sc_bundles>
